<compile_context>
chip_gen: v7x
topology: tpu7x:2x2x1
jax: 0.10.2.dev20260603
libtpu: 0.0.44.dev20260713+nightly
codegen_flags: <defaults>
</compile_context>

<pallas_src>
import functools

import jax
import jax.numpy as jnp
from jax import lax
from jax.experimental import pallas as pl
from jax.experimental.pallas import tpu as pltpu
from jax.experimental.pallas import tpu_sc as plsc

CB = 1024
D = 32000
RB = 128
NRB = CB // RB
K = 5
TEMP = 0.1
NW = 32
DPAD = 32768
SRP = DPAD // 128
HB = 128


def _dist_kernel(l_ref, c_ref, idx_ref, w_ref, dist_ref, acc_ref):
    j = pl.program_id(0)
    l_blk = l_ref[...]
    c_blk = c_ref[...]
    dot = lax.dot_general(l_blk, c_blk, (((1,), (1,)), ((), ())),
                          preferred_element_type=jnp.float32)
    csq = c_blk * c_blk
    ones = jnp.ones((1, D), jnp.float32)
    c2 = lax.dot_general(ones, csq, (((1,), (1,)), ((), ())),
                         preferred_element_type=jnp.float32)
    l2 = jnp.sum(l_blk * l_blk, axis=1, keepdims=True)
    acc_ref[:, pl.ds(j * RB, RB)] = l2 + c2 - 2.0 * dot

    @pl.when(j == NRB - 1)
    def _():
        d2 = acc_ref[...]
        lane = lax.broadcasted_iota(jnp.int32, (16, CB), 1)
        out_lane = lax.broadcasted_iota(jnp.int32, (16, 128), 1)
        idx_acc = jnp.zeros((16, 128), jnp.int32)
        d2_acc = jnp.zeros((16, 128), jnp.float32)
        cur = d2
        for k in range(K):
            mv = jnp.min(cur, axis=1, keepdims=True)
            cand = jnp.where(cur == mv, lane, CB)
            mi = jnp.min(cand, axis=1, keepdims=True)
            idx_acc = jnp.where(out_lane == k, mi, idx_acc)
            d2_acc = jnp.where(out_lane == k, mv, d2_acc)
            cur = jnp.where(lane == mi, jnp.float32(3.0e38), cur)
        dist = jnp.sqrt(jnp.maximum(d2_acc, 1e-12))
        valid = out_lane < K
        logits = -dist / TEMP
        m = jnp.max(jnp.where(valid, logits, -3.0e38), axis=1, keepdims=True)
        e = jnp.where(valid, jnp.exp(logits - m), 0.0)
        w = e / jnp.sum(e, axis=1, keepdims=True)
        idx_ref[...] = idx_acc
        w_ref[...] = w
        dist_ref[...] = dist


def _distances_top5(latent_flat, codebook_flat):
    out_shapes = (
        jax.ShapeDtypeStruct((16, 128), jnp.int32),
        jax.ShapeDtypeStruct((16, 128), jnp.float32),
        jax.ShapeDtypeStruct((16, 128), jnp.float32),
    )
    return pl.pallas_call(
        _dist_kernel,
        grid=(NRB,),
        in_specs=[
            pl.BlockSpec((16, D), lambda j: (0, 0)),
            pl.BlockSpec((RB, D), lambda j: (j, 0)),
        ],
        out_specs=(
            pl.BlockSpec((16, 128), lambda j: (0, 0)),
            pl.BlockSpec((16, 128), lambda j: (0, 0)),
            pl.BlockSpec((16, 128), lambda j: (0, 0)),
        ),
        out_shape=out_shapes,
        scratch_shapes=[pltpu.VMEM((16, CB), jnp.float32)],
        compiler_params=pltpu.CompilerParams(
            dimension_semantics=("arbitrary",),
        ),
    )(latent_flat, codebook_flat)


def _gather_kernel(idx_ref, c_hbm, out_ref, sem):
    copies = []
    for i in range(16 * K):
        cp = pltpu.make_async_copy(
            c_hbm.at[pl.ds(idx_ref[i], 1)],
            out_ref.at[pl.ds(i, 1), pl.ds(0, D)],
            sem,
        )
        cp.start()
        copies.append(cp)
    out_ref[:, pl.ds(D, DPAD - D)] = jnp.zeros((16 * K, DPAD - D), jnp.float32)
    for cp in copies:
        cp.wait()


def _gather_rows(codebook_flat, idx_flat):
    grid_spec = pltpu.PrefetchScalarGridSpec(
        num_scalar_prefetch=1,
        grid=(1,),
        in_specs=[pl.BlockSpec(memory_space=pltpu.MemorySpace.HBM)],
        out_specs=pl.BlockSpec((16 * K, DPAD), lambda i, idx: (0, 0)),
        scratch_shapes=[pltpu.SemaphoreType.DMA],
    )
    return pl.pallas_call(
        _gather_kernel,
        grid_spec=grid_spec,
        out_shape=jax.ShapeDtypeStruct((16 * K, DPAD), jnp.float32),
    )(idx_flat, codebook_flat)


def _sc_wsum_body(table, wbc, out, w_v, rows_v, acc_v, sem):
    w = lax.axis_index("c") * 16 + lax.axis_index("s")
    b = w // 2
    h = w % 2
    pltpu.sync_copy(wbc.at[w], w_v)
    copies = [
        pltpu.async_copy(
            table.at[pl.ds(pl.multiple_of((b * K + k) * SRP + h * HB, 8), HB)],
            rows_v.at[k], sem)
        for k in range(K)
    ]
    for cp in copies:
        cp.wait()
    wv = [w_v[k] for k in range(K)]

    def body(r, carry):
        for u in range(8):
            c = u * 16
            a = rows_v[0, r, pl.ds(c, 16)] * wv[0]
            a = a + rows_v[1, r, pl.ds(c, 16)] * wv[1]
            a = a + rows_v[2, r, pl.ds(c, 16)] * wv[2]
            a = a + rows_v[3, r, pl.ds(c, 16)] * wv[3]
            a = a + rows_v[4, r, pl.ds(c, 16)] * wv[4]
            acc_v[r, pl.ds(c, 16)] = a
        return carry

    lax.fori_loop(0, HB, body, 0)
    pltpu.sync_copy(acc_v, out.at[pl.ds(w * HB, HB)])


@functools.lru_cache(maxsize=1)
def _sc_wsum_kernel():
    mesh = plsc.VectorSubcoreMesh(core_axis_name="c", subcore_axis_name="s")
    return pl.kernel(
        _sc_wsum_body,
        out_type=jax.ShapeDtypeStruct((NW * HB, 128), jnp.float32),
        mesh=mesh,
        scratch_types=[
            pltpu.VMEM((K, 16), jnp.float32),
            pltpu.VMEM((K, HB, 128), jnp.float32),
            pltpu.VMEM((HB, 128), jnp.float32),
            pltpu.SemaphoreType.DMA,
        ],
    )


def kernel(latent, codebook):
    B = latent.shape[0]
    latent_flat = latent.reshape(B, -1).astype(jnp.float32)
    codebook_flat = codebook.reshape(CB, -1).astype(jnp.float32)

    idx_pad, w_pad, dist_pad = _distances_top5(latent_flat, codebook_flat)

    idx5 = idx_pad[:, :K]
    main_indices = idx_pad[:, 0]
    main_distances = dist_pad[:, 0]

    g = _gather_rows(codebook_flat, idx5.reshape(16 * K))
    table = g.reshape(16 * K * SRP, 128)

    wbc = jnp.repeat(w_pad[:, :K], 2, axis=0)
    wbc = jnp.broadcast_to(wbc[:, :, None], (NW, K, 16))

    out = _sc_wsum_kernel()(table, wbc.astype(jnp.float32))
    qa = out.reshape(16, 2, HB, 128)
    quant = jnp.concatenate([qa[:, 0], qa[:, 1, : 250 - HB]], axis=1)
    quantized = quant.reshape(latent.shape).astype(latent.dtype)
    return quantized, main_indices, main_distances

# --- scband reference (transcript-rebuilt; emitter-appended) ---
"""Pipeline reference for scband-improved-audio-ddcmcodebook-2044404433531 (READ-ONLY COPY).

The authoritative reference and input builder live on the scoring server;
editing this copy changes nothing except your own understanding.
"""

import jax, jax.numpy as jnp
import numpy as np

CODEBOOK_SIZE = 1024
LATENT_SHAPE = (8, 250, 16)
TEMPERATURE = 0.1
BATCH = 16


def setup_inputs(seed: int = 0) -> dict:
    key = jax.random.key(seed)
    k1, k2 = jax.random.split(key)
    latent = jax.random.normal(k1, (BATCH,) + LATENT_SHAPE, dtype=jnp.float32)
    # registered buffer: codebook = randn(codebook_size, *latent_shape) * 0.5
    codebook = jax.random.normal(k2, (CODEBOOK_SIZE,) + LATENT_SHAPE, dtype=jnp.float32) * 0.5
    return {"latent": latent, "codebook": codebook}


def reference(latent, codebook):
    # soft_quantize_latent, vectorized but mathematically identical
    B = latent.shape[0]
    latent_flat = latent.reshape(B, -1).astype(jnp.float32)
    codebook_flat = codebook.reshape(CODEBOOK_SIZE, -1).astype(jnp.float32)
    # torch.cdist(p=2): Euclidean distance matrix [B, codebook_size]
    d2 = (
        jnp.sum(latent_flat ** 2, axis=1, keepdims=True)
        + jnp.sum(codebook_flat ** 2, axis=1)[None, :]
        - 2.0 * latent_flat @ codebook_flat.T
    )
    distances = jnp.sqrt(jnp.maximum(d2, 1e-12))
    k = min(5, CODEBOOK_SIZE)
    # topk smallest distances
    neg_vals, top_k_indices = jax.lax.top_k(-distances, k)
    top_k_distances = -neg_vals
    weights = jax.nn.softmax(-top_k_distances / TEMPERATURE, axis=1)
    # weighted sum of gathered codebook entries
    gathered = jnp.take(codebook_flat, top_k_indices, axis=0)  # [B, k, D]
    quantized_flat = jnp.einsum('bk,bkd->bd', weights, gathered)
    quantized = quantized_flat.reshape(latent.shape).astype(latent.dtype)
    main_indices = top_k_indices[:, 0]
    main_distances = top_k_distances[:, 0]
    return quantized, main_indices, main_distances

if __name__ == "__main__":
    import jax
    _d = setup_inputs()
    print(jax.jit(kernel)(*tuple(_d.values())))

</pallas_src>

<mosaic_0001>
#map = affine_map<(d0, d1) -> (0, 0)>
#map1 = affine_map<(d0, d1) -> (0, 0, 0)>
module attributes {stable_mosaic.version = 14 : i64} {
  func.func @_sc_wsum_body(%arg0: i32, %arg1: i32, %arg2: memref<20480x128xf32, #tpu.memory_space<hbm>>, %arg3: memref<32x5x16xf32, #tpu.memory_space<hbm>>, %arg4: memref<4096x128xf32, #tpu.memory_space<hbm>>, %arg5: memref<5x16xf32, #tpu.memory_space<vmem>>, %arg6: memref<5x128x128xf32, #tpu.memory_space<vmem>>, %arg7: memref<128x128xf32, #tpu.memory_space<vmem>>, %arg8: memref<!tpu.dma_semaphore, #tpu.memory_space<semaphore_mem>>) attributes {dimension_semantics = [#tpu.dimension_semantics<core_parallel>, #tpu.dimension_semantics<subcore_parallel>], iteration_bounds = array<i64: 2, 16>, scalar_prefetch = 0 : i64, scratch_operands = 4 : i64, tpu.core_type = #tpu.core_type<sc_vector_subcore>, window_params = [{transform_indices = #map}, {transform_indices = #map1}, {transform_indices = #map}]} {
    %mul3A = arith.constant 16 : i32
    %mul3A_0 = arith.muli %arg0, %mul3A : i32
    %add3A = arith.addi %mul3A_0, %arg1 : i32
    %jit3A = arith.constant 2 : i32
    %div3A = arith.divsi %add3A, %jit3A : i32
    %sign3A = arith.constant 0 : i32
    %sign3A_1 = arith.cmpi sgt, %add3A, %sign3A : i32
    %sign3A_2 = arith.extui %sign3A_1 : i1 to i32
    %sign3A_3 = arith.constant 0 : i32
    %sign3A_4 = arith.cmpi slt, %add3A, %sign3A_3 : i32
    %sign3A_5 = arith.extui %sign3A_4 : i1 to i32
    %sign3A_6 = arith.subi %sign3A_2, %sign3A_5 : i32
    %sign3A_7 = arith.constant 0 : i32
    %sign3A_8 = arith.cmpi sgt, %jit3A, %sign3A_7 : i32
    %sign3A_9 = arith.extui %sign3A_8 : i1 to i32
    %sign3A_10 = arith.constant 0 : i32
    %sign3A_11 = arith.cmpi slt, %jit3A, %sign3A_10 : i32
    %sign3A_12 = arith.extui %sign3A_11 : i1 to i32
    %sign3A_13 = arith.subi %sign3A_9, %sign3A_12 : i32
    %ne3A = arith.cmpi ne, %sign3A_6, %sign3A_13 : i32
    %rem3A = arith.remsi %add3A, %jit3A : i32
    %ne3A_14 = arith.constant 0 : i32
    %ne3A_15 = arith.cmpi ne, %rem3A, %ne3A_14 : i32
    %and3A = arith.andi %ne3A, %ne3A_15 : i1
    %sub3A = arith.constant 1 : i32
    %sub3A_16 = arith.subi %div3A, %sub3A : i32
    %select_n3A = arith.select %and3A, %sub3A_16, %div3A : i32
    %jit3A_17 = arith.constant 2 : i32
    %eq3A = arith.constant 0 : i32
    %eq3A_18 = arith.cmpi eq, %jit3A_17, %eq3A : i32
    %jit3A_19 = arith.constant 1 : i32
    %select_n3A_20 = arith.select %eq3A_18, %jit3A_19, %jit3A_17 : i32
    %rem3A_21 = arith.remsi %add3A, %select_n3A_20 : i32
    %ne3A_22 = arith.constant 0 : i32
    %ne3A_23 = arith.cmpi ne, %rem3A_21, %ne3A_22 : i32
    %lt3A = arith.constant 0 : i32
    %lt3A_24 = arith.cmpi slt, %rem3A_21, %lt3A : i32
    %lt3A_25 = arith.constant 0 : i32
    %lt3A_26 = arith.cmpi slt, %select_n3A_20, %lt3A_25 : i32
    %ne3A_27 = arith.xori %lt3A_24, %lt3A_26 : i1
    %and3A_28 = arith.andi %ne3A_27, %ne3A_23 : i1
    %add3A_29 = arith.addi %rem3A_21, %select_n3A_20 : i32
    %select_n3A_30 = arith.select %and3A_28, %add3A_29, %rem3A_21 : i32
    "tpu.region"() ({
      %run_scoped3A = tpu.sem_alloc : memref<!tpu.dma_semaphore, #tpu.memory_space<semaphore_mem>>
      %dma_start3A_239 = arith.constant 0 : i32
      %dma_start3A_240 = arith.constant 0 : i32
      %dma_start3A_241 = tpu.memref_slice %arg3[%add3A, %dma_start3A_239, %dma_start3A_240] : memref<32x5x16xf32, #tpu.memory_space<hbm>> -> memref<1x5x16xf32, #tpu.memory_space<hbm>>
      %dma_start3A_242 = tpu.memref_squeeze %dma_start3A_241 : memref<1x5x16xf32, #tpu.memory_space<hbm>> -> memref<5x16xf32, #tpu.memory_space<hbm>>
      %dma_start3A_243 = arith.constant 0 : i32
      %dma_start3A_244 = arith.constant 0 : i32
      %dma_start3A_245 = tpu.memref_slice %arg3[%add3A, %dma_start3A_243, %dma_start3A_244] : memref<32x5x16xf32, #tpu.memory_space<hbm>> -> memref<1x5x16xf32, #tpu.memory_space<hbm>>
      %dma_start3A_246 = tpu.memref_squeeze %dma_start3A_245 : memref<1x5x16xf32, #tpu.memory_space<hbm>> -> memref<5x16xf32, #tpu.memory_space<hbm>>
      tpu.enqueue_dma source(%dma_start3A_246 : memref<5x16xf32, #tpu.memory_space<hbm>>) target(%arg5 : memref<5x16xf32, #tpu.memory_space<vmem>>) target_semaphore(%run_scoped3A : memref<!tpu.dma_semaphore, #tpu.memory_space<semaphore_mem>>)
      %dma_wait3A_247 = arith.constant 0 : i32
      %dma_wait3A_248 = arith.constant 0 : i32
      %dma_wait3A_249 = tpu.memref_slice %arg3[%add3A, %dma_wait3A_247, %dma_wait3A_248] : memref<32x5x16xf32, #tpu.memory_space<hbm>> -> memref<1x5x16xf32, #tpu.memory_space<hbm>>
      %dma_wait3A_250 = tpu.memref_squeeze %dma_wait3A_249 : memref<1x5x16xf32, #tpu.memory_space<hbm>> -> memref<5x16xf32, #tpu.memory_space<hbm>>
      %dma_wait3A_251 = arith.constant 0 : i32
      %dma_wait3A_252 = arith.constant 0 : i32
      %dma_wait3A_253 = tpu.memref_slice %arg3[%add3A, %dma_wait3A_251, %dma_wait3A_252] : memref<32x5x16xf32, #tpu.memory_space<hbm>> -> memref<1x5x16xf32, #tpu.memory_space<hbm>>
      %dma_wait3A_254 = tpu.memref_squeeze %dma_wait3A_253 : memref<1x5x16xf32, #tpu.memory_space<hbm>> -> memref<5x16xf32, #tpu.memory_space<hbm>>
      tpu.wait_dma2 semaphore(%run_scoped3A : memref<!tpu.dma_semaphore, #tpu.memory_space<semaphore_mem>>) src(%dma_wait3A_254 : memref<5x16xf32, #tpu.memory_space<hbm>>) dst(%arg5 : memref<5x16xf32, #tpu.memory_space<vmem>>)
      tpu.yield
    }) : () -> ()
    %mul3A_31 = arith.constant 5 : i32
    %mul3A_32 = arith.muli %select_n3A, %mul3A_31 : i32
    %add3A_33 = arith.constant 0 : i32
    %add3A_34 = arith.addi %mul3A_32, %add3A_33 : i32
    %mul3A_35 = arith.constant 256 : i32
    %mul3A_36 = arith.muli %add3A_34, %mul3A_35 : i32
    %mul3A_37 = arith.constant 128 : i32
    %mul3A_38 = arith.muli %select_n3A_30, %mul3A_37 : i32
    %add3A_39 = arith.addi %mul3A_36, %mul3A_38 : i32
    %multiple_of3A = tpu.assume_multiple %add3A_39, 8 : i32
    %dma_start3A = arith.constant 0 : i32
    %dma_start3A_40 = arith.constant 0 : i32
    %dma_start3A_41 = arith.constant 0 : i32
    %dma_start3A_42 = tpu.memref_slice %arg6[%dma_start3A, %dma_start3A_40, %dma_start3A_41] : memref<5x128x128xf32, #tpu.memory_space<vmem>> -> memref<1x128x128xf32, #tpu.memory_space<vmem>>
    %dma_start3A_43 = tpu.memref_squeeze %dma_start3A_42 : memref<1x128x128xf32, #tpu.memory_space<vmem>> -> memref<128x128xf32, #tpu.memory_space<vmem>>
    %dma_start3A_44 = arith.constant 0 : i32
    %dma_start3A_45 = tpu.memref_slice %arg2[%multiple_of3A, %dma_start3A_44] : memref<20480x128xf32, #tpu.memory_space<hbm>> -> memref<128x128xf32, #tpu.memory_space<hbm>>
    %dma_start3A_46 = arith.constant 0 : i32
    %dma_start3A_47 = arith.constant 0 : i32
    %dma_start3A_48 = tpu.memref_slice %arg6[%dma_start3A, %dma_start3A_46, %dma_start3A_47] : memref<5x128x128xf32, #tpu.memory_space<vmem>> -> memref<1x128x128xf32, #tpu.memory_space<vmem>>
    %dma_start3A_49 = tpu.memref_squeeze %dma_start3A_48 : memref<1x128x128xf32, #tpu.memory_space<vmem>> -> memref<128x128xf32, #tpu.memory_space<vmem>>
    %dma_start3A_50 = arith.constant 0 : i32
    %dma_start3A_51 = tpu.memref_slice %arg2[%multiple_of3A, %dma_start3A_50] : memref<20480x128xf32, #tpu.memory_space<hbm>> -> memref<128x128xf32, #tpu.memory_space<hbm>>
    tpu.enqueue_dma source(%dma_start3A_51 : memref<128x128xf32, #tpu.memory_space<hbm>>) target(%dma_start3A_49 : memref<128x128xf32, #tpu.memory_space<vmem>>) target_semaphore(%arg8 : memref<!tpu.dma_semaphore, #tpu.memory_space<semaphore_mem>>)
    %mul3A_52 = arith.constant 5 : i32
    %mul3A_53 = arith.muli %select_n3A, %mul3A_52 : i32
    %add3A_54 = arith.constant 1 : i32
    %add3A_55 = arith.addi %mul3A_53, %add3A_54 : i32
    %mul3A_56 = arith.constant 256 : i32
    %mul3A_57 = arith.muli %add3A_55, %mul3A_56 : i32
    %mul3A_58 = arith.constant 128 : i32
    %mul3A_59 = arith.muli %select_n3A_30, %mul3A_58 : i32
    %add3A_60 = arith.addi %mul3A_57, %mul3A_59 : i32
    %multiple_of3A_61 = tpu.assume_multiple %add3A_60, 8 : i32
    %dma_start3A_62 = arith.constant 1 : i32
    %dma_start3A_63 = arith.constant 0 : i32
    %dma_start3A_64 = arith.constant 0 : i32
    %dma_start3A_65 = tpu.memref_slice %arg6[%dma_start3A_62, %dma_start3A_63, %dma_start3A_64] : memref<5x128x128xf32, #tpu.memory_space<vmem>> -> memref<1x128x128xf32, #tpu.memory_space<vmem>>
    %dma_start3A_66 = tpu.memref_squeeze %dma_start3A_65 : memref<1x128x128xf32, #tpu.memory_space<vmem>> -> memref<128x128xf32, #tpu.memory_space<vmem>>
    %dma_start3A_67 = arith.constant 0 : i32
    %dma_start3A_68 = tpu.memref_slice %arg2[%multiple_of3A_61, %dma_start3A_67] : memref<20480x128xf32, #tpu.memory_space<hbm>> -> memref<128x128xf32, #tpu.memory_space<hbm>>
    %dma_start3A_69 = arith.constant 0 : i32
    %dma_start3A_70 = arith.constant 0 : i32
    %dma_start3A_71 = tpu.memref_slice %arg6[%dma_start3A_62, %dma_start3A_69, %dma_start3A_70] : memref<5x128x128xf32, #tpu.memory_space<vmem>> -> memref<1x128x128xf32, #tpu.memory_space<vmem>>
    %dma_start3A_72 = tpu.memref_squeeze %dma_start3A_71 : memref<1x128x128xf32, #tpu.memory_space<vmem>> -> memref<128x128xf32, #tpu.memory_space<vmem>>
    %dma_start3A_73 = arith.constant 0 : i32
    %dma_start3A_74 = tpu.memref_slice %arg2[%multiple_of3A_61, %dma_start3A_73] : memref<20480x128xf32, #tpu.memory_space<hbm>> -> memref<128x128xf32, #tpu.memory_space<hbm>>
    tpu.enqueue_dma source(%dma_start3A_74 : memref<128x128xf32, #tpu.memory_space<hbm>>) target(%dma_start3A_72 : memref<128x128xf32, #tpu.memory_space<vmem>>) target_semaphore(%arg8 : memref<!tpu.dma_semaphore, #tpu.memory_space<semaphore_mem>>)
    %mul3A_75 = arith.constant 5 : i32
    %mul3A_76 = arith.muli %select_n3A, %mul3A_75 : i32
    %add3A_77 = arith.constant 2 : i32
    %add3A_78 = arith.addi %mul3A_76, %add3A_77 : i32
    %mul3A_79 = arith.constant 256 : i32
    %mul3A_80 = arith.muli %add3A_78, %mul3A_79 : i32
    %mul3A_81 = arith.constant 128 : i32
    %mul3A_82 = arith.muli %select_n3A_30, %mul3A_81 : i32
    %add3A_83 = arith.addi %mul3A_80, %mul3A_82 : i32
    %multiple_of3A_84 = tpu.assume_multiple %add3A_83, 8 : i32
    %dma_start3A_85 = arith.constant 2 : i32
    %dma_start3A_86 = arith.constant 0 : i32
    %dma_start3A_87 = arith.constant 0 : i32
    %dma_start3A_88 = tpu.memref_slice %arg6[%dma_start3A_85, %dma_start3A_86, %dma_start3A_87] : memref<5x128x128xf32, #tpu.memory_space<vmem>> -> memref<1x128x128xf32, #tpu.memory_space<vmem>>
    %dma_start3A_89 = tpu.memref_squeeze %dma_start3A_88 : memref<1x128x128xf32, #tpu.memory_space<vmem>> -> memref<128x128xf32, #tpu.memory_space<vmem>>
    %dma_start3A_90 = arith.constant 0 : i32
    %dma_start3A_91 = tpu.memref_slice %arg2[%multiple_of3A_84, %dma_start3A_90] : memref<20480x128xf32, #tpu.memory_space<hbm>> -> memref<128x128xf32, #tpu.memory_space<hbm>>
    %dma_start3A_92 = arith.constant 0 : i32
    %dma_start3A_93 = arith.constant 0 : i32
    %dma_start3A_94 = tpu.memref_slice %arg6[%dma_start3A_85, %dma_start3A_92, %dma_start3A_93] : memref<5x128x128xf32, #tpu.memory_space<vmem>> -> memref<1x128x128xf32, #tpu.memory_space<vmem>>
    %dma_start3A_95 = tpu.memref_squeeze %dma_start3A_94 : memref<1x128x128xf32, #tpu.memory_space<vmem>> -> memref<128x128xf32, #tpu.memory_space<vmem>>
    %dma_start3A_96 = arith.constant 0 : i32
    %dma_start3A_97 = tpu.memref_slice %arg2[%multiple_of3A_84, %dma_start3A_96] : memref<20480x128xf32, #tpu.memory_space<hbm>> -> memref<128x128xf32, #tpu.memory_space<hbm>>
    tpu.enqueue_dma source(%dma_start3A_97 : memref<128x128xf32, #tpu.memory_space<hbm>>) target(%dma_start3A_95 : memref<128x128xf32, #tpu.memory_space<vmem>>) target_semaphore(%arg8 : memref<!tpu.dma_semaphore, #tpu.memory_space<semaphore_mem>>)
    %mul3A_98 = arith.constant 5 : i32
    %mul3A_99 = arith.muli %select_n3A, %mul3A_98 : i32
    %add3A_100 = arith.constant 3 : i32
    %add3A_101 = arith.addi %mul3A_99, %add3A_100 : i32
    %mul3A_102 = arith.constant 256 : i32
    %mul3A_103 = arith.muli %add3A_101, %mul3A_102 : i32
    %mul3A_104 = arith.constant 128 : i32
    %mul3A_105 = arith.muli %select_n3A_30, %mul3A_104 : i32
    %add3A_106 = arith.addi %mul3A_103, %mul3A_105 : i32
    %multiple_of3A_107 = tpu.assume_multiple %add3A_106, 8 : i32
    %dma_start3A_108 = arith.constant 3 : i32
    %dma_start3A_109 = arith.constant 0 : i32
    %dma_start3A_110 = arith.constant 0 : i32
    %dma_start3A_111 = tpu.memref_slice %arg6[%dma_start3A_108, %dma_start3A_109, %dma_start3A_110] : memref<5x128x128xf32, #tpu.memory_space<vmem>> -> memref<1x128x128xf32, #tpu.memory_space<vmem>>
    %dma_start3A_112 = tpu.memref_squeeze %dma_start3A_111 : memref<1x128x128xf32, #tpu.memory_space<vmem>> -> memref<128x128xf32, #tpu.memory_space<vmem>>
    %dma_start3A_113 = arith.constant 0 : i32
    %dma_start3A_114 = tpu.memref_slice %arg2[%multiple_of3A_107, %dma_start3A_113] : memref<20480x128xf32, #tpu.memory_space<hbm>> -> memref<128x128xf32, #tpu.memory_space<hbm>>
    %dma_start3A_115 = arith.constant 0 : i32
    %dma_start3A_116 = arith.constant 0 : i32
    %dma_start3A_117 = tpu.memref_slice %arg6[%dma_start3A_108, %dma_start3A_115, %dma_start3A_116] : memref<5x128x128xf32, #tpu.memory_space<vmem>> -> memref<1x128x128xf32, #tpu.memory_space<vmem>>
    %dma_start3A_118 = tpu.memref_squeeze %dma_start3A_117 : memref<1x128x128xf32, #tpu.memory_space<vmem>> -> memref<128x128xf32, #tpu.memory_space<vmem>>
    %dma_start3A_119 = arith.constant 0 : i32
    %dma_start3A_120 = tpu.memref_slice %arg2[%multiple_of3A_107, %dma_start3A_119] : memref<20480x128xf32, #tpu.memory_space<hbm>> -> memref<128x128xf32, #tpu.memory_space<hbm>>
    tpu.enqueue_dma source(%dma_start3A_120 : memref<128x128xf32, #tpu.memory_space<hbm>>) target(%dma_start3A_118 : memref<128x128xf32, #tpu.memory_space<vmem>>) target_semaphore(%arg8 : memref<!tpu.dma_semaphore, #tpu.memory_space<semaphore_mem>>)
    %mul3A_121 = arith.constant 5 : i32
    %mul3A_122 = arith.muli %select_n3A, %mul3A_121 : i32
    %add3A_123 = arith.constant 4 : i32
    %add3A_124 = arith.addi %mul3A_122, %add3A_123 : i32
    %mul3A_125 = arith.constant 256 : i32
    %mul3A_126 = arith.muli %add3A_124, %mul3A_125 : i32
    %mul3A_127 = arith.constant 128 : i32
    %mul3A_128 = arith.muli %select_n3A_30, %mul3A_127 : i32
    %add3A_129 = arith.addi %mul3A_126, %mul3A_128 : i32
    %multiple_of3A_130 = tpu.assume_multiple %add3A_129, 8 : i32
    %dma_start3A_131 = arith.constant 4 : i32
    %dma_start3A_132 = arith.constant 0 : i32
    %dma_start3A_133 = arith.constant 0 : i32
    %dma_start3A_134 = tpu.memref_slice %arg6[%dma_start3A_131, %dma_start3A_132, %dma_start3A_133] : memref<5x128x128xf32, #tpu.memory_space<vmem>> -> memref<1x128x128xf32, #tpu.memory_space<vmem>>
    %dma_start3A_135 = tpu.memref_squeeze %dma_start3A_134 : memref<1x128x128xf32, #tpu.memory_space<vmem>> -> memref<128x128xf32, #tpu.memory_space<vmem>>
    %dma_start3A_136 = arith.constant 0 : i32
    %dma_start3A_137 = tpu.memref_slice %arg2[%multiple_of3A_130, %dma_start3A_136] : memref<20480x128xf32, #tpu.memory_space<hbm>> -> memref<128x128xf32, #tpu.memory_space<hbm>>
    %dma_start3A_138 = arith.constant 0 : i32
    %dma_start3A_139 = arith.constant 0 : i32
    %dma_start3A_140 = tpu.memref_slice %arg6[%dma_start3A_131, %dma_start3A_138, %dma_start3A_139] : memref<5x128x128xf32, #tpu.memory_space<vmem>> -> memref<1x128x128xf32, #tpu.memory_space<vmem>>
    %dma_start3A_141 = tpu.memref_squeeze %dma_start3A_140 : memref<1x128x128xf32, #tpu.memory_space<vmem>> -> memref<128x128xf32, #tpu.memory_space<vmem>>
    %dma_start3A_142 = arith.constant 0 : i32
    %dma_start3A_143 = tpu.memref_slice %arg2[%multiple_of3A_130, %dma_start3A_142] : memref<20480x128xf32, #tpu.memory_space<hbm>> -> memref<128x128xf32, #tpu.memory_space<hbm>>
    tpu.enqueue_dma source(%dma_start3A_143 : memref<128x128xf32, #tpu.memory_space<hbm>>) target(%dma_start3A_141 : memref<128x128xf32, #tpu.memory_space<vmem>>) target_semaphore(%arg8 : memref<!tpu.dma_semaphore, #tpu.memory_space<semaphore_mem>>)
    %dma_wait3A = arith.constant 0 : i32
    %dma_wait3A_144 = arith.constant 0 : i32
    %dma_wait3A_145 = arith.constant 0 : i32
    %dma_wait3A_146 = tpu.memref_slice %arg6[%dma_wait3A, %dma_wait3A_144, %dma_wait3A_145] : memref<5x128x128xf32, #tpu.memory_space<vmem>> -> memref<1x128x128xf32, #tpu.memory_space<vmem>>
    %dma_wait3A_147 = tpu.memref_squeeze %dma_wait3A_146 : memref<1x128x128xf32, #tpu.memory_space<vmem>> -> memref<128x128xf32, #tpu.memory_space<vmem>>
    %dma_wait3A_148 = arith.constant 0 : i32
    %dma_wait3A_149 = tpu.memref_slice %arg2[%multiple_of3A, %dma_wait3A_148] : memref<20480x128xf32, #tpu.memory_space<hbm>> -> memref<128x128xf32, #tpu.memory_space<hbm>>
    %dma_wait3A_150 = arith.constant 0 : i32
    %dma_wait3A_151 = arith.constant 0 : i32
    %dma_wait3A_152 = tpu.memref_slice %arg6[%dma_wait3A, %dma_wait3A_150, %dma_wait3A_151] : memref<5x128x128xf32, #tpu.memory_space<vmem>> -> memref<1x128x128xf32, #tpu.memory_space<vmem>>
    %dma_wait3A_153 = tpu.memref_squeeze %dma_wait3A_152 : memref<1x128x128xf32, #tpu.memory_space<vmem>> -> memref<128x128xf32, #tpu.memory_space<vmem>>
    %dma_wait3A_154 = arith.constant 0 : i32
    %dma_wait3A_155 = tpu.memref_slice %arg2[%multiple_of3A, %dma_wait3A_154] : memref<20480x128xf32, #tpu.memory_space<hbm>> -> memref<128x128xf32, #tpu.memory_space<hbm>>
    tpu.wait_dma2 semaphore(%arg8 : memref<!tpu.dma_semaphore, #tpu.memory_space<semaphore_mem>>) src(%dma_wait3A_155 : memref<128x128xf32, #tpu.memory_space<hbm>>) dst(%dma_wait3A_153 : memref<128x128xf32, #tpu.memory_space<vmem>>)
    %dma_wait3A_156 = arith.constant 1 : i32
    %dma_wait3A_157 = arith.constant 0 : i32
    %dma_wait3A_158 = arith.constant 0 : i32
    %dma_wait3A_159 = tpu.memref_slice %arg6[%dma_wait3A_156, %dma_wait3A_157, %dma_wait3A_158] : memref<5x128x128xf32, #tpu.memory_space<vmem>> -> memref<1x128x128xf32, #tpu.memory_space<vmem>>
    %dma_wait3A_160 = tpu.memref_squeeze %dma_wait3A_159 : memref<1x128x128xf32, #tpu.memory_space<vmem>> -> memref<128x128xf32, #tpu.memory_space<vmem>>
    %dma_wait3A_161 = arith.constant 0 : i32
    %dma_wait3A_162 = tpu.memref_slice %arg2[%multiple_of3A_61, %dma_wait3A_161] : memref<20480x128xf32, #tpu.memory_space<hbm>> -> memref<128x128xf32, #tpu.memory_space<hbm>>
    %dma_wait3A_163 = arith.constant 0 : i32
    %dma_wait3A_164 = arith.constant 0 : i32
    %dma_wait3A_165 = tpu.memref_slice %arg6[%dma_wait3A_156, %dma_wait3A_163, %dma_wait3A_164] : memref<5x128x128xf32, #tpu.memory_space<vmem>> -> memref<1x128x128xf32, #tpu.memory_space<vmem>>
    %dma_wait3A_166 = tpu.memref_squeeze %dma_wait3A_165 : memref<1x128x128xf32, #tpu.memory_space<vmem>> -> memref<128x128xf32, #tpu.memory_space<vmem>>
    %dma_wait3A_167 = arith.constant 0 : i32
    %dma_wait3A_168 = tpu.memref_slice %arg2[%multiple_of3A_61, %dma_wait3A_167] : memref<20480x128xf32, #tpu.memory_space<hbm>> -> memref<128x128xf32, #tpu.memory_space<hbm>>
    tpu.wait_dma2 semaphore(%arg8 : memref<!tpu.dma_semaphore, #tpu.memory_space<semaphore_mem>>) src(%dma_wait3A_168 : memref<128x128xf32, #tpu.memory_space<hbm>>) dst(%dma_wait3A_166 : memref<128x128xf32, #tpu.memory_space<vmem>>)
    %dma_wait3A_169 = arith.constant 2 : i32
    %dma_wait3A_170 = arith.constant 0 : i32
    %dma_wait3A_171 = arith.constant 0 : i32
    %dma_wait3A_172 = tpu.memref_slice %arg6[%dma_wait3A_169, %dma_wait3A_170, %dma_wait3A_171] : memref<5x128x128xf32, #tpu.memory_space<vmem>> -> memref<1x128x128xf32, #tpu.memory_space<vmem>>
    %dma_wait3A_173 = tpu.memref_squeeze %dma_wait3A_172 : memref<1x128x128xf32, #tpu.memory_space<vmem>> -> memref<128x128xf32, #tpu.memory_space<vmem>>
    %dma_wait3A_174 = arith.constant 0 : i32
    %dma_wait3A_175 = tpu.memref_slice %arg2[%multiple_of3A_84, %dma_wait3A_174] : memref<20480x128xf32, #tpu.memory_space<hbm>> -> memref<128x128xf32, #tpu.memory_space<hbm>>
    %dma_wait3A_176 = arith.constant 0 : i32
    %dma_wait3A_177 = arith.constant 0 : i32
    %dma_wait3A_178 = tpu.memref_slice %arg6[%dma_wait3A_169, %dma_wait3A_176, %dma_wait3A_177] : memref<5x128x128xf32, #tpu.memory_space<vmem>> -> memref<1x128x128xf32, #tpu.memory_space<vmem>>
    %dma_wait3A_179 = tpu.memref_squeeze %dma_wait3A_178 : memref<1x128x128xf32, #tpu.memory_space<vmem>> -> memref<128x128xf32, #tpu.memory_space<vmem>>
    %dma_wait3A_180 = arith.constant 0 : i32
    %dma_wait3A_181 = tpu.memref_slice %arg2[%multiple_of3A_84, %dma_wait3A_180] : memref<20480x128xf32, #tpu.memory_space<hbm>> -> memref<128x128xf32, #tpu.memory_space<hbm>>
    tpu.wait_dma2 semaphore(%arg8 : memref<!tpu.dma_semaphore, #tpu.memory_space<semaphore_mem>>) src(%dma_wait3A_181 : memref<128x128xf32, #tpu.memory_space<hbm>>) dst(%dma_wait3A_179 : memref<128x128xf32, #tpu.memory_space<vmem>>)
    %dma_wait3A_182 = arith.constant 3 : i32
    %dma_wait3A_183 = arith.constant 0 : i32
    %dma_wait3A_184 = arith.constant 0 : i32
    %dma_wait3A_185 = tpu.memref_slice %arg6[%dma_wait3A_182, %dma_wait3A_183, %dma_wait3A_184] : memref<5x128x128xf32, #tpu.memory_space<vmem>> -> memref<1x128x128xf32, #tpu.memory_space<vmem>>
    %dma_wait3A_186 = tpu.memref_squeeze %dma_wait3A_185 : memref<1x128x128xf32, #tpu.memory_space<vmem>> -> memref<128x128xf32, #tpu.memory_space<vmem>>
    %dma_wait3A_187 = arith.constant 0 : i32
    %dma_wait3A_188 = tpu.memref_slice %arg2[%multiple_of3A_107, %dma_wait3A_187] : memref<20480x128xf32, #tpu.memory_space<hbm>> -> memref<128x128xf32, #tpu.memory_space<hbm>>
    %dma_wait3A_189 = arith.constant 0 : i32
    %dma_wait3A_190 = arith.constant 0 : i32
    %dma_wait3A_191 = tpu.memref_slice %arg6[%dma_wait3A_182, %dma_wait3A_189, %dma_wait3A_190] : memref<5x128x128xf32, #tpu.memory_space<vmem>> -> memref<1x128x128xf32, #tpu.memory_space<vmem>>
    %dma_wait3A_192 = tpu.memref_squeeze %dma_wait3A_191 : memref<1x128x128xf32, #tpu.memory_space<vmem>> -> memref<128x128xf32, #tpu.memory_space<vmem>>
    %dma_wait3A_193 = arith.constant 0 : i32
    %dma_wait3A_194 = tpu.memref_slice %arg2[%multiple_of3A_107, %dma_wait3A_193] : memref<20480x128xf32, #tpu.memory_space<hbm>> -> memref<128x128xf32, #tpu.memory_space<hbm>>
    tpu.wait_dma2 semaphore(%arg8 : memref<!tpu.dma_semaphore, #tpu.memory_space<semaphore_mem>>) src(%dma_wait3A_194 : memref<128x128xf32, #tpu.memory_space<hbm>>) dst(%dma_wait3A_192 : memref<128x128xf32, #tpu.memory_space<vmem>>)
    %dma_wait3A_195 = arith.constant 4 : i32
    %dma_wait3A_196 = arith.constant 0 : i32
    %dma_wait3A_197 = arith.constant 0 : i32
    %dma_wait3A_198 = tpu.memref_slice %arg6[%dma_wait3A_195, %dma_wait3A_196, %dma_wait3A_197] : memref<5x128x128xf32, #tpu.memory_space<vmem>> -> memref<1x128x128xf32, #tpu.memory_space<vmem>>
    %dma_wait3A_199 = tpu.memref_squeeze %dma_wait3A_198 : memref<1x128x128xf32, #tpu.memory_space<vmem>> -> memref<128x128xf32, #tpu.memory_space<vmem>>
    %dma_wait3A_200 = arith.constant 0 : i32
    %dma_wait3A_201 = tpu.memref_slice %arg2[%multiple_of3A_130, %dma_wait3A_200] : memref<20480x128xf32, #tpu.memory_space<hbm>> -> memref<128x128xf32, #tpu.memory_space<hbm>>
    %dma_wait3A_202 = arith.constant 0 : i32
    %dma_wait3A_203 = arith.constant 0 : i32
    %dma_wait3A_204 = tpu.memref_slice %arg6[%dma_wait3A_195, %dma_wait3A_202, %dma_wait3A_203] : memref<5x128x128xf32, #tpu.memory_space<vmem>> -> memref<1x128x128xf32, #tpu.memory_space<vmem>>
    %dma_wait3A_205 = tpu.memref_squeeze %dma_wait3A_204 : memref<1x128x128xf32, #tpu.memory_space<vmem>> -> memref<128x128xf32, #tpu.memory_space<vmem>>
    %dma_wait3A_206 = arith.constant 0 : i32
    %dma_wait3A_207 = tpu.memref_slice %arg2[%multiple_of3A_130, %dma_wait3A_206] : memref<20480x128xf32, #tpu.memory_space<hbm>> -> memref<128x128xf32, #tpu.memory_space<hbm>>
    tpu.wait_dma2 semaphore(%arg8 : memref<!tpu.dma_semaphore, #tpu.memory_space<semaphore_mem>>) src(%dma_wait3A_207 : memref<128x128xf32, #tpu.memory_space<hbm>>) dst(%dma_wait3A_205 : memref<128x128xf32, #tpu.memory_space<vmem>>)
    %get3A = arith.constant 0 : i32
    %get3A_208 = arith.index_cast %get3A : i32 to index
    %get3A_209 = arith.constant 0 : index
    %get3A_210 = tpu.vector_load %arg5[%get3A_208, %get3A_209] {strides = array<i32>} : memref<5x16xf32, #tpu.memory_space<vmem>>, vector<1x16xf32>,
    %get3A_211 = vector.shape_cast %get3A_210 : vector<1x16xf32> to vector<16xf32>
    %get3A_212 = arith.constant 1 : i32
    %get3A_213 = arith.index_cast %get3A_212 : i32 to index
    %get3A_214 = arith.constant 0 : index
    %get3A_215 = tpu.vector_load %arg5[%get3A_213, %get3A_214] {strides = array<i32>} : memref<5x16xf32, #tpu.memory_space<vmem>>, vector<1x16xf32>,
    %get3A_216 = vector.shape_cast %get3A_215 : vector<1x16xf32> to vector<16xf32>
    %get3A_217 = arith.constant 2 : i32
    %get3A_218 = arith.index_cast %get3A_217 : i32 to index
    %get3A_219 = arith.constant 0 : index
    %get3A_220 = tpu.vector_load %arg5[%get3A_218, %get3A_219] {strides = array<i32>} : memref<5x16xf32, #tpu.memory_space<vmem>>, vector<1x16xf32>,
    %get3A_221 = vector.shape_cast %get3A_220 : vector<1x16xf32> to vector<16xf32>
    %get3A_222 = arith.constant 3 : i32
    %get3A_223 = arith.index_cast %get3A_222 : i32 to index
    %get3A_224 = arith.constant 0 : index
    %get3A_225 = tpu.vector_load %arg5[%get3A_223, %get3A_224] {strides = array<i32>} : memref<5x16xf32, #tpu.memory_space<vmem>>, vector<1x16xf32>,
    %get3A_226 = vector.shape_cast %get3A_225 : vector<1x16xf32> to vector<16xf32>
    %get3A_227 = arith.constant 4 : i32
    %get3A_228 = arith.index_cast %get3A_227 : i32 to index
    %get3A_229 = arith.constant 0 : index
    %get3A_230 = tpu.vector_load %arg5[%get3A_228, %get3A_229] {strides = array<i32>} : memref<5x16xf32, #tpu.memory_space<vmem>>, vector<1x16xf32>,
    %get3A_231 = vector.shape_cast %get3A_230 : vector<1x16xf32> to vector<16xf32>
    %scan3A = arith.constant 0 : i32
    %scan3A_232 = arith.constant 0 : i32
    %scan3A_233 = arith.constant 128 : i32
    %scan3A_234 = arith.addi %scan3A_232, %scan3A_233 : i32
    %scan3A_235 = arith.constant 1 : i32
    scf.for %scan3A_239 = %scan3A_232 to %scan3A_234 step %scan3A_235  : i32 {
      %get3A_240 = arith.constant 0 : i32
      %get3A_241 = arith.index_cast %get3A_240 : i32 to index
      %get3A_242 = arith.index_cast %scan3A_239 : i32 to index
      %get3A_243 = arith.constant 0 : index
      %get3A_244 = tpu.vector_load %arg6[%get3A_241, %get3A_242, %get3A_243] {strides = array<i32>} : memref<5x128x128xf32, #tpu.memory_space<vmem>>, vector<1x1x16xf32>,
      %get3A_245 = vector.shape_cast %get3A_244 : vector<1x1x16xf32> to vector<16xf32>
      %mul3A_246 = arith.mulf %get3A_245, %get3A_211 : vector<16xf32>
      %get3A_247 = arith.constant 1 : i32
      %get3A_248 = arith.index_cast %get3A_247 : i32 to index
      %get3A_249 = arith.index_cast %scan3A_239 : i32 to index
      %get3A_250 = arith.constant 0 : index
      %get3A_251 = tpu.vector_load %arg6[%get3A_248, %get3A_249, %get3A_250] {strides = array<i32>} : memref<5x128x128xf32, #tpu.memory_space<vmem>>, vector<1x1x16xf32>,
      %get3A_252 = vector.shape_cast %get3A_251 : vector<1x1x16xf32> to vector<16xf32>
      %mul3A_253 = arith.mulf %get3A_252, %get3A_216 : vector<16xf32>
      %add3A_254 = arith.addf %mul3A_246, %mul3A_253 : vector<16xf32>
      %get3A_255 = arith.constant 2 : i32
      %get3A_256 = arith.index_cast %get3A_255 : i32 to index
      %get3A_257 = arith.index_cast %scan3A_239 : i32 to index
      %get3A_258 = arith.constant 0 : index
      %get3A_259 = tpu.vector_load %arg6[%get3A_256, %get3A_257, %get3A_258] {strides = array<i32>} : memref<5x128x128xf32, #tpu.memory_space<vmem>>, vector<1x1x16xf32>,
      %get3A_260 = vector.shape_cast %get3A_259 : vector<1x1x16xf32> to vector<16xf32>
      %mul3A_261 = arith.mulf %get3A_260, %get3A_221 : vector<16xf32>
      %add3A_262 = arith.addf %add3A_254, %mul3A_261 : vector<16xf32>
      %get3A_263 = arith.constant 3 : i32
      %get3A_264 = arith.index_cast %get3A_263 : i32 to index
      %get3A_265 = arith.index_cast %scan3A_239 : i32 to index
      %get3A_266 = arith.constant 0 : index
      %get3A_267 = tpu.vector_load %arg6[%get3A_264, %get3A_265, %get3A_266] {strides = array<i32>} : memref<5x128x128xf32, #tpu.memory_space<vmem>>, vector<1x1x16xf32>,
      %get3A_268 = vector.shape_cast %get3A_267 : vector<1x1x16xf32> to vector<16xf32>
      %mul3A_269 = arith.mulf %get3A_268, %get3A_226 : vector<16xf32>
      %add3A_270 = arith.addf %add3A_262, %mul3A_269 : vector<16xf32>
      %get3A_271 = arith.constant 4 : i32
      %get3A_272 = arith.index_cast %get3A_271 : i32 to index
      %get3A_273 = arith.index_cast %scan3A_239 : i32 to index
      %get3A_274 = arith.constant 0 : index
      %get3A_275 = tpu.vector_load %arg6[%get3A_272, %get3A_273, %get3A_274] {strides = array<i32>} : memref<5x128x128xf32, #tpu.memory_space<vmem>>, vector<1x1x16xf32>,
      %get3A_276 = vector.shape_cast %get3A_275 : vector<1x1x16xf32> to vector<16xf32>
      %mul3A_277 = arith.mulf %get3A_276, %get3A_231 : vector<16xf32>
      %add3A_278 = arith.addf %add3A_270, %mul3A_277 : vector<16xf32>
      %swap3A = arith.index_cast %scan3A_239 : i32 to index
      %swap3A_279 = arith.constant 0 : index
      %swap3A_280 = tpu.vector_load %arg7[%swap3A, %swap3A_279] {strides = array<i32>} : memref<128x128xf32, #tpu.memory_space<vmem>>, vector<1x16xf32>,
      %swap3A_281 = vector.shape_cast %swap3A_280 : vector<1x16xf32> to vector<16xf32>
      %swap3A_282 = vector.shape_cast %add3A_278 : vector<16xf32> to vector<1x16xf32>
      tpu.vector_store %arg7[%swap3A, %swap3A_279], %swap3A_282 {strides = array<i32>} : memref<128x128xf32, #tpu.memory_space<vmem>>, vector<1x16xf32>,
      %get3A_283 = arith.constant 0 : i32
      %get3A_284 = arith.index_cast %get3A_283 : i32 to index
      %get3A_285 = arith.index_cast %scan3A_239 : i32 to index
      %get3A_286 = arith.constant 16 : index
      %get3A_287 = tpu.vector_load %arg6[%get3A_284, %get3A_285, %get3A_286] {strides = array<i32>} : memref<5x128x128xf32, #tpu.memory_space<vmem>>, vector<1x1x16xf32>,
      %get3A_288 = vector.shape_cast %get3A_287 : vector<1x1x16xf32> to vector<16xf32>
      %mul3A_289 = arith.mulf %get3A_288, %get3A_211 : vector<16xf32>
      %get3A_290 = arith.constant 1 : i32
      %get3A_291 = arith.index_cast %get3A_290 : i32 to index
      %get3A_292 = arith.index_cast %scan3A_239 : i32 to index
      %get3A_293 = arith.constant 16 : index
      %get3A_294 = tpu.vector_load %arg6[%get3A_291, %get3A_292, %get3A_293] {strides = array<i32>} : memref<5x128x128xf32, #tpu.memory_space<vmem>>, vector<1x1x16xf32>,
      %get3A_295 = vector.shape_cast %get3A_294 : vector<1x1x16xf32> to vector<16xf32>
      %mul3A_296 = arith.mulf %get3A_295, %get3A_216 : vector<16xf32>
      %add3A_297 = arith.addf %mul3A_289, %mul3A_296 : vector<16xf32>
      %get3A_298 = arith.constant 2 : i32
      %get3A_299 = arith.index_cast %get3A_298 : i32 to index
      %get3A_300 = arith.index_cast %scan3A_239 : i32 to index
      %get3A_301 = arith.constant 16 : index
      %get3A_302 = tpu.vector_load %arg6[%get3A_299, %get3A_300, %get3A_301] {strides = array<i32>} : memref<5x128x128xf32, #tpu.memory_space<vmem>>, vector<1x1x16xf32>,
      %get3A_303 = vector.shape_cast %get3A_302 : vector<1x1x16xf32> to vector<16xf32>
      %mul3A_304 = arith.mulf %get3A_303, %get3A_221 : vector<16xf32>
      %add3A_305 = arith.addf %add3A_297, %mul3A_304 : vector<16xf32>
      %get3A_306 = arith.constant 3 : i32
      %get3A_307 = arith.index_cast %get3A_306 : i32 to index
      %get3A_308 = arith.index_cast %scan3A_239 : i32 to index
      %get3A_309 = arith.constant 16 : index
      %get3A_310 = tpu.vector_load %arg6[%get3A_307, %get3A_308, %get3A_309] {strides = array<i32>} : memref<5x128x128xf32, #tpu.memory_space<vmem>>, vector<1x1x16xf32>,
      %get3A_311 = vector.shape_cast %get3A_310 : vector<1x1x16xf32> to vector<16xf32>
      %mul3A_312 = arith.mulf %get3A_311, %get3A_226 : vector<16xf32>
      %add3A_313 = arith.addf %add3A_305, %mul3A_312 : vector<16xf32>
      %get3A_314 = arith.constant 4 : i32
      %get3A_315 = arith.index_cast %get3A_314 : i32 to index
      %get3A_316 = arith.index_cast %scan3A_239 : i32 to index
      %get3A_317 = arith.constant 16 : index
      %get3A_318 = tpu.vector_load %arg6[%get3A_315, %get3A_316, %get3A_317] {strides = array<i32>} : memref<5x128x128xf32, #tpu.memory_space<vmem>>, vector<1x1x16xf32>,
      %get3A_319 = vector.shape_cast %get3A_318 : vector<1x1x16xf32> to vector<16xf32>
      %mul3A_320 = arith.mulf %get3A_319, %get3A_231 : vector<16xf32>
      %add3A_321 = arith.addf %add3A_313, %mul3A_320 : vector<16xf32>
      %swap3A_322 = arith.index_cast %scan3A_239 : i32 to index
      %swap3A_323 = arith.constant 16 : index
      %swap3A_324 = tpu.vector_load %arg7[%swap3A_322, %swap3A_323] {strides = array<i32>} : memref<128x128xf32, #tpu.memory_space<vmem>>, vector<1x16xf32>,
      %swap3A_325 = vector.shape_cast %swap3A_324 : vector<1x16xf32> to vector<16xf32>
      %swap3A_326 = vector.shape_cast %add3A_321 : vector<16xf32> to vector<1x16xf32>
      tpu.vector_store %arg7[%swap3A_322, %swap3A_323], %swap3A_326 {strides = array<i32>} : memref<128x128xf32, #tpu.memory_space<vmem>>, vector<1x16xf32>,
      %get3A_327 = arith.constant 0 : i32
      %get3A_328 = arith.index_cast %get3A_327 : i32 to index
      %get3A_329 = arith.index_cast %scan3A_239 : i32 to index
      %get3A_330 = arith.constant 32 : index
      %get3A_331 = tpu.vector_load %arg6[%get3A_328, %get3A_329, %get3A_330] {strides = array<i32>} : memref<5x128x128xf32, #tpu.memory_space<vmem>>, vector<1x1x16xf32>,
      %get3A_332 = vector.shape_cast %get3A_331 : vector<1x1x16xf32> to vector<16xf32>
      %mul3A_333 = arith.mulf %get3A_332, %get3A_211 : vector<16xf32>
      %get3A_334 = arith.constant 1 : i32
      %get3A_335 = arith.index_cast %get3A_334 : i32 to index
      %get3A_336 = arith.index_cast %scan3A_239 : i32 to index
      %get3A_337 = arith.constant 32 : index
      %get3A_338 = tpu.vector_load %arg6[%get3A_335, %get3A_336, %get3A_337] {strides = array<i32>} : memref<5x128x128xf32, #tpu.memory_space<vmem>>, vector<1x1x16xf32>,
      %get3A_339 = vector.shape_cast %get3A_338 : vector<1x1x16xf32> to vector<16xf32>
      %mul3A_340 = arith.mulf %get3A_339, %get3A_216 : vector<16xf32>
      %add3A_341 = arith.addf %mul3A_333, %mul3A_340 : vector<16xf32>
      %get3A_342 = arith.constant 2 : i32
      %get3A_343 = arith.index_cast %get3A_342 : i32 to index
      %get3A_344 = arith.index_cast %scan3A_239 : i32 to index
      %get3A_345 = arith.constant 32 : index
      %get3A_346 = tpu.vector_load %arg6[%get3A_343, %get3A_344, %get3A_345] {strides = array<i32>} : memref<5x128x128xf32, #tpu.memory_space<vmem>>, vector<1x1x16xf32>,
      %get3A_347 = vector.shape_cast %get3A_346 : vector<1x1x16xf32> to vector<16xf32>
      %mul3A_348 = arith.mulf %get3A_347, %get3A_221 : vector<16xf32>
      %add3A_349 = arith.addf %add3A_341, %mul3A_348 : vector<16xf32>
      %get3A_350 = arith.constant 3 : i32
      %get3A_351 = arith.index_cast %get3A_350 : i32 to index
      %get3A_352 = arith.index_cast %scan3A_239 : i32 to index
      %get3A_353 = arith.constant 32 : index
      %get3A_354 = tpu.vector_load %arg6[%get3A_351, %get3A_352, %get3A_353] {strides = array<i32>} : memref<5x128x128xf32, #tpu.memory_space<vmem>>, vector<1x1x16xf32>,
      %get3A_355 = vector.shape_cast %get3A_354 : vector<1x1x16xf32> to vector<16xf32>
      %mul3A_356 = arith.mulf %get3A_355, %get3A_226 : vector<16xf32>
      %add3A_357 = arith.addf %add3A_349, %mul3A_356 : vector<16xf32>
      %get3A_358 = arith.constant 4 : i32
      %get3A_359 = arith.index_cast %get3A_358 : i32 to index
      %get3A_360 = arith.index_cast %scan3A_239 : i32 to index
      %get3A_361 = arith.constant 32 : index
      %get3A_362 = tpu.vector_load %arg6[%get3A_359, %get3A_360, %get3A_361] {strides = array<i32>} : memref<5x128x128xf32, #tpu.memory_space<vmem>>, vector<1x1x16xf32>,
      %get3A_363 = vector.shape_cast %get3A_362 : vector<1x1x16xf32> to vector<16xf32>
      %mul3A_364 = arith.mulf %get3A_363, %get3A_231 : vector<16xf32>
      %add3A_365 = arith.addf %add3A_357, %mul3A_364 : vector<16xf32>
      %swap3A_366 = arith.index_cast %scan3A_239 : i32 to index
      %swap3A_367 = arith.constant 32 : index
      %swap3A_368 = tpu.vector_load %arg7[%swap3A_366, %swap3A_367] {strides = array<i32>} : memref<128x128xf32, #tpu.memory_space<vmem>>, vector<1x16xf32>,
      %swap3A_369 = vector.shape_cast %swap3A_368 : vector<1x16xf32> to vector<16xf32>
      %swap3A_370 = vector.shape_cast %add3A_365 : vector<16xf32> to vector<1x16xf32>
      tpu.vector_store %arg7[%swap3A_366, %swap3A_367], %swap3A_370 {strides = array<i32>} : memref<128x128xf32, #tpu.memory_space<vmem>>, vector<1x16xf32>,
      %get3A_371 = arith.constant 0 : i32
      %get3A_372 = arith.index_cast %get3A_371 : i32 to index
      %get3A_373 = arith.index_cast %scan3A_239 : i32 to index
      %get3A_374 = arith.constant 48 : index
      %get3A_375 = tpu.vector_load %arg6[%get3A_372, %get3A_373, %get3A_374] {strides = array<i32>} : memref<5x128x128xf32, #tpu.memory_space<vmem>>, vector<1x1x16xf32>,
      %get3A_376 = vector.shape_cast %get3A_375 : vector<1x1x16xf32> to vector<16xf32>
      %mul3A_377 = arith.mulf %get3A_376, %get3A_211 : vector<16xf32>
      %get3A_378 = arith.constant 1 : i32
      %get3A_379 = arith.index_cast %get3A_378 : i32 to index
      %get3A_380 = arith.index_cast %scan3A_239 : i32 to index
      %get3A_381 = arith.constant 48 : index
      %get3A_382 = tpu.vector_load %arg6[%get3A_379, %get3A_380, %get3A_381] {strides = array<i32>} : memref<5x128x128xf32, #tpu.memory_space<vmem>>, vector<1x1x16xf32>,
      %get3A_383 = vector.shape_cast %get3A_382 : vector<1x1x16xf32> to vector<16xf32>
      %mul3A_384 = arith.mulf %get3A_383, %get3A_216 : vector<16xf32>
      %add3A_385 = arith.addf %mul3A_377, %mul3A_384 : vector<16xf32>
      %get3A_386 = arith.constant 2 : i32
      %get3A_387 = arith.index_cast %get3A_386 : i32 to index
      %get3A_388 = arith.index_cast %scan3A_239 : i32 to index
      %get3A_389 = arith.constant 48 : index
      %get3A_390 = tpu.vector_load %arg6[%get3A_387, %get3A_388, %get3A_389] {strides = array<i32>} : memref<5x128x128xf32, #tpu.memory_space<vmem>>, vector<1x1x16xf32>,
      %get3A_391 = vector.shape_cast %get3A_390 : vector<1x1x16xf32> to vector<16xf32>
      %mul3A_392 = arith.mulf %get3A_391, %get3A_221 : vector<16xf32>
      %add3A_393 = arith.addf %add3A_385, %mul3A_392 : vector<16xf32>
      %get3A_394 = arith.constant 3 : i32
      %get3A_395 = arith.index_cast %get3A_394 : i32 to index
      %get3A_396 = arith.index_cast %scan3A_239 : i32 to index
      %get3A_397 = arith.constant 48 : index
      %get3A_398 = tpu.vector_load %arg6[%get3A_395, %get3A_396, %get3A_397] {strides = array<i32>} : memref<5x128x128xf32, #tpu.memory_space<vmem>>, vector<1x1x16xf32>,
      %get3A_399 = vector.shape_cast %get3A_398 : vector<1x1x16xf32> to vector<16xf32>
      %mul3A_400 = arith.mulf %get3A_399, %get3A_226 : vector<16xf32>
      %add3A_401 = arith.addf %add3A_393, %mul3A_400 : vector<16xf32>
      %get3A_402 = arith.constant 4 : i32
      %get3A_403 = arith.index_cast %get3A_402 : i32 to index
      %get3A_404 = arith.index_cast %scan3A_239 : i32 to index
      %get3A_405 = arith.constant 48 : index
      %get3A_406 = tpu.vector_load %arg6[%get3A_403, %get3A_404, %get3A_405] {strides = array<i32>} : memref<5x128x128xf32, #tpu.memory_space<vmem>>, vector<1x1x16xf32>,
      %get3A_407 = vector.shape_cast %get3A_406 : vector<1x1x16xf32> to vector<16xf32>
      %mul3A_408 = arith.mulf %get3A_407, %get3A_231 : vector<16xf32>
      %add3A_409 = arith.addf %add3A_401, %mul3A_408 : vector<16xf32>
      %swap3A_410 = arith.index_cast %scan3A_239 : i32 to index
      %swap3A_411 = arith.constant 48 : index
      %swap3A_412 = tpu.vector_load %arg7[%swap3A_410, %swap3A_411] {strides = array<i32>} : memref<128x128xf32, #tpu.memory_space<vmem>>, vector<1x16xf32>,
      %swap3A_413 = vector.shape_cast %swap3A_412 : vector<1x16xf32> to vector<16xf32>
      %swap3A_414 = vector.shape_cast %add3A_409 : vector<16xf32> to vector<1x16xf32>
      tpu.vector_store %arg7[%swap3A_410, %swap3A_411], %swap3A_414 {strides = array<i32>} : memref<128x128xf32, #tpu.memory_space<vmem>>, vector<1x16xf32>,
      %get3A_415 = arith.constant 0 : i32
      %get3A_416 = arith.index_cast %get3A_415 : i32 to index
      %get3A_417 = arith.index_cast %scan3A_239 : i32 to index
      %get3A_418 = arith.constant 64 : index
      %get3A_419 = tpu.vector_load %arg6[%get3A_416, %get3A_417, %get3A_418] {strides = array<i32>} : memref<5x128x128xf32, #tpu.memory_space<vmem>>, vector<1x1x16xf32>,
      %get3A_420 = vector.shape_cast %get3A_419 : vector<1x1x16xf32> to vector<16xf32>
      %mul3A_421 = arith.mulf %get3A_420, %get3A_211 : vector<16xf32>
      %get3A_422 = arith.constant 1 : i32
      %get3A_423 = arith.index_cast %get3A_422 : i32 to index
      %get3A_424 = arith.index_cast %scan3A_239 : i32 to index
      %get3A_425 = arith.constant 64 : index
      %get3A_426 = tpu.vector_load %arg6[%get3A_423, %get3A_424, %get3A_425] {strides = array<i32>} : memref<5x128x128xf32, #tpu.memory_space<vmem>>, vector<1x1x16xf32>,
      %get3A_427 = vector.shape_cast %get3A_426 : vector<1x1x16xf32> to vector<16xf32>
      %mul3A_428 = arith.mulf %get3A_427, %get3A_216 : vector<16xf32>
      %add3A_429 = arith.addf %mul3A_421, %mul3A_428 : vector<16xf32>
      %get3A_430 = arith.constant 2 : i32
      %get3A_431 = arith.index_cast %get3A_430 : i32 to index
      %get3A_432 = arith.index_cast %scan3A_239 : i32 to index
      %get3A_433 = arith.constant 64 : index
      %get3A_434 = tpu.vector_load %arg6[%get3A_431, %get3A_432, %get3A_433] {strides = array<i32>} : memref<5x128x128xf32, #tpu.memory_space<vmem>>, vector<1x1x16xf32>,
      %get3A_435 = vector.shape_cast %get3A_434 : vector<1x1x16xf32> to vector<16xf32>
      %mul3A_436 = arith.mulf %get3A_435, %get3A_221 : vector<16xf32>
      %add3A_437 = arith.addf %add3A_429, %mul3A_436 : vector<16xf32>
      %get3A_438 = arith.constant 3 : i32
      %get3A_439 = arith.index_cast %get3A_438 : i32 to index
      %get3A_440 = arith.index_cast %scan3A_239 : i32 to index
      %get3A_441 = arith.constant 64 : index
      %get3A_442 = tpu.vector_load %arg6[%get3A_439, %get3A_440, %get3A_441] {strides = array<i32>} : memref<5x128x128xf32, #tpu.memory_space<vmem>>, vector<1x1x16xf32>,
      %get3A_443 = vector.shape_cast %get3A_442 : vector<1x1x16xf32> to vector<16xf32>
      %mul3A_444 = arith.mulf %get3A_443, %get3A_226 : vector<16xf32>
      %add3A_445 = arith.addf %add3A_437, %mul3A_444 : vector<16xf32>
      %get3A_446 = arith.constant 4 : i32
      %get3A_447 = arith.index_cast %get3A_446 : i32 to index
      %get3A_448 = arith.index_cast %scan3A_239 : i32 to index
      %get3A_449 = arith.constant 64 : index
      %get3A_450 = tpu.vector_load %arg6[%get3A_447, %get3A_448, %get3A_449] {strides = array<i32>} : memref<5x128x128xf32, #tpu.memory_space<vmem>>, vector<1x1x16xf32>,
      %get3A_451 = vector.shape_cast %get3A_450 : vector<1x1x16xf32> to vector<16xf32>
      %mul3A_452 = arith.mulf %get3A_451, %get3A_231 : vector<16xf32>
      %add3A_453 = arith.addf %add3A_445, %mul3A_452 : vector<16xf32>
      %swap3A_454 = arith.index_cast %scan3A_239 : i32 to index
      %swap3A_455 = arith.constant 64 : index
      %swap3A_456 = tpu.vector_load %arg7[%swap3A_454, %swap3A_455] {strides = array<i32>} : memref<128x128xf32, #tpu.memory_space<vmem>>, vector<1x16xf32>,
      %swap3A_457 = vector.shape_cast %swap3A_456 : vector<1x16xf32> to vector<16xf32>
      %swap3A_458 = vector.shape_cast %add3A_453 : vector<16xf32> to vector<1x16xf32>
      tpu.vector_store %arg7[%swap3A_454, %swap3A_455], %swap3A_458 {strides = array<i32>} : memref<128x128xf32, #tpu.memory_space<vmem>>, vector<1x16xf32>,
      %get3A_459 = arith.constant 0 : i32
      %get3A_460 = arith.index_cast %get3A_459 : i32 to index
      %get3A_461 = arith.index_cast %scan3A_239 : i32 to index
      %get3A_462 = arith.constant 80 : index
      %get3A_463 = tpu.vector_load %arg6[%get3A_460, %get3A_461, %get3A_462] {strides = array<i32>} : memref<5x128x128xf32, #tpu.memory_space<vmem>>, vector<1x1x16xf32>,
      %get3A_464 = vector.shape_cast %get3A_463 : vector<1x1x16xf32> to vector<16xf32>
      %mul3A_465 = arith.mulf %get3A_464, %get3A_211 : vector<16xf32>
      %get3A_466 = arith.constant 1 : i32
      %get3A_467 = arith.index_cast %get3A_466 : i32 to index
      %get3A_468 = arith.index_cast %scan3A_239 : i32 to index
      %get3A_469 = arith.constant 80 : index
      %get3A_470 = tpu.vector_load %arg6[%get3A_467, %get3A_468, %get3A_469] {strides = array<i32>} : memref<5x128x128xf32, #tpu.memory_space<vmem>>, vector<1x1x16xf32>,
      %get3A_471 = vector.shape_cast %get3A_470 : vector<1x1x16xf32> to vector<16xf32>
      %mul3A_472 = arith.mulf %get3A_471, %get3A_216 : vector<16xf32>
      %add3A_473 = arith.addf %mul3A_465, %mul3A_472 : vector<16xf32>
      %get3A_474 = arith.constant 2 : i32
      %get3A_475 = arith.index_cast %get3A_474 : i32 to index
      %get3A_476 = arith.index_cast %scan3A_239 : i32 to index
      %get3A_477 = arith.constant 80 : index
      %get3A_478 = tpu.vector_load %arg6[%get3A_475, %get3A_476, %get3A_477] {strides = array<i32>} : memref<5x128x128xf32, #tpu.memory_space<vmem>>, vector<1x1x16xf32>,
      %get3A_479 = vector.shape_cast %get3A_478 : vector<1x1x16xf32> to vector<16xf32>
      %mul3A_480 = arith.mulf %get3A_479, %get3A_221 : vector<16xf32>
      %add3A_481 = arith.addf %add3A_473, %mul3A_480 : vector<16xf32>
      %get3A_482 = arith.constant 3 : i32
      %get3A_483 = arith.index_cast %get3A_482 : i32 to index
      %get3A_484 = arith.index_cast %scan3A_239 : i32 to index
      %get3A_485 = arith.constant 80 : index
      %get3A_486 = tpu.vector_load %arg6[%get3A_483, %get3A_484, %get3A_485] {strides = array<i32>} : memref<5x128x128xf32, #tpu.memory_space<vmem>>, vector<1x1x16xf32>,
      %get3A_487 = vector.shape_cast %get3A_486 : vector<1x1x16xf32> to vector<16xf32>
      %mul3A_488 = arith.mulf %get3A_487, %get3A_226 : vector<16xf32>
      %add3A_489 = arith.addf %add3A_481, %mul3A_488 : vector<16xf32>
      %get3A_490 = arith.constant 4 : i32
      %get3A_491 = arith.index_cast %get3A_490 : i32 to index
      %get3A_492 = arith.index_cast %scan3A_239 : i32 to index
      %get3A_493 = arith.constant 80 : index
      %get3A_494 = tpu.vector_load %arg6[%get3A_491, %get3A_492, %get3A_493] {strides = array<i32>} : memref<5x128x128xf32, #tpu.memory_space<vmem>>, vector<1x1x16xf32>,
      %get3A_495 = vector.shape_cast %get3A_494 : vector<1x1x16xf32> to vector<16xf32>
      %mul3A_496 = arith.mulf %get3A_495, %get3A_231 : vector<16xf32>
      %add3A_497 = arith.addf %add3A_489, %mul3A_496 : vector<16xf32>
      %swap3A_498 = arith.index_cast %scan3A_239 : i32 to index
      %swap3A_499 = arith.constant 80 : index
      %swap3A_500 = tpu.vector_load %arg7[%swap3A_498, %swap3A_499] {strides = array<i32>} : memref<128x128xf32, #tpu.memory_space<vmem>>, vector<1x16xf32>,
      %swap3A_501 = vector.shape_cast %swap3A_500 : vector<1x16xf32> to vector<16xf32>
      %swap3A_502 = vector.shape_cast %add3A_497 : vector<16xf32> to vector<1x16xf32>
      tpu.vector_store %arg7[%swap3A_498, %swap3A_499], %swap3A_502 {strides = array<i32>} : memref<128x128xf32, #tpu.memory_space<vmem>>, vector<1x16xf32>,
      %get3A_503 = arith.constant 0 : i32
      %get3A_504 = arith.index_cast %get3A_503 : i32 to index
      %get3A_505 = arith.index_cast %scan3A_239 : i32 to index
      %get3A_506 = arith.constant 96 : index
      %get3A_507 = tpu.vector_load %arg6[%get3A_504, %get3A_505, %get3A_506] {strides = array<i32>} : memref<5x128x128xf32, #tpu.memory_space<vmem>>, vector<1x1x16xf32>,
      %get3A_508 = vector.shape_cast %get3A_507 : vector<1x1x16xf32> to vector<16xf32>
      %mul3A_509 = arith.mulf %get3A_508, %get3A_211 : vector<16xf32>
      %get3A_510 = arith.constant 1 : i32
      %get3A_511 = arith.index_cast %get3A_510 : i32 to index
      %get3A_512 = arith.index_cast %scan3A_239 : i32 to index
      %get3A_513 = arith.constant 96 : index
      %get3A_514 = tpu.vector_load %arg6[%get3A_511, %get3A_512, %get3A_513] {strides = array<i32>} : memref<5x128x128xf32, #tpu.memory_space<vmem>>, vector<1x1x16xf32>,
      %get3A_515 = vector.shape_cast %get3A_514 : vector<1x1x16xf32> to vector<16xf32>
      %mul3A_516 = arith.mulf %get3A_515, %get3A_216 : vector<16xf32>
      %add3A_517 = arith.addf %mul3A_509, %mul3A_516 : vector<16xf32>
      %get3A_518 = arith.constant 2 : i32
      %get3A_519 = arith.index_cast %get3A_518 : i32 to index
      %get3A_520 = arith.index_cast %scan3A_239 : i32 to index
      %get3A_521 = arith.constant 96 : index
      %get3A_522 = tpu.vector_load %arg6[%get3A_519, %get3A_520, %get3A_521] {strides = array<i32>} : memref<5x128x128xf32, #tpu.memory_space<vmem>>, vector<1x1x16xf32>,
      %get3A_523 = vector.shape_cast %get3A_522 : vector<1x1x16xf32> to vector<16xf32>
      %mul3A_524 = arith.mulf %get3A_523, %get3A_221 : vector<16xf32>
      %add3A_525 = arith.addf %add3A_517, %mul3A_524 : vector<16xf32>
      %get3A_526 = arith.constant 3 : i32
      %get3A_527 = arith.index_cast %get3A_526 : i32 to index
      %get3A_528 = arith.index_cast %scan3A_239 : i32 to index
      %get3A_529 = arith.constant 96 : index
      %get3A_530 = tpu.vector_load %arg6[%get3A_527, %get3A_528, %get3A_529] {strides = array<i32>} : memref<5x128x128xf32, #tpu.memory_space<vmem>>, vector<1x1x16xf32>,
      %get3A_531 = vector.shape_cast %get3A_530 : vector<1x1x16xf32> to vector<16xf32>
      %mul3A_532 = arith.mulf %get3A_531, %get3A_226 : vector<16xf32>
      %add3A_533 = arith.addf %add3A_525, %mul3A_532 : vector<16xf32>
      %get3A_534 = arith.constant 4 : i32
      %get3A_535 = arith.index_cast %get3A_534 : i32 to index
      %get3A_536 = arith.index_cast %scan3A_239 : i32 to index
      %get3A_537 = arith.constant 96 : index
      %get3A_538 = tpu.vector_load %arg6[%get3A_535, %get3A_536, %get3A_537] {strides = array<i32>} : memref<5x128x128xf32, #tpu.memory_space<vmem>>, vector<1x1x16xf32>,
      %get3A_539 = vector.shape_cast %get3A_538 : vector<1x1x16xf32> to vector<16xf32>
      %mul3A_540 = arith.mulf %get3A_539, %get3A_231 : vector<16xf32>
      %add3A_541 = arith.addf %add3A_533, %mul3A_540 : vector<16xf32>
      %swap3A_542 = arith.index_cast %scan3A_239 : i32 to index
      %swap3A_543 = arith.constant 96 : index
      %swap3A_544 = tpu.vector_load %arg7[%swap3A_542, %swap3A_543] {strides = array<i32>} : memref<128x128xf32, #tpu.memory_space<vmem>>, vector<1x16xf32>,
      %swap3A_545 = vector.shape_cast %swap3A_544 : vector<1x16xf32> to vector<16xf32>
      %swap3A_546 = vector.shape_cast %add3A_541 : vector<16xf32> to vector<1x16xf32>
      tpu.vector_store %arg7[%swap3A_542, %swap3A_543], %swap3A_546 {strides = array<i32>} : memref<128x128xf32, #tpu.memory_space<vmem>>, vector<1x16xf32>,
      %get3A_547 = arith.constant 0 : i32
      %get3A_548 = arith.index_cast %get3A_547 : i32 to index
      %get3A_549 = arith.index_cast %scan3A_239 : i32 to index
      %get3A_550 = arith.constant 112 : index
      %get3A_551 = tpu.vector_load %arg6[%get3A_548, %get3A_549, %get3A_550] {strides = array<i32>} : memref<5x128x128xf32, #tpu.memory_space<vmem>>, vector<1x1x16xf32>,
      %get3A_552 = vector.shape_cast %get3A_551 : vector<1x1x16xf32> to vector<16xf32>
      %mul3A_553 = arith.mulf %get3A_552, %get3A_211 : vector<16xf32>
      %get3A_554 = arith.constant 1 : i32
      %get3A_555 = arith.index_cast %get3A_554 : i32 to index
      %get3A_556 = arith.index_cast %scan3A_239 : i32 to index
      %get3A_557 = arith.constant 112 : index
      %get3A_558 = tpu.vector_load %arg6[%get3A_555, %get3A_556, %get3A_557] {strides = array<i32>} : memref<5x128x128xf32, #tpu.memory_space<vmem>>, vector<1x1x16xf32>,
      %get3A_559 = vector.shape_cast %get3A_558 : vector<1x1x16xf32> to vector<16xf32>
      %mul3A_560 = arith.mulf %get3A_559, %get3A_216 : vector<16xf32>
      %add3A_561 = arith.addf %mul3A_553, %mul3A_560 : vector<16xf32>
      %get3A_562 = arith.constant 2 : i32
      %get3A_563 = arith.index_cast %get3A_562 : i32 to index
      %get3A_564 = arith.index_cast %scan3A_239 : i32 to index
      %get3A_565 = arith.constant 112 : index
      %get3A_566 = tpu.vector_load %arg6[%get3A_563, %get3A_564, %get3A_565] {strides = array<i32>} : memref<5x128x128xf32, #tpu.memory_space<vmem>>, vector<1x1x16xf32>,
      %get3A_567 = vector.shape_cast %get3A_566 : vector<1x1x16xf32> to vector<16xf32>
      %mul3A_568 = arith.mulf %get3A_567, %get3A_221 : vector<16xf32>
      %add3A_569 = arith.addf %add3A_561, %mul3A_568 : vector<16xf32>
      %get3A_570 = arith.constant 3 : i32
      %get3A_571 = arith.index_cast %get3A_570 : i32 to index
      %get3A_572 = arith.index_cast %scan3A_239 : i32 to index
      %get3A_573 = arith.constant 112 : index
      %get3A_574 = tpu.vector_load %arg6[%get3A_571, %get3A_572, %get3A_573] {strides = array<i32>} : memref<5x128x128xf32, #tpu.memory_space<vmem>>, vector<1x1x16xf32>,
      %get3A_575 = vector.shape_cast %get3A_574 : vector<1x1x16xf32> to vector<16xf32>
      %mul3A_576 = arith.mulf %get3A_575, %get3A_226 : vector<16xf32>
      %add3A_577 = arith.addf %add3A_569, %mul3A_576 : vector<16xf32>
      %get3A_578 = arith.constant 4 : i32
      %get3A_579 = arith.index_cast %get3A_578 : i32 to index
      %get3A_580 = arith.index_cast %scan3A_239 : i32 to index
      %get3A_581 = arith.constant 112 : index
      %get3A_582 = tpu.vector_load %arg6[%get3A_579, %get3A_580, %get3A_581] {strides = array<i32>} : memref<5x128x128xf32, #tpu.memory_space<vmem>>, vector<1x1x16xf32>,
      %get3A_583 = vector.shape_cast %get3A_582 : vector<1x1x16xf32> to vector<16xf32>
      %mul3A_584 = arith.mulf %get3A_583, %get3A_231 : vector<16xf32>
      %add3A_585 = arith.addf %add3A_577, %mul3A_584 : vector<16xf32>
      %swap3A_586 = arith.index_cast %scan3A_239 : i32 to index
      %swap3A_587 = arith.constant 112 : index
      %swap3A_588 = tpu.vector_load %arg7[%swap3A_586, %swap3A_587] {strides = array<i32>} : memref<128x128xf32, #tpu.memory_space<vmem>>, vector<1x16xf32>,
      %swap3A_589 = vector.shape_cast %swap3A_588 : vector<1x16xf32> to vector<16xf32>
      %swap3A_590 = vector.shape_cast %add3A_585 : vector<16xf32> to vector<1x16xf32>
      tpu.vector_store %arg7[%swap3A_586, %swap3A_587], %swap3A_590 {strides = array<i32>} : memref<128x128xf32, #tpu.memory_space<vmem>>, vector<1x16xf32>,
    }
    %scan3A_236 = arith.constant 128 : i32
    %mul3A_237 = arith.constant 128 : i32
    %mul3A_238 = arith.muli %add3A, %mul3A_237 : i32
    "tpu.region"() ({
      %run_scoped3A = tpu.sem_alloc : memref<!tpu.dma_semaphore, #tpu.memory_space<semaphore_mem>>
      %dma_start3A_239 = arith.constant 0 : i32
      %dma_start3A_240 = tpu.memref_slice %arg4[%mul3A_238, %dma_start3A_239] : memref<4096x128xf32, #tpu.memory_space<hbm>> -> memref<128x128xf32, #tpu.memory_space<hbm>>
      %dma_start3A_241 = arith.constant 0 : i32
      %dma_start3A_242 = tpu.memref_slice %arg4[%mul3A_238, %dma_start3A_241] : memref<4096x128xf32, #tpu.memory_space<hbm>> -> memref<128x128xf32, #tpu.memory_space<hbm>>
      tpu.enqueue_dma source(%arg7 : memref<128x128xf32, #tpu.memory_space<vmem>>) target(%dma_start3A_242 : memref<128x128xf32, #tpu.memory_space<hbm>>) target_semaphore(%run_scoped3A : memref<!tpu.dma_semaphore, #tpu.memory_space<semaphore_mem>>)
      %dma_wait3A_243 = arith.constant 0 : i32
      %dma_wait3A_244 = tpu.memref_slice %arg4[%mul3A_238, %dma_wait3A_243] : memref<4096x128xf32, #tpu.memory_space<hbm>> -> memref<128x128xf32, #tpu.memory_space<hbm>>
      %dma_wait3A_245 = arith.constant 0 : i32
      %dma_wait3A_246 = tpu.memref_slice %arg4[%mul3A_238, %dma_wait3A_245] : memref<4096x128xf32, #tpu.memory_space<hbm>> -> memref<128x128xf32, #tpu.memory_space<hbm>>
      tpu.wait_dma2 semaphore(%run_scoped3A : memref<!tpu.dma_semaphore, #tpu.memory_space<semaphore_mem>>) src(%arg7 : memref<128x128xf32, #tpu.memory_space<vmem>>) dst(%dma_wait3A_246 : memref<128x128xf32, #tpu.memory_space<hbm>>)
      tpu.yield
    }) : () -> ()
    return
  }
}

module attributes {stable_mosaic.version = 14 : i64} {
  func.func @_dist_kernel(%arg0: i32, %arg1: memref<16x32000xf32, #tpu.memory_space<vmem>>, %arg2: memref<128x32000xf32, #tpu.memory_space<vmem>>, %arg3: memref<16x128xi32, #tpu.memory_space<vmem>>, %arg4: memref<16x128xf32, #tpu.memory_space<vmem>>, %arg5: memref<16x128xf32, #tpu.memory_space<vmem>>, %arg6: memref<16x1024xf32, #tpu.memory_space<vmem>>) attributes {dimension_semantics = [#tpu.dimension_semantics<arbitrary>], iteration_bounds = array<i64: 8>, scalar_prefetch = 0 : i64, scratch_operands = 1 : i64, tpu.core_type = #tpu.core_type<tc>, window_params = [{pipeline_mode = #tpu.pipeline_mode<synchronous>, transform_indices = @transform_0, window_bounds = array<i64: 16, 32000>}, {transform_indices = @transform_1, window_bounds = array<i64: 128, 32000>}, {pipeline_mode = #tpu.pipeline_mode<synchronous>, transform_indices = @transform_2, window_bounds = array<i64: 16, 128>}, {pipeline_mode = #tpu.pipeline_mode<synchronous>, transform_indices = @transform_3, window_bounds = array<i64: 16, 128>}, {pipeline_mode = #tpu.pipeline_mode<synchronous>, transform_indices = @transform_4, window_bounds = array<i64: 16, 128>}]} {
    %get3A = arith.constant 0 : index
    %get3A_0 = arith.constant 0 : index
    %get3A_1 = vector.load %arg1[%get3A, %get3A_0] : memref<16x32000xf32, #tpu.memory_space<vmem>>, vector<16x32000xf32>
    %get3A_2 = arith.constant 0 : index
    %get3A_3 = arith.constant 0 : index
    %get3A_4 = vector.load %arg2[%get3A_2, %get3A_3] : memref<128x32000xf32, #tpu.memory_space<vmem>>, vector<128x32000xf32>
    %dot_general3A = arith.constant dense<0.000000e+00> : vector<16x128xf32>
    %dot_general3A_5 = tpu.matmul %get3A_1, %get3A_4, %dot_general3A {dimension_numbers = #tpu.dot_dimension_numbers<[1], [1], [0], [0], [0, 0, 1, 0], [], []>, transpose_lhs_hint = false} : vector<16x32000xf32>, vector<128x32000xf32>, vector<16x128xf32> -> vector<16x128xf32>
    %mul3A = arith.mulf %get3A_4, %get3A_4 : vector<128x32000xf32>
    %broadcast_in_dim3A = arith.constant 1.000000e+00 : f32
    %broadcast_in_dim3A_6 = vector.broadcast %broadcast_in_dim3A : f32 to vector<1x32000xf32>
    %dot_general3A_7 = arith.constant dense<0.000000e+00> : vector<1x128xf32>
    %dot_general3A_8 = tpu.matmul %broadcast_in_dim3A_6, %mul3A, %dot_general3A_7 {dimension_numbers = #tpu.dot_dimension_numbers<[1], [1], [0], [0], [0, 0, 1, 0], [], []>, transpose_lhs_hint = false} : vector<1x32000xf32>, vector<128x32000xf32>, vector<1x128xf32> -> vector<1x128xf32>
    %mul3A_9 = arith.mulf %get3A_1, %get3A_1 : vector<16x32000xf32>
    %reduce_sum3A = arith.constant dense<0.000000e+00> : vector<16xf32>
    %reduce_sum3A_10 = vector.multi_reduction <add>, %mul3A_9, %reduce_sum3A [1] : vector<16x32000xf32> to vector<16xf32>
    %broadcast_in_dim3A_11 = vector.shape_cast %reduce_sum3A_10 : vector<16xf32> to vector<16x1xf32>
    %add3A = vector.broadcast %broadcast_in_dim3A_11 : vector<16x1xf32> to vector<16x128xf32>
    %add3A_12 = vector.broadcast %dot_general3A_8 : vector<1x128xf32> to vector<16x128xf32>
    %add3A_13 = arith.addf %add3A, %add3A_12 : vector<16x128xf32>
    %mul3A_14 = arith.constant 2.000000e+00 : f32
    %mul3A_15 = vector.broadcast %mul3A_14 : f32 to vector<16x128xf32>
    %mul3A_16 = arith.mulf %mul3A_15, %dot_general3A_5 : vector<16x128xf32>
    %sub3A = arith.subf %add3A_13, %mul3A_16 : vector<16x128xf32>
    %mul3A_17 = arith.constant 128 : i32
    %mul3A_18 = arith.muli %arg0, %mul3A_17 : i32
    %swap3A = arith.constant 0 : index
    %swap3A_19 = arith.index_cast %mul3A_18 : i32 to index
    %swap3A_20 = vector.load %arg6[%swap3A, %swap3A_19] : memref<16x1024xf32, #tpu.memory_space<vmem>>, vector<16x128xf32>
    tpu.vector_store %arg6[%swap3A, %swap3A_19], %sub3A {strides = array<i32>} : memref<16x1024xf32, #tpu.memory_space<vmem>>, vector<16x128xf32>,
    %eq3A = arith.constant 7 : i32
    %eq3A_21 = arith.cmpi eq, %arg0, %eq3A : i32
    %convert_element_type3A = arith.extui %eq3A_21 : i1 to i32
    %cond3A = arith.constant 0 : i32
    %cond3A_22 = arith.cmpi ne, %convert_element_type3A, %cond3A : i32
    scf.if %cond3A_22 {
      %get3A_23 = arith.constant 0 : index
      %get3A_24 = arith.constant 0 : index
      %get3A_25 = vector.load %arg6[%get3A_23, %get3A_24] : memref<16x1024xf32, #tpu.memory_space<vmem>>, vector<16x1024xf32>
      %iota3A = tpu.iota {dimensions = array<i32: 1>} : vector<16x1024xi32>
      %iota3A_26 = tpu.iota {dimensions = array<i32: 1>} : vector<16x128xi32>
      %broadcast_in_dim3A_27 = arith.constant 0 : i32
      %broadcast_in_dim3A_28 = vector.broadcast %broadcast_in_dim3A_27 : i32 to vector<16x128xi32>
      %broadcast_in_dim3A_29 = arith.constant 0.000000e+00 : f32
      %broadcast_in_dim3A_30 = vector.broadcast %broadcast_in_dim3A_29 : f32 to vector<16x128xf32>
      %reduce_min3A = arith.constant dense<0x7F800000> : vector<16xf32>
      %reduce_min3A_31 = vector.multi_reduction <minimumf>, %get3A_25, %reduce_min3A [1] : vector<16x1024xf32> to vector<16xf32>
      %broadcast_in_dim3A_32 = vector.shape_cast %reduce_min3A_31 : vector<16xf32> to vector<16x1xf32>
      %eq3A_33 = vector.broadcast %broadcast_in_dim3A_32 : vector<16x1xf32> to vector<16x1024xf32>
      %eq3A_34 = arith.cmpf oeq, %get3A_25, %eq3A_33 : vector<16x1024xf32>
      %jit3A = arith.constant 1024 : i32
      %broadcast_in_dim3A_35 = vector.broadcast %jit3A : i32 to vector<16x1024xi32>
      %select_n3A = arith.select %eq3A_34, %iota3A, %broadcast_in_dim3A_35 : vector<16x1024xi1>, vector<16x1024xi32>
      %reduce_min3A_36 = arith.constant dense<2147483647> : vector<16xi32>
      %reduce_min3A_37 = vector.multi_reduction <minsi>, %select_n3A, %reduce_min3A_36 [1] : vector<16x1024xi32> to vector<16xi32>
      %broadcast_in_dim3A_38 = vector.shape_cast %reduce_min3A_37 : vector<16xi32> to vector<16x1xi32>
      %eq3A_39 = arith.constant 0 : i32
      %eq3A_40 = vector.broadcast %eq3A_39 : i32 to vector<16x128xi32>
      %eq3A_41 = arith.cmpi eq, %iota3A_26, %eq3A_40 : vector<16x128xi32>
      %broadcast_in_dim3A_42 = vector.shape_cast %broadcast_in_dim3A_38 : vector<16x1xi32> to vector<16x1xi32>
      %broadcast_in_dim3A_43 = vector.broadcast %broadcast_in_dim3A_42 : vector<16x1xi32> to vector<16x128xi32>
      %select_n3A_44 = arith.select %eq3A_41, %broadcast_in_dim3A_43, %broadcast_in_dim3A_28 : vector<16x128xi1>, vector<16x128xi32>
      %eq3A_45 = arith.constant 0 : i32
      %eq3A_46 = vector.broadcast %eq3A_45 : i32 to vector<16x128xi32>
      %eq3A_47 = arith.cmpi eq, %iota3A_26, %eq3A_46 : vector<16x128xi32>
      %broadcast_in_dim3A_48 = vector.shape_cast %broadcast_in_dim3A_32 : vector<16x1xf32> to vector<16x1xf32>
      %broadcast_in_dim3A_49 = vector.broadcast %broadcast_in_dim3A_48 : vector<16x1xf32> to vector<16x128xf32>
      %select_n3A_50 = arith.select %eq3A_47, %broadcast_in_dim3A_49, %broadcast_in_dim3A_30 : vector<16x128xi1>, vector<16x128xf32>
      %eq3A_51 = vector.broadcast %broadcast_in_dim3A_38 : vector<16x1xi32> to vector<16x1024xi32>
      %eq3A_52 = arith.cmpi eq, %iota3A, %eq3A_51 : vector<16x1024xi32>
      %jit3A_53 = arith.constant 3.000000e+38 : f32
      %broadcast_in_dim3A_54 = vector.broadcast %jit3A_53 : f32 to vector<16x1024xf32>
      %select_n3A_55 = arith.select %eq3A_52, %broadcast_in_dim3A_54, %get3A_25 : vector<16x1024xi1>, vector<16x1024xf32>
      %reduce_min3A_56 = arith.constant dense<0x7F800000> : vector<16xf32>
      %reduce_min3A_57 = vector.multi_reduction <minimumf>, %select_n3A_55, %reduce_min3A_56 [1] : vector<16x1024xf32> to vector<16xf32>
      %broadcast_in_dim3A_58 = vector.shape_cast %reduce_min3A_57 : vector<16xf32> to vector<16x1xf32>
      %eq3A_59 = vector.broadcast %broadcast_in_dim3A_58 : vector<16x1xf32> to vector<16x1024xf32>
      %eq3A_60 = arith.cmpf oeq, %select_n3A_55, %eq3A_59 : vector<16x1024xf32>
      %jit3A_61 = arith.constant 1024 : i32
      %broadcast_in_dim3A_62 = vector.broadcast %jit3A_61 : i32 to vector<16x1024xi32>
      %select_n3A_63 = arith.select %eq3A_60, %iota3A, %broadcast_in_dim3A_62 : vector<16x1024xi1>, vector<16x1024xi32>
      %reduce_min3A_64 = arith.constant dense<2147483647> : vector<16xi32>
      %reduce_min3A_65 = vector.multi_reduction <minsi>, %select_n3A_63, %reduce_min3A_64 [1] : vector<16x1024xi32> to vector<16xi32>
      %broadcast_in_dim3A_66 = vector.shape_cast %reduce_min3A_65 : vector<16xi32> to vector<16x1xi32>
      %eq3A_67 = arith.constant 1 : i32
      %eq3A_68 = vector.broadcast %eq3A_67 : i32 to vector<16x128xi32>
      %eq3A_69 = arith.cmpi eq, %iota3A_26, %eq3A_68 : vector<16x128xi32>
      %broadcast_in_dim3A_70 = vector.shape_cast %broadcast_in_dim3A_66 : vector<16x1xi32> to vector<16x1xi32>
      %broadcast_in_dim3A_71 = vector.broadcast %broadcast_in_dim3A_70 : vector<16x1xi32> to vector<16x128xi32>
      %select_n3A_72 = arith.select %eq3A_69, %broadcast_in_dim3A_71, %select_n3A_44 : vector<16x128xi1>, vector<16x128xi32>
      %eq3A_73 = arith.constant 1 : i32
      %eq3A_74 = vector.broadcast %eq3A_73 : i32 to vector<16x128xi32>
      %eq3A_75 = arith.cmpi eq, %iota3A_26, %eq3A_74 : vector<16x128xi32>
      %broadcast_in_dim3A_76 = vector.shape_cast %broadcast_in_dim3A_58 : vector<16x1xf32> to vector<16x1xf32>
      %broadcast_in_dim3A_77 = vector.broadcast %broadcast_in_dim3A_76 : vector<16x1xf32> to vector<16x128xf32>
      %select_n3A_78 = arith.select %eq3A_75, %broadcast_in_dim3A_77, %select_n3A_50 : vector<16x128xi1>, vector<16x128xf32>
      %eq3A_79 = vector.broadcast %broadcast_in_dim3A_66 : vector<16x1xi32> to vector<16x1024xi32>
      %eq3A_80 = arith.cmpi eq, %iota3A, %eq3A_79 : vector<16x1024xi32>
      %jit3A_81 = arith.constant 3.000000e+38 : f32
      %broadcast_in_dim3A_82 = vector.broadcast %jit3A_81 : f32 to vector<16x1024xf32>
      %select_n3A_83 = arith.select %eq3A_80, %broadcast_in_dim3A_82, %select_n3A_55 : vector<16x1024xi1>, vector<16x1024xf32>
      %reduce_min3A_84 = arith.constant dense<0x7F800000> : vector<16xf32>
      %reduce_min3A_85 = vector.multi_reduction <minimumf>, %select_n3A_83, %reduce_min3A_84 [1] : vector<16x1024xf32> to vector<16xf32>
      %broadcast_in_dim3A_86 = vector.shape_cast %reduce_min3A_85 : vector<16xf32> to vector<16x1xf32>
      %eq3A_87 = vector.broadcast %broadcast_in_dim3A_86 : vector<16x1xf32> to vector<16x1024xf32>
      %eq3A_88 = arith.cmpf oeq, %select_n3A_83, %eq3A_87 : vector<16x1024xf32>
      %jit3A_89 = arith.constant 1024 : i32
      %broadcast_in_dim3A_90 = vector.broadcast %jit3A_89 : i32 to vector<16x1024xi32>
      %select_n3A_91 = arith.select %eq3A_88, %iota3A, %broadcast_in_dim3A_90 : vector<16x1024xi1>, vector<16x1024xi32>
      %reduce_min3A_92 = arith.constant dense<2147483647> : vector<16xi32>
      %reduce_min3A_93 = vector.multi_reduction <minsi>, %select_n3A_91, %reduce_min3A_92 [1] : vector<16x1024xi32> to vector<16xi32>
      %broadcast_in_dim3A_94 = vector.shape_cast %reduce_min3A_93 : vector<16xi32> to vector<16x1xi32>
      %eq3A_95 = arith.constant 2 : i32
      %eq3A_96 = vector.broadcast %eq3A_95 : i32 to vector<16x128xi32>
      %eq3A_97 = arith.cmpi eq, %iota3A_26, %eq3A_96 : vector<16x128xi32>
      %broadcast_in_dim3A_98 = vector.shape_cast %broadcast_in_dim3A_94 : vector<16x1xi32> to vector<16x1xi32>
      %broadcast_in_dim3A_99 = vector.broadcast %broadcast_in_dim3A_98 : vector<16x1xi32> to vector<16x128xi32>
      %select_n3A_100 = arith.select %eq3A_97, %broadcast_in_dim3A_99, %select_n3A_72 : vector<16x128xi1>, vector<16x128xi32>
      %eq3A_101 = arith.constant 2 : i32
      %eq3A_102 = vector.broadcast %eq3A_101 : i32 to vector<16x128xi32>
      %eq3A_103 = arith.cmpi eq, %iota3A_26, %eq3A_102 : vector<16x128xi32>
      %broadcast_in_dim3A_104 = vector.shape_cast %broadcast_in_dim3A_86 : vector<16x1xf32> to vector<16x1xf32>
      %broadcast_in_dim3A_105 = vector.broadcast %broadcast_in_dim3A_104 : vector<16x1xf32> to vector<16x128xf32>
      %select_n3A_106 = arith.select %eq3A_103, %broadcast_in_dim3A_105, %select_n3A_78 : vector<16x128xi1>, vector<16x128xf32>
      %eq3A_107 = vector.broadcast %broadcast_in_dim3A_94 : vector<16x1xi32> to vector<16x1024xi32>
      %eq3A_108 = arith.cmpi eq, %iota3A, %eq3A_107 : vector<16x1024xi32>
      %jit3A_109 = arith.constant 3.000000e+38 : f32
      %broadcast_in_dim3A_110 = vector.broadcast %jit3A_109 : f32 to vector<16x1024xf32>
      %select_n3A_111 = arith.select %eq3A_108, %broadcast_in_dim3A_110, %select_n3A_83 : vector<16x1024xi1>, vector<16x1024xf32>
      %reduce_min3A_112 = arith.constant dense<0x7F800000> : vector<16xf32>
      %reduce_min3A_113 = vector.multi_reduction <minimumf>, %select_n3A_111, %reduce_min3A_112 [1] : vector<16x1024xf32> to vector<16xf32>
      %broadcast_in_dim3A_114 = vector.shape_cast %reduce_min3A_113 : vector<16xf32> to vector<16x1xf32>
      %eq3A_115 = vector.broadcast %broadcast_in_dim3A_114 : vector<16x1xf32> to vector<16x1024xf32>
      %eq3A_116 = arith.cmpf oeq, %select_n3A_111, %eq3A_115 : vector<16x1024xf32>
      %jit3A_117 = arith.constant 1024 : i32
      %broadcast_in_dim3A_118 = vector.broadcast %jit3A_117 : i32 to vector<16x1024xi32>
      %select_n3A_119 = arith.select %eq3A_116, %iota3A, %broadcast_in_dim3A_118 : vector<16x1024xi1>, vector<16x1024xi32>
      %reduce_min3A_120 = arith.constant dense<2147483647> : vector<16xi32>
      %reduce_min3A_121 = vector.multi_reduction <minsi>, %select_n3A_119, %reduce_min3A_120 [1] : vector<16x1024xi32> to vector<16xi32>
      %broadcast_in_dim3A_122 = vector.shape_cast %reduce_min3A_121 : vector<16xi32> to vector<16x1xi32>
      %eq3A_123 = arith.constant 3 : i32
      %eq3A_124 = vector.broadcast %eq3A_123 : i32 to vector<16x128xi32>
      %eq3A_125 = arith.cmpi eq, %iota3A_26, %eq3A_124 : vector<16x128xi32>
      %broadcast_in_dim3A_126 = vector.shape_cast %broadcast_in_dim3A_122 : vector<16x1xi32> to vector<16x1xi32>
      %broadcast_in_dim3A_127 = vector.broadcast %broadcast_in_dim3A_126 : vector<16x1xi32> to vector<16x128xi32>
      %select_n3A_128 = arith.select %eq3A_125, %broadcast_in_dim3A_127, %select_n3A_100 : vector<16x128xi1>, vector<16x128xi32>
      %eq3A_129 = arith.constant 3 : i32
      %eq3A_130 = vector.broadcast %eq3A_129 : i32 to vector<16x128xi32>
      %eq3A_131 = arith.cmpi eq, %iota3A_26, %eq3A_130 : vector<16x128xi32>
      %broadcast_in_dim3A_132 = vector.shape_cast %broadcast_in_dim3A_114 : vector<16x1xf32> to vector<16x1xf32>
      %broadcast_in_dim3A_133 = vector.broadcast %broadcast_in_dim3A_132 : vector<16x1xf32> to vector<16x128xf32>
      %select_n3A_134 = arith.select %eq3A_131, %broadcast_in_dim3A_133, %select_n3A_106 : vector<16x128xi1>, vector<16x128xf32>
      %eq3A_135 = vector.broadcast %broadcast_in_dim3A_122 : vector<16x1xi32> to vector<16x1024xi32>
      %eq3A_136 = arith.cmpi eq, %iota3A, %eq3A_135 : vector<16x1024xi32>
      %jit3A_137 = arith.constant 3.000000e+38 : f32
      %broadcast_in_dim3A_138 = vector.broadcast %jit3A_137 : f32 to vector<16x1024xf32>
      %select_n3A_139 = arith.select %eq3A_136, %broadcast_in_dim3A_138, %select_n3A_111 : vector<16x1024xi1>, vector<16x1024xf32>
      %reduce_min3A_140 = arith.constant dense<0x7F800000> : vector<16xf32>
      %reduce_min3A_141 = vector.multi_reduction <minimumf>, %select_n3A_139, %reduce_min3A_140 [1] : vector<16x1024xf32> to vector<16xf32>
      %broadcast_in_dim3A_142 = vector.shape_cast %reduce_min3A_141 : vector<16xf32> to vector<16x1xf32>
      %eq3A_143 = vector.broadcast %broadcast_in_dim3A_142 : vector<16x1xf32> to vector<16x1024xf32>
      %eq3A_144 = arith.cmpf oeq, %select_n3A_139, %eq3A_143 : vector<16x1024xf32>
      %jit3A_145 = arith.constant 1024 : i32
      %broadcast_in_dim3A_146 = vector.broadcast %jit3A_145 : i32 to vector<16x1024xi32>
      %select_n3A_147 = arith.select %eq3A_144, %iota3A, %broadcast_in_dim3A_146 : vector<16x1024xi1>, vector<16x1024xi32>
      %reduce_min3A_148 = arith.constant dense<2147483647> : vector<16xi32>
      %reduce_min3A_149 = vector.multi_reduction <minsi>, %select_n3A_147, %reduce_min3A_148 [1] : vector<16x1024xi32> to vector<16xi32>
      %broadcast_in_dim3A_150 = vector.shape_cast %reduce_min3A_149 : vector<16xi32> to vector<16x1xi32>
      %eq3A_151 = arith.constant 4 : i32
      %eq3A_152 = vector.broadcast %eq3A_151 : i32 to vector<16x128xi32>
      %eq3A_153 = arith.cmpi eq, %iota3A_26, %eq3A_152 : vector<16x128xi32>
      %broadcast_in_dim3A_154 = vector.shape_cast %broadcast_in_dim3A_150 : vector<16x1xi32> to vector<16x1xi32>
      %broadcast_in_dim3A_155 = vector.broadcast %broadcast_in_dim3A_154 : vector<16x1xi32> to vector<16x128xi32>
      %select_n3A_156 = arith.select %eq3A_153, %broadcast_in_dim3A_155, %select_n3A_128 : vector<16x128xi1>, vector<16x128xi32>
      %eq3A_157 = arith.constant 4 : i32
      %eq3A_158 = vector.broadcast %eq3A_157 : i32 to vector<16x128xi32>
      %eq3A_159 = arith.cmpi eq, %iota3A_26, %eq3A_158 : vector<16x128xi32>
      %broadcast_in_dim3A_160 = vector.shape_cast %broadcast_in_dim3A_142 : vector<16x1xf32> to vector<16x1xf32>
      %broadcast_in_dim3A_161 = vector.broadcast %broadcast_in_dim3A_160 : vector<16x1xf32> to vector<16x128xf32>
      %select_n3A_162 = arith.select %eq3A_159, %broadcast_in_dim3A_161, %select_n3A_134 : vector<16x128xi1>, vector<16x128xf32>
      %max3A = arith.constant 9.99999996E-13 : f32
      %max3A_163 = vector.broadcast %max3A : f32 to vector<16x128xf32>
      %max3A_164 = arith.maximumf %select_n3A_162, %max3A_163 : vector<16x128xf32>
      %sqrt3A = math.sqrt %max3A_164 : vector<16x128xf32>
      %lt3A = arith.constant 5 : i32
      %lt3A_165 = vector.broadcast %lt3A : i32 to vector<16x128xi32>
      %lt3A_166 = arith.cmpi slt, %iota3A_26, %lt3A_165 : vector<16x128xi32>
      %neg3A = arith.constant 0.000000e+00 : f32
      %neg3A_167 = vector.broadcast %neg3A : f32 to vector<16x128xf32>
      %neg3A_168 = arith.subf %neg3A_167, %sqrt3A : vector<16x128xf32>
      %div3A = arith.constant 1.000000e-01 : f32
      %div3A_169 = vector.broadcast %div3A : f32 to vector<16x128xf32>
      %div3A_170 = arith.divf %neg3A_168, %div3A_169 : vector<16x128xf32>
      %jit3A_171 = arith.constant -3.000000e+38 : f32
      %broadcast_in_dim3A_172 = vector.broadcast %jit3A_171 : f32 to vector<16x128xf32>
      %select_n3A_173 = arith.select %lt3A_166, %div3A_170, %broadcast_in_dim3A_172 : vector<16x128xi1>, vector<16x128xf32>
      %reduce_max3A = arith.constant dense<0xFF800000> : vector<16xf32>
      %reduce_max3A_174 = vector.multi_reduction <maximumf>, %select_n3A_173, %reduce_max3A [1] : vector<16x128xf32> to vector<16xf32>
      %broadcast_in_dim3A_175 = vector.shape_cast %reduce_max3A_174 : vector<16xf32> to vector<16x1xf32>
      %sub3A_176 = vector.broadcast %broadcast_in_dim3A_175 : vector<16x1xf32> to vector<16x128xf32>
      %sub3A_177 = arith.subf %div3A_170, %sub3A_176 : vector<16x128xf32>
      %exp3A = math.exp %sub3A_177 : vector<16x128xf32>
      %jit3A_178 = arith.constant 0.000000e+00 : f32
      %broadcast_in_dim3A_179 = vector.broadcast %jit3A_178 : f32 to vector<16x128xf32>
      %select_n3A_180 = arith.select %lt3A_166, %exp3A, %broadcast_in_dim3A_179 : vector<16x128xi1>, vector<16x128xf32>
      %reduce_sum3A_181 = arith.constant dense<0.000000e+00> : vector<16xf32>
      %reduce_sum3A_182 = vector.multi_reduction <add>, %select_n3A_180, %reduce_sum3A_181 [1] : vector<16x128xf32> to vector<16xf32>
      %broadcast_in_dim3A_183 = vector.shape_cast %reduce_sum3A_182 : vector<16xf32> to vector<16x1xf32>
      %div3A_184 = vector.broadcast %broadcast_in_dim3A_183 : vector<16x1xf32> to vector<16x128xf32>
      %div3A_185 = arith.divf %select_n3A_180, %div3A_184 : vector<16x128xf32>
      %swap3A_186 = arith.constant 0 : index
      %swap3A_187 = arith.constant 0 : index
      %swap3A_188 = vector.load %arg3[%swap3A_186, %swap3A_187] : memref<16x128xi32, #tpu.memory_space<vmem>>, vector<16x128xi32>
      tpu.vector_store %arg3[%swap3A_186, %swap3A_187], %select_n3A_156 {strides = array<i32>} : memref<16x128xi32, #tpu.memory_space<vmem>>, vector<16x128xi32>,
      %swap3A_189 = arith.constant 0 : index
      %swap3A_190 = arith.constant 0 : index
      %swap3A_191 = vector.load %arg4[%swap3A_189, %swap3A_190] : memref<16x128xf32, #tpu.memory_space<vmem>>, vector<16x128xf32>
      tpu.vector_store %arg4[%swap3A_189, %swap3A_190], %div3A_185 {strides = array<i32>} : memref<16x128xf32, #tpu.memory_space<vmem>>, vector<16x128xf32>,
      %swap3A_192 = arith.constant 0 : index
      %swap3A_193 = arith.constant 0 : index
      %swap3A_194 = vector.load %arg5[%swap3A_192, %swap3A_193] : memref<16x128xf32, #tpu.memory_space<vmem>>, vector<16x128xf32>
      tpu.vector_store %arg5[%swap3A_192, %swap3A_193], %sqrt3A {strides = array<i32>} : memref<16x128xf32, #tpu.memory_space<vmem>>, vector<16x128xf32>,
    } else {
    }
    return
  }
  func.func @transform_0(%arg0: i32) -> (i32, i32) {
    %c0_i32 = arith.constant 0 : i32
    %c0_i32_0 = arith.constant 0 : i32
    %c0_i32_1 = arith.constant 0 : i32
    return %c0_i32, %c0_i32_0 : i32, i32
  }
  func.func @transform_1(%arg0: i32) -> (i32, i32) {
    %c0_i32 = arith.constant 0 : i32
    %c0_i32_0 = arith.constant 0 : i32
    return %arg0, %c0_i32 : i32, i32
  }
  func.func @transform_2(%arg0: i32) -> (i32, i32) {
    %c0_i32 = arith.constant 0 : i32
    %c0_i32_0 = arith.constant 0 : i32
    %c0_i32_1 = arith.constant 0 : i32
    return %c0_i32, %c0_i32_0 : i32, i32
  }
  func.func @transform_3(%arg0: i32) -> (i32, i32) {
    %c0_i32 = arith.constant 0 : i32
    %c0_i32_0 = arith.constant 0 : i32
    %c0_i32_1 = arith.constant 0 : i32
    return %c0_i32, %c0_i32_0 : i32, i32
  }
  func.func @transform_4(%arg0: i32) -> (i32, i32) {
    %c0_i32 = arith.constant 0 : i32
    %c0_i32_0 = arith.constant 0 : i32
    %c0_i32_1 = arith.constant 0 : i32
    return %c0_i32, %c0_i32_0 : i32, i32
  }
}

module attributes {stable_mosaic.version = 14 : i64} {
  func.func @_gather_kernel(%arg0: i32, %arg1: memref<80xi32, #tpu.memory_space<smem>>, %arg2: memref<1024x32000xf32, #tpu.memory_space<hbm>>, %arg3: memref<80x32768xf32, #tpu.memory_space<vmem>>, %arg4: memref<!tpu.dma_semaphore, #tpu.memory_space<semaphore_mem>>) attributes {dimension_semantics = [#tpu.dimension_semantics<arbitrary>], iteration_bounds = array<i64: 1>, scalar_prefetch = 1 : i64, scratch_operands = 1 : i64, tpu.core_type = #tpu.core_type<tc>, window_params = [{}, {pipeline_mode = #tpu.pipeline_mode<synchronous>, transform_indices = @transform_1, window_bounds = array<i64: 80, 32768>}]} {
    %get3A = arith.constant 0 : index
    %get3A_0 = memref.load %arg1[%get3A] : memref<80xi32, #tpu.memory_space<smem>>
    %dma_start3A = arith.constant 0 : i32
    %dma_start3A_1 = arith.constant 0 : i32
    %dma_start3A_2 = tpu.memref_slice %arg3[%dma_start3A, %dma_start3A_1] : memref<80x32768xf32, #tpu.memory_space<vmem>> -> memref<1x32000xf32, #tpu.memory_space<vmem>>
    %dma_start3A_3 = arith.constant 0 : i32
    %dma_start3A_4 = tpu.memref_slice %arg2[%get3A_0, %dma_start3A_3] : memref<1024x32000xf32, #tpu.memory_space<hbm>> -> memref<1x32000xf32, #tpu.memory_space<hbm>>
    tpu.enqueue_dma source(%dma_start3A_4 : memref<1x32000xf32, #tpu.memory_space<hbm>>) target(%dma_start3A_2 : memref<1x32000xf32, #tpu.memory_space<vmem>>) target_semaphore(%arg4 : memref<!tpu.dma_semaphore, #tpu.memory_space<semaphore_mem>>)
    %get3A_5 = arith.constant 1 : index
    %get3A_6 = memref.load %arg1[%get3A_5] : memref<80xi32, #tpu.memory_space<smem>>
    %dma_start3A_7 = arith.constant 1 : i32
    %dma_start3A_8 = arith.constant 0 : i32
    %dma_start3A_9 = tpu.memref_slice %arg3[%dma_start3A_7, %dma_start3A_8] : memref<80x32768xf32, #tpu.memory_space<vmem>> -> memref<1x32000xf32, #tpu.memory_space<vmem>>
    %dma_start3A_10 = arith.constant 0 : i32
    %dma_start3A_11 = tpu.memref_slice %arg2[%get3A_6, %dma_start3A_10] : memref<1024x32000xf32, #tpu.memory_space<hbm>> -> memref<1x32000xf32, #tpu.memory_space<hbm>>
    tpu.enqueue_dma source(%dma_start3A_11 : memref<1x32000xf32, #tpu.memory_space<hbm>>) target(%dma_start3A_9 : memref<1x32000xf32, #tpu.memory_space<vmem>>) target_semaphore(%arg4 : memref<!tpu.dma_semaphore, #tpu.memory_space<semaphore_mem>>)
    %get3A_12 = arith.constant 2 : index
    %get3A_13 = memref.load %arg1[%get3A_12] : memref<80xi32, #tpu.memory_space<smem>>
    %dma_start3A_14 = arith.constant 2 : i32
    %dma_start3A_15 = arith.constant 0 : i32
    %dma_start3A_16 = tpu.memref_slice %arg3[%dma_start3A_14, %dma_start3A_15] : memref<80x32768xf32, #tpu.memory_space<vmem>> -> memref<1x32000xf32, #tpu.memory_space<vmem>>
    %dma_start3A_17 = arith.constant 0 : i32
    %dma_start3A_18 = tpu.memref_slice %arg2[%get3A_13, %dma_start3A_17] : memref<1024x32000xf32, #tpu.memory_space<hbm>> -> memref<1x32000xf32, #tpu.memory_space<hbm>>
    tpu.enqueue_dma source(%dma_start3A_18 : memref<1x32000xf32, #tpu.memory_space<hbm>>) target(%dma_start3A_16 : memref<1x32000xf32, #tpu.memory_space<vmem>>) target_semaphore(%arg4 : memref<!tpu.dma_semaphore, #tpu.memory_space<semaphore_mem>>)
    %get3A_19 = arith.constant 3 : index
    %get3A_20 = memref.load %arg1[%get3A_19] : memref<80xi32, #tpu.memory_space<smem>>
    %dma_start3A_21 = arith.constant 3 : i32
    %dma_start3A_22 = arith.constant 0 : i32
    %dma_start3A_23 = tpu.memref_slice %arg3[%dma_start3A_21, %dma_start3A_22] : memref<80x32768xf32, #tpu.memory_space<vmem>> -> memref<1x32000xf32, #tpu.memory_space<vmem>>
    %dma_start3A_24 = arith.constant 0 : i32
    %dma_start3A_25 = tpu.memref_slice %arg2[%get3A_20, %dma_start3A_24] : memref<1024x32000xf32, #tpu.memory_space<hbm>> -> memref<1x32000xf32, #tpu.memory_space<hbm>>
    tpu.enqueue_dma source(%dma_start3A_25 : memref<1x32000xf32, #tpu.memory_space<hbm>>) target(%dma_start3A_23 : memref<1x32000xf32, #tpu.memory_space<vmem>>) target_semaphore(%arg4 : memref<!tpu.dma_semaphore, #tpu.memory_space<semaphore_mem>>)
    %get3A_26 = arith.constant 4 : index
    %get3A_27 = memref.load %arg1[%get3A_26] : memref<80xi32, #tpu.memory_space<smem>>
    %dma_start3A_28 = arith.constant 4 : i32
    %dma_start3A_29 = arith.constant 0 : i32
    %dma_start3A_30 = tpu.memref_slice %arg3[%dma_start3A_28, %dma_start3A_29] : memref<80x32768xf32, #tpu.memory_space<vmem>> -> memref<1x32000xf32, #tpu.memory_space<vmem>>
    %dma_start3A_31 = arith.constant 0 : i32
    %dma_start3A_32 = tpu.memref_slice %arg2[%get3A_27, %dma_start3A_31] : memref<1024x32000xf32, #tpu.memory_space<hbm>> -> memref<1x32000xf32, #tpu.memory_space<hbm>>
    tpu.enqueue_dma source(%dma_start3A_32 : memref<1x32000xf32, #tpu.memory_space<hbm>>) target(%dma_start3A_30 : memref<1x32000xf32, #tpu.memory_space<vmem>>) target_semaphore(%arg4 : memref<!tpu.dma_semaphore, #tpu.memory_space<semaphore_mem>>)
    %get3A_33 = arith.constant 5 : index
    %get3A_34 = memref.load %arg1[%get3A_33] : memref<80xi32, #tpu.memory_space<smem>>
    %dma_start3A_35 = arith.constant 5 : i32
    %dma_start3A_36 = arith.constant 0 : i32
    %dma_start3A_37 = tpu.memref_slice %arg3[%dma_start3A_35, %dma_start3A_36] : memref<80x32768xf32, #tpu.memory_space<vmem>> -> memref<1x32000xf32, #tpu.memory_space<vmem>>
    %dma_start3A_38 = arith.constant 0 : i32
    %dma_start3A_39 = tpu.memref_slice %arg2[%get3A_34, %dma_start3A_38] : memref<1024x32000xf32, #tpu.memory_space<hbm>> -> memref<1x32000xf32, #tpu.memory_space<hbm>>
    tpu.enqueue_dma source(%dma_start3A_39 : memref<1x32000xf32, #tpu.memory_space<hbm>>) target(%dma_start3A_37 : memref<1x32000xf32, #tpu.memory_space<vmem>>) target_semaphore(%arg4 : memref<!tpu.dma_semaphore, #tpu.memory_space<semaphore_mem>>)
    %get3A_40 = arith.constant 6 : index
    %get3A_41 = memref.load %arg1[%get3A_40] : memref<80xi32, #tpu.memory_space<smem>>
    %dma_start3A_42 = arith.constant 6 : i32
    %dma_start3A_43 = arith.constant 0 : i32
    %dma_start3A_44 = tpu.memref_slice %arg3[%dma_start3A_42, %dma_start3A_43] : memref<80x32768xf32, #tpu.memory_space<vmem>> -> memref<1x32000xf32, #tpu.memory_space<vmem>>
    %dma_start3A_45 = arith.constant 0 : i32
    %dma_start3A_46 = tpu.memref_slice %arg2[%get3A_41, %dma_start3A_45] : memref<1024x32000xf32, #tpu.memory_space<hbm>> -> memref<1x32000xf32, #tpu.memory_space<hbm>>
    tpu.enqueue_dma source(%dma_start3A_46 : memref<1x32000xf32, #tpu.memory_space<hbm>>) target(%dma_start3A_44 : memref<1x32000xf32, #tpu.memory_space<vmem>>) target_semaphore(%arg4 : memref<!tpu.dma_semaphore, #tpu.memory_space<semaphore_mem>>)
    %get3A_47 = arith.constant 7 : index
    %get3A_48 = memref.load %arg1[%get3A_47] : memref<80xi32, #tpu.memory_space<smem>>
    %dma_start3A_49 = arith.constant 7 : i32
    %dma_start3A_50 = arith.constant 0 : i32
    %dma_start3A_51 = tpu.memref_slice %arg3[%dma_start3A_49, %dma_start3A_50] : memref<80x32768xf32, #tpu.memory_space<vmem>> -> memref<1x32000xf32, #tpu.memory_space<vmem>>
    %dma_start3A_52 = arith.constant 0 : i32
    %dma_start3A_53 = tpu.memref_slice %arg2[%get3A_48, %dma_start3A_52] : memref<1024x32000xf32, #tpu.memory_space<hbm>> -> memref<1x32000xf32, #tpu.memory_space<hbm>>
    tpu.enqueue_dma source(%dma_start3A_53 : memref<1x32000xf32, #tpu.memory_space<hbm>>) target(%dma_start3A_51 : memref<1x32000xf32, #tpu.memory_space<vmem>>) target_semaphore(%arg4 : memref<!tpu.dma_semaphore, #tpu.memory_space<semaphore_mem>>)
    %get3A_54 = arith.constant 8 : index
    %get3A_55 = memref.load %arg1[%get3A_54] : memref<80xi32, #tpu.memory_space<smem>>
    %dma_start3A_56 = arith.constant 8 : i32
    %dma_start3A_57 = arith.constant 0 : i32
    %dma_start3A_58 = tpu.memref_slice %arg3[%dma_start3A_56, %dma_start3A_57] : memref<80x32768xf32, #tpu.memory_space<vmem>> -> memref<1x32000xf32, #tpu.memory_space<vmem>>
    %dma_start3A_59 = arith.constant 0 : i32
    %dma_start3A_60 = tpu.memref_slice %arg2[%get3A_55, %dma_start3A_59] : memref<1024x32000xf32, #tpu.memory_space<hbm>> -> memref<1x32000xf32, #tpu.memory_space<hbm>>
    tpu.enqueue_dma source(%dma_start3A_60 : memref<1x32000xf32, #tpu.memory_space<hbm>>) target(%dma_start3A_58 : memref<1x32000xf32, #tpu.memory_space<vmem>>) target_semaphore(%arg4 : memref<!tpu.dma_semaphore, #tpu.memory_space<semaphore_mem>>)
    %get3A_61 = arith.constant 9 : index
    %get3A_62 = memref.load %arg1[%get3A_61] : memref<80xi32, #tpu.memory_space<smem>>
    %dma_start3A_63 = arith.constant 9 : i32
    %dma_start3A_64 = arith.constant 0 : i32
    %dma_start3A_65 = tpu.memref_slice %arg3[%dma_start3A_63, %dma_start3A_64] : memref<80x32768xf32, #tpu.memory_space<vmem>> -> memref<1x32000xf32, #tpu.memory_space<vmem>>
    %dma_start3A_66 = arith.constant 0 : i32
    %dma_start3A_67 = tpu.memref_slice %arg2[%get3A_62, %dma_start3A_66] : memref<1024x32000xf32, #tpu.memory_space<hbm>> -> memref<1x32000xf32, #tpu.memory_space<hbm>>
    tpu.enqueue_dma source(%dma_start3A_67 : memref<1x32000xf32, #tpu.memory_space<hbm>>) target(%dma_start3A_65 : memref<1x32000xf32, #tpu.memory_space<vmem>>) target_semaphore(%arg4 : memref<!tpu.dma_semaphore, #tpu.memory_space<semaphore_mem>>)
    %get3A_68 = arith.constant 10 : index
    %get3A_69 = memref.load %arg1[%get3A_68] : memref<80xi32, #tpu.memory_space<smem>>
    %dma_start3A_70 = arith.constant 10 : i32
    %dma_start3A_71 = arith.constant 0 : i32
    %dma_start3A_72 = tpu.memref_slice %arg3[%dma_start3A_70, %dma_start3A_71] : memref<80x32768xf32, #tpu.memory_space<vmem>> -> memref<1x32000xf32, #tpu.memory_space<vmem>>
    %dma_start3A_73 = arith.constant 0 : i32
    %dma_start3A_74 = tpu.memref_slice %arg2[%get3A_69, %dma_start3A_73] : memref<1024x32000xf32, #tpu.memory_space<hbm>> -> memref<1x32000xf32, #tpu.memory_space<hbm>>
    tpu.enqueue_dma source(%dma_start3A_74 : memref<1x32000xf32, #tpu.memory_space<hbm>>) target(%dma_start3A_72 : memref<1x32000xf32, #tpu.memory_space<vmem>>) target_semaphore(%arg4 : memref<!tpu.dma_semaphore, #tpu.memory_space<semaphore_mem>>)
    %get3A_75 = arith.constant 11 : index
    %get3A_76 = memref.load %arg1[%get3A_75] : memref<80xi32, #tpu.memory_space<smem>>
    %dma_start3A_77 = arith.constant 11 : i32
    %dma_start3A_78 = arith.constant 0 : i32
    %dma_start3A_79 = tpu.memref_slice %arg3[%dma_start3A_77, %dma_start3A_78] : memref<80x32768xf32, #tpu.memory_space<vmem>> -> memref<1x32000xf32, #tpu.memory_space<vmem>>
    %dma_start3A_80 = arith.constant 0 : i32
    %dma_start3A_81 = tpu.memref_slice %arg2[%get3A_76, %dma_start3A_80] : memref<1024x32000xf32, #tpu.memory_space<hbm>> -> memref<1x32000xf32, #tpu.memory_space<hbm>>
    tpu.enqueue_dma source(%dma_start3A_81 : memref<1x32000xf32, #tpu.memory_space<hbm>>) target(%dma_start3A_79 : memref<1x32000xf32, #tpu.memory_space<vmem>>) target_semaphore(%arg4 : memref<!tpu.dma_semaphore, #tpu.memory_space<semaphore_mem>>)
    %get3A_82 = arith.constant 12 : index
    %get3A_83 = memref.load %arg1[%get3A_82] : memref<80xi32, #tpu.memory_space<smem>>
    %dma_start3A_84 = arith.constant 12 : i32
    %dma_start3A_85 = arith.constant 0 : i32
    %dma_start3A_86 = tpu.memref_slice %arg3[%dma_start3A_84, %dma_start3A_85] : memref<80x32768xf32, #tpu.memory_space<vmem>> -> memref<1x32000xf32, #tpu.memory_space<vmem>>
    %dma_start3A_87 = arith.constant 0 : i32
    %dma_start3A_88 = tpu.memref_slice %arg2[%get3A_83, %dma_start3A_87] : memref<1024x32000xf32, #tpu.memory_space<hbm>> -> memref<1x32000xf32, #tpu.memory_space<hbm>>
    tpu.enqueue_dma source(%dma_start3A_88 : memref<1x32000xf32, #tpu.memory_space<hbm>>) target(%dma_start3A_86 : memref<1x32000xf32, #tpu.memory_space<vmem>>) target_semaphore(%arg4 : memref<!tpu.dma_semaphore, #tpu.memory_space<semaphore_mem>>)
    %get3A_89 = arith.constant 13 : index
    %get3A_90 = memref.load %arg1[%get3A_89] : memref<80xi32, #tpu.memory_space<smem>>
    %dma_start3A_91 = arith.constant 13 : i32
    %dma_start3A_92 = arith.constant 0 : i32
    %dma_start3A_93 = tpu.memref_slice %arg3[%dma_start3A_91, %dma_start3A_92] : memref<80x32768xf32, #tpu.memory_space<vmem>> -> memref<1x32000xf32, #tpu.memory_space<vmem>>
    %dma_start3A_94 = arith.constant 0 : i32
    %dma_start3A_95 = tpu.memref_slice %arg2[%get3A_90, %dma_start3A_94] : memref<1024x32000xf32, #tpu.memory_space<hbm>> -> memref<1x32000xf32, #tpu.memory_space<hbm>>
    tpu.enqueue_dma source(%dma_start3A_95 : memref<1x32000xf32, #tpu.memory_space<hbm>>) target(%dma_start3A_93 : memref<1x32000xf32, #tpu.memory_space<vmem>>) target_semaphore(%arg4 : memref<!tpu.dma_semaphore, #tpu.memory_space<semaphore_mem>>)
    %get3A_96 = arith.constant 14 : index
    %get3A_97 = memref.load %arg1[%get3A_96] : memref<80xi32, #tpu.memory_space<smem>>
    %dma_start3A_98 = arith.constant 14 : i32
    %dma_start3A_99 = arith.constant 0 : i32
    %dma_start3A_100 = tpu.memref_slice %arg3[%dma_start3A_98, %dma_start3A_99] : memref<80x32768xf32, #tpu.memory_space<vmem>> -> memref<1x32000xf32, #tpu.memory_space<vmem>>
    %dma_start3A_101 = arith.constant 0 : i32
    %dma_start3A_102 = tpu.memref_slice %arg2[%get3A_97, %dma_start3A_101] : memref<1024x32000xf32, #tpu.memory_space<hbm>> -> memref<1x32000xf32, #tpu.memory_space<hbm>>
    tpu.enqueue_dma source(%dma_start3A_102 : memref<1x32000xf32, #tpu.memory_space<hbm>>) target(%dma_start3A_100 : memref<1x32000xf32, #tpu.memory_space<vmem>>) target_semaphore(%arg4 : memref<!tpu.dma_semaphore, #tpu.memory_space<semaphore_mem>>)
    %get3A_103 = arith.constant 15 : index
    %get3A_104 = memref.load %arg1[%get3A_103] : memref<80xi32, #tpu.memory_space<smem>>
    %dma_start3A_105 = arith.constant 15 : i32
    %dma_start3A_106 = arith.constant 0 : i32
    %dma_start3A_107 = tpu.memref_slice %arg3[%dma_start3A_105, %dma_start3A_106] : memref<80x32768xf32, #tpu.memory_space<vmem>> -> memref<1x32000xf32, #tpu.memory_space<vmem>>
    %dma_start3A_108 = arith.constant 0 : i32
    %dma_start3A_109 = tpu.memref_slice %arg2[%get3A_104, %dma_start3A_108] : memref<1024x32000xf32, #tpu.memory_space<hbm>> -> memref<1x32000xf32, #tpu.memory_space<hbm>>
    tpu.enqueue_dma source(%dma_start3A_109 : memref<1x32000xf32, #tpu.memory_space<hbm>>) target(%dma_start3A_107 : memref<1x32000xf32, #tpu.memory_space<vmem>>) target_semaphore(%arg4 : memref<!tpu.dma_semaphore, #tpu.memory_space<semaphore_mem>>)
    %get3A_110 = arith.constant 16 : index
    %get3A_111 = memref.load %arg1[%get3A_110] : memref<80xi32, #tpu.memory_space<smem>>
    %dma_start3A_112 = arith.constant 16 : i32
    %dma_start3A_113 = arith.constant 0 : i32
    %dma_start3A_114 = tpu.memref_slice %arg3[%dma_start3A_112, %dma_start3A_113] : memref<80x32768xf32, #tpu.memory_space<vmem>> -> memref<1x32000xf32, #tpu.memory_space<vmem>>
    %dma_start3A_115 = arith.constant 0 : i32
    %dma_start3A_116 = tpu.memref_slice %arg2[%get3A_111, %dma_start3A_115] : memref<1024x32000xf32, #tpu.memory_space<hbm>> -> memref<1x32000xf32, #tpu.memory_space<hbm>>
    tpu.enqueue_dma source(%dma_start3A_116 : memref<1x32000xf32, #tpu.memory_space<hbm>>) target(%dma_start3A_114 : memref<1x32000xf32, #tpu.memory_space<vmem>>) target_semaphore(%arg4 : memref<!tpu.dma_semaphore, #tpu.memory_space<semaphore_mem>>)
    %get3A_117 = arith.constant 17 : index
    %get3A_118 = memref.load %arg1[%get3A_117] : memref<80xi32, #tpu.memory_space<smem>>
    %dma_start3A_119 = arith.constant 17 : i32
    %dma_start3A_120 = arith.constant 0 : i32
    %dma_start3A_121 = tpu.memref_slice %arg3[%dma_start3A_119, %dma_start3A_120] : memref<80x32768xf32, #tpu.memory_space<vmem>> -> memref<1x32000xf32, #tpu.memory_space<vmem>>
    %dma_start3A_122 = arith.constant 0 : i32
    %dma_start3A_123 = tpu.memref_slice %arg2[%get3A_118, %dma_start3A_122] : memref<1024x32000xf32, #tpu.memory_space<hbm>> -> memref<1x32000xf32, #tpu.memory_space<hbm>>
    tpu.enqueue_dma source(%dma_start3A_123 : memref<1x32000xf32, #tpu.memory_space<hbm>>) target(%dma_start3A_121 : memref<1x32000xf32, #tpu.memory_space<vmem>>) target_semaphore(%arg4 : memref<!tpu.dma_semaphore, #tpu.memory_space<semaphore_mem>>)
    %get3A_124 = arith.constant 18 : index
    %get3A_125 = memref.load %arg1[%get3A_124] : memref<80xi32, #tpu.memory_space<smem>>
    %dma_start3A_126 = arith.constant 18 : i32
    %dma_start3A_127 = arith.constant 0 : i32
    %dma_start3A_128 = tpu.memref_slice %arg3[%dma_start3A_126, %dma_start3A_127] : memref<80x32768xf32, #tpu.memory_space<vmem>> -> memref<1x32000xf32, #tpu.memory_space<vmem>>
    %dma_start3A_129 = arith.constant 0 : i32
    %dma_start3A_130 = tpu.memref_slice %arg2[%get3A_125, %dma_start3A_129] : memref<1024x32000xf32, #tpu.memory_space<hbm>> -> memref<1x32000xf32, #tpu.memory_space<hbm>>
    tpu.enqueue_dma source(%dma_start3A_130 : memref<1x32000xf32, #tpu.memory_space<hbm>>) target(%dma_start3A_128 : memref<1x32000xf32, #tpu.memory_space<vmem>>) target_semaphore(%arg4 : memref<!tpu.dma_semaphore, #tpu.memory_space<semaphore_mem>>)
    %get3A_131 = arith.constant 19 : index
    %get3A_132 = memref.load %arg1[%get3A_131] : memref<80xi32, #tpu.memory_space<smem>>
    %dma_start3A_133 = arith.constant 19 : i32
    %dma_start3A_134 = arith.constant 0 : i32
    %dma_start3A_135 = tpu.memref_slice %arg3[%dma_start3A_133, %dma_start3A_134] : memref<80x32768xf32, #tpu.memory_space<vmem>> -> memref<1x32000xf32, #tpu.memory_space<vmem>>
    %dma_start3A_136 = arith.constant 0 : i32
    %dma_start3A_137 = tpu.memref_slice %arg2[%get3A_132, %dma_start3A_136] : memref<1024x32000xf32, #tpu.memory_space<hbm>> -> memref<1x32000xf32, #tpu.memory_space<hbm>>
    tpu.enqueue_dma source(%dma_start3A_137 : memref<1x32000xf32, #tpu.memory_space<hbm>>) target(%dma_start3A_135 : memref<1x32000xf32, #tpu.memory_space<vmem>>) target_semaphore(%arg4 : memref<!tpu.dma_semaphore, #tpu.memory_space<semaphore_mem>>)
    %get3A_138 = arith.constant 20 : index
    %get3A_139 = memref.load %arg1[%get3A_138] : memref<80xi32, #tpu.memory_space<smem>>
    %dma_start3A_140 = arith.constant 20 : i32
    %dma_start3A_141 = arith.constant 0 : i32
    %dma_start3A_142 = tpu.memref_slice %arg3[%dma_start3A_140, %dma_start3A_141] : memref<80x32768xf32, #tpu.memory_space<vmem>> -> memref<1x32000xf32, #tpu.memory_space<vmem>>
    %dma_start3A_143 = arith.constant 0 : i32
    %dma_start3A_144 = tpu.memref_slice %arg2[%get3A_139, %dma_start3A_143] : memref<1024x32000xf32, #tpu.memory_space<hbm>> -> memref<1x32000xf32, #tpu.memory_space<hbm>>
    tpu.enqueue_dma source(%dma_start3A_144 : memref<1x32000xf32, #tpu.memory_space<hbm>>) target(%dma_start3A_142 : memref<1x32000xf32, #tpu.memory_space<vmem>>) target_semaphore(%arg4 : memref<!tpu.dma_semaphore, #tpu.memory_space<semaphore_mem>>)
    %get3A_145 = arith.constant 21 : index
    %get3A_146 = memref.load %arg1[%get3A_145] : memref<80xi32, #tpu.memory_space<smem>>
    %dma_start3A_147 = arith.constant 21 : i32
    %dma_start3A_148 = arith.constant 0 : i32
    %dma_start3A_149 = tpu.memref_slice %arg3[%dma_start3A_147, %dma_start3A_148] : memref<80x32768xf32, #tpu.memory_space<vmem>> -> memref<1x32000xf32, #tpu.memory_space<vmem>>
    %dma_start3A_150 = arith.constant 0 : i32
    %dma_start3A_151 = tpu.memref_slice %arg2[%get3A_146, %dma_start3A_150] : memref<1024x32000xf32, #tpu.memory_space<hbm>> -> memref<1x32000xf32, #tpu.memory_space<hbm>>
    tpu.enqueue_dma source(%dma_start3A_151 : memref<1x32000xf32, #tpu.memory_space<hbm>>) target(%dma_start3A_149 : memref<1x32000xf32, #tpu.memory_space<vmem>>) target_semaphore(%arg4 : memref<!tpu.dma_semaphore, #tpu.memory_space<semaphore_mem>>)
    %get3A_152 = arith.constant 22 : index
    %get3A_153 = memref.load %arg1[%get3A_152] : memref<80xi32, #tpu.memory_space<smem>>
    %dma_start3A_154 = arith.constant 22 : i32
    %dma_start3A_155 = arith.constant 0 : i32
    %dma_start3A_156 = tpu.memref_slice %arg3[%dma_start3A_154, %dma_start3A_155] : memref<80x32768xf32, #tpu.memory_space<vmem>> -> memref<1x32000xf32, #tpu.memory_space<vmem>>
    %dma_start3A_157 = arith.constant 0 : i32
    %dma_start3A_158 = tpu.memref_slice %arg2[%get3A_153, %dma_start3A_157] : memref<1024x32000xf32, #tpu.memory_space<hbm>> -> memref<1x32000xf32, #tpu.memory_space<hbm>>
    tpu.enqueue_dma source(%dma_start3A_158 : memref<1x32000xf32, #tpu.memory_space<hbm>>) target(%dma_start3A_156 : memref<1x32000xf32, #tpu.memory_space<vmem>>) target_semaphore(%arg4 : memref<!tpu.dma_semaphore, #tpu.memory_space<semaphore_mem>>)
    %get3A_159 = arith.constant 23 : index
    %get3A_160 = memref.load %arg1[%get3A_159] : memref<80xi32, #tpu.memory_space<smem>>
    %dma_start3A_161 = arith.constant 23 : i32
    %dma_start3A_162 = arith.constant 0 : i32
    %dma_start3A_163 = tpu.memref_slice %arg3[%dma_start3A_161, %dma_start3A_162] : memref<80x32768xf32, #tpu.memory_space<vmem>> -> memref<1x32000xf32, #tpu.memory_space<vmem>>
    %dma_start3A_164 = arith.constant 0 : i32
    %dma_start3A_165 = tpu.memref_slice %arg2[%get3A_160, %dma_start3A_164] : memref<1024x32000xf32, #tpu.memory_space<hbm>> -> memref<1x32000xf32, #tpu.memory_space<hbm>>
    tpu.enqueue_dma source(%dma_start3A_165 : memref<1x32000xf32, #tpu.memory_space<hbm>>) target(%dma_start3A_163 : memref<1x32000xf32, #tpu.memory_space<vmem>>) target_semaphore(%arg4 : memref<!tpu.dma_semaphore, #tpu.memory_space<semaphore_mem>>)
    %get3A_166 = arith.constant 24 : index
    %get3A_167 = memref.load %arg1[%get3A_166] : memref<80xi32, #tpu.memory_space<smem>>
    %dma_start3A_168 = arith.constant 24 : i32
    %dma_start3A_169 = arith.constant 0 : i32
    %dma_start3A_170 = tpu.memref_slice %arg3[%dma_start3A_168, %dma_start3A_169] : memref<80x32768xf32, #tpu.memory_space<vmem>> -> memref<1x32000xf32, #tpu.memory_space<vmem>>
    %dma_start3A_171 = arith.constant 0 : i32
    %dma_start3A_172 = tpu.memref_slice %arg2[%get3A_167, %dma_start3A_171] : memref<1024x32000xf32, #tpu.memory_space<hbm>> -> memref<1x32000xf32, #tpu.memory_space<hbm>>
    tpu.enqueue_dma source(%dma_start3A_172 : memref<1x32000xf32, #tpu.memory_space<hbm>>) target(%dma_start3A_170 : memref<1x32000xf32, #tpu.memory_space<vmem>>) target_semaphore(%arg4 : memref<!tpu.dma_semaphore, #tpu.memory_space<semaphore_mem>>)
    %get3A_173 = arith.constant 25 : index
    %get3A_174 = memref.load %arg1[%get3A_173] : memref<80xi32, #tpu.memory_space<smem>>
    %dma_start3A_175 = arith.constant 25 : i32
    %dma_start3A_176 = arith.constant 0 : i32
    %dma_start3A_177 = tpu.memref_slice %arg3[%dma_start3A_175, %dma_start3A_176] : memref<80x32768xf32, #tpu.memory_space<vmem>> -> memref<1x32000xf32, #tpu.memory_space<vmem>>
    %dma_start3A_178 = arith.constant 0 : i32
    %dma_start3A_179 = tpu.memref_slice %arg2[%get3A_174, %dma_start3A_178] : memref<1024x32000xf32, #tpu.memory_space<hbm>> -> memref<1x32000xf32, #tpu.memory_space<hbm>>
    tpu.enqueue_dma source(%dma_start3A_179 : memref<1x32000xf32, #tpu.memory_space<hbm>>) target(%dma_start3A_177 : memref<1x32000xf32, #tpu.memory_space<vmem>>) target_semaphore(%arg4 : memref<!tpu.dma_semaphore, #tpu.memory_space<semaphore_mem>>)
    %get3A_180 = arith.constant 26 : index
    %get3A_181 = memref.load %arg1[%get3A_180] : memref<80xi32, #tpu.memory_space<smem>>
    %dma_start3A_182 = arith.constant 26 : i32
    %dma_start3A_183 = arith.constant 0 : i32
    %dma_start3A_184 = tpu.memref_slice %arg3[%dma_start3A_182, %dma_start3A_183] : memref<80x32768xf32, #tpu.memory_space<vmem>> -> memref<1x32000xf32, #tpu.memory_space<vmem>>
    %dma_start3A_185 = arith.constant 0 : i32
    %dma_start3A_186 = tpu.memref_slice %arg2[%get3A_181, %dma_start3A_185] : memref<1024x32000xf32, #tpu.memory_space<hbm>> -> memref<1x32000xf32, #tpu.memory_space<hbm>>
    tpu.enqueue_dma source(%dma_start3A_186 : memref<1x32000xf32, #tpu.memory_space<hbm>>) target(%dma_start3A_184 : memref<1x32000xf32, #tpu.memory_space<vmem>>) target_semaphore(%arg4 : memref<!tpu.dma_semaphore, #tpu.memory_space<semaphore_mem>>)
    %get3A_187 = arith.constant 27 : index
    %get3A_188 = memref.load %arg1[%get3A_187] : memref<80xi32, #tpu.memory_space<smem>>
    %dma_start3A_189 = arith.constant 27 : i32
    %dma_start3A_190 = arith.constant 0 : i32
    %dma_start3A_191 = tpu.memref_slice %arg3[%dma_start3A_189, %dma_start3A_190] : memref<80x32768xf32, #tpu.memory_space<vmem>> -> memref<1x32000xf32, #tpu.memory_space<vmem>>
    %dma_start3A_192 = arith.constant 0 : i32
    %dma_start3A_193 = tpu.memref_slice %arg2[%get3A_188, %dma_start3A_192] : memref<1024x32000xf32, #tpu.memory_space<hbm>> -> memref<1x32000xf32, #tpu.memory_space<hbm>>
    tpu.enqueue_dma source(%dma_start3A_193 : memref<1x32000xf32, #tpu.memory_space<hbm>>) target(%dma_start3A_191 : memref<1x32000xf32, #tpu.memory_space<vmem>>) target_semaphore(%arg4 : memref<!tpu.dma_semaphore, #tpu.memory_space<semaphore_mem>>)
    %get3A_194 = arith.constant 28 : index
    %get3A_195 = memref.load %arg1[%get3A_194] : memref<80xi32, #tpu.memory_space<smem>>
    %dma_start3A_196 = arith.constant 28 : i32
    %dma_start3A_197 = arith.constant 0 : i32
    %dma_start3A_198 = tpu.memref_slice %arg3[%dma_start3A_196, %dma_start3A_197] : memref<80x32768xf32, #tpu.memory_space<vmem>> -> memref<1x32000xf32, #tpu.memory_space<vmem>>
    %dma_start3A_199 = arith.constant 0 : i32
    %dma_start3A_200 = tpu.memref_slice %arg2[%get3A_195, %dma_start3A_199] : memref<1024x32000xf32, #tpu.memory_space<hbm>> -> memref<1x32000xf32, #tpu.memory_space<hbm>>
    tpu.enqueue_dma source(%dma_start3A_200 : memref<1x32000xf32, #tpu.memory_space<hbm>>) target(%dma_start3A_198 : memref<1x32000xf32, #tpu.memory_space<vmem>>) target_semaphore(%arg4 : memref<!tpu.dma_semaphore, #tpu.memory_space<semaphore_mem>>)
    %get3A_201 = arith.constant 29 : index
    %get3A_202 = memref.load %arg1[%get3A_201] : memref<80xi32, #tpu.memory_space<smem>>
    %dma_start3A_203 = arith.constant 29 : i32
    %dma_start3A_204 = arith.constant 0 : i32
    %dma_start3A_205 = tpu.memref_slice %arg3[%dma_start3A_203, %dma_start3A_204] : memref<80x32768xf32, #tpu.memory_space<vmem>> -> memref<1x32000xf32, #tpu.memory_space<vmem>>
    %dma_start3A_206 = arith.constant 0 : i32
    %dma_start3A_207 = tpu.memref_slice %arg2[%get3A_202, %dma_start3A_206] : memref<1024x32000xf32, #tpu.memory_space<hbm>> -> memref<1x32000xf32, #tpu.memory_space<hbm>>
    tpu.enqueue_dma source(%dma_start3A_207 : memref<1x32000xf32, #tpu.memory_space<hbm>>) target(%dma_start3A_205 : memref<1x32000xf32, #tpu.memory_space<vmem>>) target_semaphore(%arg4 : memref<!tpu.dma_semaphore, #tpu.memory_space<semaphore_mem>>)
    %get3A_208 = arith.constant 30 : index
    %get3A_209 = memref.load %arg1[%get3A_208] : memref<80xi32, #tpu.memory_space<smem>>
    %dma_start3A_210 = arith.constant 30 : i32
    %dma_start3A_211 = arith.constant 0 : i32
    %dma_start3A_212 = tpu.memref_slice %arg3[%dma_start3A_210, %dma_start3A_211] : memref<80x32768xf32, #tpu.memory_space<vmem>> -> memref<1x32000xf32, #tpu.memory_space<vmem>>
    %dma_start3A_213 = arith.constant 0 : i32
    %dma_start3A_214 = tpu.memref_slice %arg2[%get3A_209, %dma_start3A_213] : memref<1024x32000xf32, #tpu.memory_space<hbm>> -> memref<1x32000xf32, #tpu.memory_space<hbm>>
    tpu.enqueue_dma source(%dma_start3A_214 : memref<1x32000xf32, #tpu.memory_space<hbm>>) target(%dma_start3A_212 : memref<1x32000xf32, #tpu.memory_space<vmem>>) target_semaphore(%arg4 : memref<!tpu.dma_semaphore, #tpu.memory_space<semaphore_mem>>)
    %get3A_215 = arith.constant 31 : index
    %get3A_216 = memref.load %arg1[%get3A_215] : memref<80xi32, #tpu.memory_space<smem>>
    %dma_start3A_217 = arith.constant 31 : i32
    %dma_start3A_218 = arith.constant 0 : i32
    %dma_start3A_219 = tpu.memref_slice %arg3[%dma_start3A_217, %dma_start3A_218] : memref<80x32768xf32, #tpu.memory_space<vmem>> -> memref<1x32000xf32, #tpu.memory_space<vmem>>
    %dma_start3A_220 = arith.constant 0 : i32
    %dma_start3A_221 = tpu.memref_slice %arg2[%get3A_216, %dma_start3A_220] : memref<1024x32000xf32, #tpu.memory_space<hbm>> -> memref<1x32000xf32, #tpu.memory_space<hbm>>
    tpu.enqueue_dma source(%dma_start3A_221 : memref<1x32000xf32, #tpu.memory_space<hbm>>) target(%dma_start3A_219 : memref<1x32000xf32, #tpu.memory_space<vmem>>) target_semaphore(%arg4 : memref<!tpu.dma_semaphore, #tpu.memory_space<semaphore_mem>>)
    %get3A_222 = arith.constant 32 : index
    %get3A_223 = memref.load %arg1[%get3A_222] : memref<80xi32, #tpu.memory_space<smem>>
    %dma_start3A_224 = arith.constant 32 : i32
    %dma_start3A_225 = arith.constant 0 : i32
    %dma_start3A_226 = tpu.memref_slice %arg3[%dma_start3A_224, %dma_start3A_225] : memref<80x32768xf32, #tpu.memory_space<vmem>> -> memref<1x32000xf32, #tpu.memory_space<vmem>>
    %dma_start3A_227 = arith.constant 0 : i32
    %dma_start3A_228 = tpu.memref_slice %arg2[%get3A_223, %dma_start3A_227] : memref<1024x32000xf32, #tpu.memory_space<hbm>> -> memref<1x32000xf32, #tpu.memory_space<hbm>>
    tpu.enqueue_dma source(%dma_start3A_228 : memref<1x32000xf32, #tpu.memory_space<hbm>>) target(%dma_start3A_226 : memref<1x32000xf32, #tpu.memory_space<vmem>>) target_semaphore(%arg4 : memref<!tpu.dma_semaphore, #tpu.memory_space<semaphore_mem>>)
    %get3A_229 = arith.constant 33 : index
    %get3A_230 = memref.load %arg1[%get3A_229] : memref<80xi32, #tpu.memory_space<smem>>
    %dma_start3A_231 = arith.constant 33 : i32
    %dma_start3A_232 = arith.constant 0 : i32
    %dma_start3A_233 = tpu.memref_slice %arg3[%dma_start3A_231, %dma_start3A_232] : memref<80x32768xf32, #tpu.memory_space<vmem>> -> memref<1x32000xf32, #tpu.memory_space<vmem>>
    %dma_start3A_234 = arith.constant 0 : i32
    %dma_start3A_235 = tpu.memref_slice %arg2[%get3A_230, %dma_start3A_234] : memref<1024x32000xf32, #tpu.memory_space<hbm>> -> memref<1x32000xf32, #tpu.memory_space<hbm>>
    tpu.enqueue_dma source(%dma_start3A_235 : memref<1x32000xf32, #tpu.memory_space<hbm>>) target(%dma_start3A_233 : memref<1x32000xf32, #tpu.memory_space<vmem>>) target_semaphore(%arg4 : memref<!tpu.dma_semaphore, #tpu.memory_space<semaphore_mem>>)
    %get3A_236 = arith.constant 34 : index
    %get3A_237 = memref.load %arg1[%get3A_236] : memref<80xi32, #tpu.memory_space<smem>>
    %dma_start3A_238 = arith.constant 34 : i32
    %dma_start3A_239 = arith.constant 0 : i32
    %dma_start3A_240 = tpu.memref_slice %arg3[%dma_start3A_238, %dma_start3A_239] : memref<80x32768xf32, #tpu.memory_space<vmem>> -> memref<1x32000xf32, #tpu.memory_space<vmem>>
    %dma_start3A_241 = arith.constant 0 : i32
    %dma_start3A_242 = tpu.memref_slice %arg2[%get3A_237, %dma_start3A_241] : memref<1024x32000xf32, #tpu.memory_space<hbm>> -> memref<1x32000xf32, #tpu.memory_space<hbm>>
    tpu.enqueue_dma source(%dma_start3A_242 : memref<1x32000xf32, #tpu.memory_space<hbm>>) target(%dma_start3A_240 : memref<1x32000xf32, #tpu.memory_space<vmem>>) target_semaphore(%arg4 : memref<!tpu.dma_semaphore, #tpu.memory_space<semaphore_mem>>)
    %get3A_243 = arith.constant 35 : index
    %get3A_244 = memref.load %arg1[%get3A_243] : memref<80xi32, #tpu.memory_space<smem>>
    %dma_start3A_245 = arith.constant 35 : i32
    %dma_start3A_246 = arith.constant 0 : i32
    %dma_start3A_247 = tpu.memref_slice %arg3[%dma_start3A_245, %dma_start3A_246] : memref<80x32768xf32, #tpu.memory_space<vmem>> -> memref<1x32000xf32, #tpu.memory_space<vmem>>
    %dma_start3A_248 = arith.constant 0 : i32
    %dma_start3A_249 = tpu.memref_slice %arg2[%get3A_244, %dma_start3A_248] : memref<1024x32000xf32, #tpu.memory_space<hbm>> -> memref<1x32000xf32, #tpu.memory_space<hbm>>
    tpu.enqueue_dma source(%dma_start3A_249 : memref<1x32000xf32, #tpu.memory_space<hbm>>) target(%dma_start3A_247 : memref<1x32000xf32, #tpu.memory_space<vmem>>) target_semaphore(%arg4 : memref<!tpu.dma_semaphore, #tpu.memory_space<semaphore_mem>>)
    %get3A_250 = arith.constant 36 : index
    %get3A_251 = memref.load %arg1[%get3A_250] : memref<80xi32, #tpu.memory_space<smem>>
    %dma_start3A_252 = arith.constant 36 : i32
    %dma_start3A_253 = arith.constant 0 : i32
    %dma_start3A_254 = tpu.memref_slice %arg3[%dma_start3A_252, %dma_start3A_253] : memref<80x32768xf32, #tpu.memory_space<vmem>> -> memref<1x32000xf32, #tpu.memory_space<vmem>>
    %dma_start3A_255 = arith.constant 0 : i32
    %dma_start3A_256 = tpu.memref_slice %arg2[%get3A_251, %dma_start3A_255] : memref<1024x32000xf32, #tpu.memory_space<hbm>> -> memref<1x32000xf32, #tpu.memory_space<hbm>>
    tpu.enqueue_dma source(%dma_start3A_256 : memref<1x32000xf32, #tpu.memory_space<hbm>>) target(%dma_start3A_254 : memref<1x32000xf32, #tpu.memory_space<vmem>>) target_semaphore(%arg4 : memref<!tpu.dma_semaphore, #tpu.memory_space<semaphore_mem>>)
    %get3A_257 = arith.constant 37 : index
    %get3A_258 = memref.load %arg1[%get3A_257] : memref<80xi32, #tpu.memory_space<smem>>
    %dma_start3A_259 = arith.constant 37 : i32
    %dma_start3A_260 = arith.constant 0 : i32
    %dma_start3A_261 = tpu.memref_slice %arg3[%dma_start3A_259, %dma_start3A_260] : memref<80x32768xf32, #tpu.memory_space<vmem>> -> memref<1x32000xf32, #tpu.memory_space<vmem>>
    %dma_start3A_262 = arith.constant 0 : i32
    %dma_start3A_263 = tpu.memref_slice %arg2[%get3A_258, %dma_start3A_262] : memref<1024x32000xf32, #tpu.memory_space<hbm>> -> memref<1x32000xf32, #tpu.memory_space<hbm>>
    tpu.enqueue_dma source(%dma_start3A_263 : memref<1x32000xf32, #tpu.memory_space<hbm>>) target(%dma_start3A_261 : memref<1x32000xf32, #tpu.memory_space<vmem>>) target_semaphore(%arg4 : memref<!tpu.dma_semaphore, #tpu.memory_space<semaphore_mem>>)
    %get3A_264 = arith.constant 38 : index
    %get3A_265 = memref.load %arg1[%get3A_264] : memref<80xi32, #tpu.memory_space<smem>>
    %dma_start3A_266 = arith.constant 38 : i32
    %dma_start3A_267 = arith.constant 0 : i32
    %dma_start3A_268 = tpu.memref_slice %arg3[%dma_start3A_266, %dma_start3A_267] : memref<80x32768xf32, #tpu.memory_space<vmem>> -> memref<1x32000xf32, #tpu.memory_space<vmem>>
    %dma_start3A_269 = arith.constant 0 : i32
    %dma_start3A_270 = tpu.memref_slice %arg2[%get3A_265, %dma_start3A_269] : memref<1024x32000xf32, #tpu.memory_space<hbm>> -> memref<1x32000xf32, #tpu.memory_space<hbm>>
    tpu.enqueue_dma source(%dma_start3A_270 : memref<1x32000xf32, #tpu.memory_space<hbm>>) target(%dma_start3A_268 : memref<1x32000xf32, #tpu.memory_space<vmem>>) target_semaphore(%arg4 : memref<!tpu.dma_semaphore, #tpu.memory_space<semaphore_mem>>)
    %get3A_271 = arith.constant 39 : index
    %get3A_272 = memref.load %arg1[%get3A_271] : memref<80xi32, #tpu.memory_space<smem>>
    %dma_start3A_273 = arith.constant 39 : i32
    %dma_start3A_274 = arith.constant 0 : i32
    %dma_start3A_275 = tpu.memref_slice %arg3[%dma_start3A_273, %dma_start3A_274] : memref<80x32768xf32, #tpu.memory_space<vmem>> -> memref<1x32000xf32, #tpu.memory_space<vmem>>
    %dma_start3A_276 = arith.constant 0 : i32
    %dma_start3A_277 = tpu.memref_slice %arg2[%get3A_272, %dma_start3A_276] : memref<1024x32000xf32, #tpu.memory_space<hbm>> -> memref<1x32000xf32, #tpu.memory_space<hbm>>
    tpu.enqueue_dma source(%dma_start3A_277 : memref<1x32000xf32, #tpu.memory_space<hbm>>) target(%dma_start3A_275 : memref<1x32000xf32, #tpu.memory_space<vmem>>) target_semaphore(%arg4 : memref<!tpu.dma_semaphore, #tpu.memory_space<semaphore_mem>>)
    %get3A_278 = arith.constant 40 : index
    %get3A_279 = memref.load %arg1[%get3A_278] : memref<80xi32, #tpu.memory_space<smem>>
    %dma_start3A_280 = arith.constant 40 : i32
    %dma_start3A_281 = arith.constant 0 : i32
    %dma_start3A_282 = tpu.memref_slice %arg3[%dma_start3A_280, %dma_start3A_281] : memref<80x32768xf32, #tpu.memory_space<vmem>> -> memref<1x32000xf32, #tpu.memory_space<vmem>>
    %dma_start3A_283 = arith.constant 0 : i32
    %dma_start3A_284 = tpu.memref_slice %arg2[%get3A_279, %dma_start3A_283] : memref<1024x32000xf32, #tpu.memory_space<hbm>> -> memref<1x32000xf32, #tpu.memory_space<hbm>>
    tpu.enqueue_dma source(%dma_start3A_284 : memref<1x32000xf32, #tpu.memory_space<hbm>>) target(%dma_start3A_282 : memref<1x32000xf32, #tpu.memory_space<vmem>>) target_semaphore(%arg4 : memref<!tpu.dma_semaphore, #tpu.memory_space<semaphore_mem>>)
    %get3A_285 = arith.constant 41 : index
    %get3A_286 = memref.load %arg1[%get3A_285] : memref<80xi32, #tpu.memory_space<smem>>
    %dma_start3A_287 = arith.constant 41 : i32
    %dma_start3A_288 = arith.constant 0 : i32
    %dma_start3A_289 = tpu.memref_slice %arg3[%dma_start3A_287, %dma_start3A_288] : memref<80x32768xf32, #tpu.memory_space<vmem>> -> memref<1x32000xf32, #tpu.memory_space<vmem>>
    %dma_start3A_290 = arith.constant 0 : i32
    %dma_start3A_291 = tpu.memref_slice %arg2[%get3A_286, %dma_start3A_290] : memref<1024x32000xf32, #tpu.memory_space<hbm>> -> memref<1x32000xf32, #tpu.memory_space<hbm>>
    tpu.enqueue_dma source(%dma_start3A_291 : memref<1x32000xf32, #tpu.memory_space<hbm>>) target(%dma_start3A_289 : memref<1x32000xf32, #tpu.memory_space<vmem>>) target_semaphore(%arg4 : memref<!tpu.dma_semaphore, #tpu.memory_space<semaphore_mem>>)
    %get3A_292 = arith.constant 42 : index
    %get3A_293 = memref.load %arg1[%get3A_292] : memref<80xi32, #tpu.memory_space<smem>>
    %dma_start3A_294 = arith.constant 42 : i32
    %dma_start3A_295 = arith.constant 0 : i32
    %dma_start3A_296 = tpu.memref_slice %arg3[%dma_start3A_294, %dma_start3A_295] : memref<80x32768xf32, #tpu.memory_space<vmem>> -> memref<1x32000xf32, #tpu.memory_space<vmem>>
    %dma_start3A_297 = arith.constant 0 : i32
    %dma_start3A_298 = tpu.memref_slice %arg2[%get3A_293, %dma_start3A_297] : memref<1024x32000xf32, #tpu.memory_space<hbm>> -> memref<1x32000xf32, #tpu.memory_space<hbm>>
    tpu.enqueue_dma source(%dma_start3A_298 : memref<1x32000xf32, #tpu.memory_space<hbm>>) target(%dma_start3A_296 : memref<1x32000xf32, #tpu.memory_space<vmem>>) target_semaphore(%arg4 : memref<!tpu.dma_semaphore, #tpu.memory_space<semaphore_mem>>)
    %get3A_299 = arith.constant 43 : index
    %get3A_300 = memref.load %arg1[%get3A_299] : memref<80xi32, #tpu.memory_space<smem>>
    %dma_start3A_301 = arith.constant 43 : i32
    %dma_start3A_302 = arith.constant 0 : i32
    %dma_start3A_303 = tpu.memref_slice %arg3[%dma_start3A_301, %dma_start3A_302] : memref<80x32768xf32, #tpu.memory_space<vmem>> -> memref<1x32000xf32, #tpu.memory_space<vmem>>
    %dma_start3A_304 = arith.constant 0 : i32
    %dma_start3A_305 = tpu.memref_slice %arg2[%get3A_300, %dma_start3A_304] : memref<1024x32000xf32, #tpu.memory_space<hbm>> -> memref<1x32000xf32, #tpu.memory_space<hbm>>
    tpu.enqueue_dma source(%dma_start3A_305 : memref<1x32000xf32, #tpu.memory_space<hbm>>) target(%dma_start3A_303 : memref<1x32000xf32, #tpu.memory_space<vmem>>) target_semaphore(%arg4 : memref<!tpu.dma_semaphore, #tpu.memory_space<semaphore_mem>>)
    %get3A_306 = arith.constant 44 : index
    %get3A_307 = memref.load %arg1[%get3A_306] : memref<80xi32, #tpu.memory_space<smem>>
    %dma_start3A_308 = arith.constant 44 : i32
    %dma_start3A_309 = arith.constant 0 : i32
    %dma_start3A_310 = tpu.memref_slice %arg3[%dma_start3A_308, %dma_start3A_309] : memref<80x32768xf32, #tpu.memory_space<vmem>> -> memref<1x32000xf32, #tpu.memory_space<vmem>>
    %dma_start3A_311 = arith.constant 0 : i32
    %dma_start3A_312 = tpu.memref_slice %arg2[%get3A_307, %dma_start3A_311] : memref<1024x32000xf32, #tpu.memory_space<hbm>> -> memref<1x32000xf32, #tpu.memory_space<hbm>>
    tpu.enqueue_dma source(%dma_start3A_312 : memref<1x32000xf32, #tpu.memory_space<hbm>>) target(%dma_start3A_310 : memref<1x32000xf32, #tpu.memory_space<vmem>>) target_semaphore(%arg4 : memref<!tpu.dma_semaphore, #tpu.memory_space<semaphore_mem>>)
    %get3A_313 = arith.constant 45 : index
    %get3A_314 = memref.load %arg1[%get3A_313] : memref<80xi32, #tpu.memory_space<smem>>
    %dma_start3A_315 = arith.constant 45 : i32
    %dma_start3A_316 = arith.constant 0 : i32
    %dma_start3A_317 = tpu.memref_slice %arg3[%dma_start3A_315, %dma_start3A_316] : memref<80x32768xf32, #tpu.memory_space<vmem>> -> memref<1x32000xf32, #tpu.memory_space<vmem>>
    %dma_start3A_318 = arith.constant 0 : i32
    %dma_start3A_319 = tpu.memref_slice %arg2[%get3A_314, %dma_start3A_318] : memref<1024x32000xf32, #tpu.memory_space<hbm>> -> memref<1x32000xf32, #tpu.memory_space<hbm>>
    tpu.enqueue_dma source(%dma_start3A_319 : memref<1x32000xf32, #tpu.memory_space<hbm>>) target(%dma_start3A_317 : memref<1x32000xf32, #tpu.memory_space<vmem>>) target_semaphore(%arg4 : memref<!tpu.dma_semaphore, #tpu.memory_space<semaphore_mem>>)
    %get3A_320 = arith.constant 46 : index
    %get3A_321 = memref.load %arg1[%get3A_320] : memref<80xi32, #tpu.memory_space<smem>>
    %dma_start3A_322 = arith.constant 46 : i32
    %dma_start3A_323 = arith.constant 0 : i32
    %dma_start3A_324 = tpu.memref_slice %arg3[%dma_start3A_322, %dma_start3A_323] : memref<80x32768xf32, #tpu.memory_space<vmem>> -> memref<1x32000xf32, #tpu.memory_space<vmem>>
    %dma_start3A_325 = arith.constant 0 : i32
    %dma_start3A_326 = tpu.memref_slice %arg2[%get3A_321, %dma_start3A_325] : memref<1024x32000xf32, #tpu.memory_space<hbm>> -> memref<1x32000xf32, #tpu.memory_space<hbm>>
    tpu.enqueue_dma source(%dma_start3A_326 : memref<1x32000xf32, #tpu.memory_space<hbm>>) target(%dma_start3A_324 : memref<1x32000xf32, #tpu.memory_space<vmem>>) target_semaphore(%arg4 : memref<!tpu.dma_semaphore, #tpu.memory_space<semaphore_mem>>)
    %get3A_327 = arith.constant 47 : index
    %get3A_328 = memref.load %arg1[%get3A_327] : memref<80xi32, #tpu.memory_space<smem>>
    %dma_start3A_329 = arith.constant 47 : i32
    %dma_start3A_330 = arith.constant 0 : i32
    %dma_start3A_331 = tpu.memref_slice %arg3[%dma_start3A_329, %dma_start3A_330] : memref<80x32768xf32, #tpu.memory_space<vmem>> -> memref<1x32000xf32, #tpu.memory_space<vmem>>
    %dma_start3A_332 = arith.constant 0 : i32
    %dma_start3A_333 = tpu.memref_slice %arg2[%get3A_328, %dma_start3A_332] : memref<1024x32000xf32, #tpu.memory_space<hbm>> -> memref<1x32000xf32, #tpu.memory_space<hbm>>
    tpu.enqueue_dma source(%dma_start3A_333 : memref<1x32000xf32, #tpu.memory_space<hbm>>) target(%dma_start3A_331 : memref<1x32000xf32, #tpu.memory_space<vmem>>) target_semaphore(%arg4 : memref<!tpu.dma_semaphore, #tpu.memory_space<semaphore_mem>>)
    %get3A_334 = arith.constant 48 : index
    %get3A_335 = memref.load %arg1[%get3A_334] : memref<80xi32, #tpu.memory_space<smem>>
    %dma_start3A_336 = arith.constant 48 : i32
    %dma_start3A_337 = arith.constant 0 : i32
    %dma_start3A_338 = tpu.memref_slice %arg3[%dma_start3A_336, %dma_start3A_337] : memref<80x32768xf32, #tpu.memory_space<vmem>> -> memref<1x32000xf32, #tpu.memory_space<vmem>>
    %dma_start3A_339 = arith.constant 0 : i32
    %dma_start3A_340 = tpu.memref_slice %arg2[%get3A_335, %dma_start3A_339] : memref<1024x32000xf32, #tpu.memory_space<hbm>> -> memref<1x32000xf32, #tpu.memory_space<hbm>>
    tpu.enqueue_dma source(%dma_start3A_340 : memref<1x32000xf32, #tpu.memory_space<hbm>>) target(%dma_start3A_338 : memref<1x32000xf32, #tpu.memory_space<vmem>>) target_semaphore(%arg4 : memref<!tpu.dma_semaphore, #tpu.memory_space<semaphore_mem>>)
    %get3A_341 = arith.constant 49 : index
    %get3A_342 = memref.load %arg1[%get3A_341] : memref<80xi32, #tpu.memory_space<smem>>
    %dma_start3A_343 = arith.constant 49 : i32
    %dma_start3A_344 = arith.constant 0 : i32
    %dma_start3A_345 = tpu.memref_slice %arg3[%dma_start3A_343, %dma_start3A_344] : memref<80x32768xf32, #tpu.memory_space<vmem>> -> memref<1x32000xf32, #tpu.memory_space<vmem>>
    %dma_start3A_346 = arith.constant 0 : i32
    %dma_start3A_347 = tpu.memref_slice %arg2[%get3A_342, %dma_start3A_346] : memref<1024x32000xf32, #tpu.memory_space<hbm>> -> memref<1x32000xf32, #tpu.memory_space<hbm>>
    tpu.enqueue_dma source(%dma_start3A_347 : memref<1x32000xf32, #tpu.memory_space<hbm>>) target(%dma_start3A_345 : memref<1x32000xf32, #tpu.memory_space<vmem>>) target_semaphore(%arg4 : memref<!tpu.dma_semaphore, #tpu.memory_space<semaphore_mem>>)
    %get3A_348 = arith.constant 50 : index
    %get3A_349 = memref.load %arg1[%get3A_348] : memref<80xi32, #tpu.memory_space<smem>>
    %dma_start3A_350 = arith.constant 50 : i32
    %dma_start3A_351 = arith.constant 0 : i32
    %dma_start3A_352 = tpu.memref_slice %arg3[%dma_start3A_350, %dma_start3A_351] : memref<80x32768xf32, #tpu.memory_space<vmem>> -> memref<1x32000xf32, #tpu.memory_space<vmem>>
    %dma_start3A_353 = arith.constant 0 : i32
    %dma_start3A_354 = tpu.memref_slice %arg2[%get3A_349, %dma_start3A_353] : memref<1024x32000xf32, #tpu.memory_space<hbm>> -> memref<1x32000xf32, #tpu.memory_space<hbm>>
    tpu.enqueue_dma source(%dma_start3A_354 : memref<1x32000xf32, #tpu.memory_space<hbm>>) target(%dma_start3A_352 : memref<1x32000xf32, #tpu.memory_space<vmem>>) target_semaphore(%arg4 : memref<!tpu.dma_semaphore, #tpu.memory_space<semaphore_mem>>)
    %get3A_355 = arith.constant 51 : index
    %get3A_356 = memref.load %arg1[%get3A_355] : memref<80xi32, #tpu.memory_space<smem>>
    %dma_start3A_357 = arith.constant 51 : i32
    %dma_start3A_358 = arith.constant 0 : i32
    %dma_start3A_359 = tpu.memref_slice %arg3[%dma_start3A_357, %dma_start3A_358] : memref<80x32768xf32, #tpu.memory_space<vmem>> -> memref<1x32000xf32, #tpu.memory_space<vmem>>
    %dma_start3A_360 = arith.constant 0 : i32
    %dma_start3A_361 = tpu.memref_slice %arg2[%get3A_356, %dma_start3A_360] : memref<1024x32000xf32, #tpu.memory_space<hbm>> -> memref<1x32000xf32, #tpu.memory_space<hbm>>
    tpu.enqueue_dma source(%dma_start3A_361 : memref<1x32000xf32, #tpu.memory_space<hbm>>) target(%dma_start3A_359 : memref<1x32000xf32, #tpu.memory_space<vmem>>) target_semaphore(%arg4 : memref<!tpu.dma_semaphore, #tpu.memory_space<semaphore_mem>>)
    %get3A_362 = arith.constant 52 : index
    %get3A_363 = memref.load %arg1[%get3A_362] : memref<80xi32, #tpu.memory_space<smem>>
    %dma_start3A_364 = arith.constant 52 : i32
    %dma_start3A_365 = arith.constant 0 : i32
    %dma_start3A_366 = tpu.memref_slice %arg3[%dma_start3A_364, %dma_start3A_365] : memref<80x32768xf32, #tpu.memory_space<vmem>> -> memref<1x32000xf32, #tpu.memory_space<vmem>>
    %dma_start3A_367 = arith.constant 0 : i32
    %dma_start3A_368 = tpu.memref_slice %arg2[%get3A_363, %dma_start3A_367] : memref<1024x32000xf32, #tpu.memory_space<hbm>> -> memref<1x32000xf32, #tpu.memory_space<hbm>>
    tpu.enqueue_dma source(%dma_start3A_368 : memref<1x32000xf32, #tpu.memory_space<hbm>>) target(%dma_start3A_366 : memref<1x32000xf32, #tpu.memory_space<vmem>>) target_semaphore(%arg4 : memref<!tpu.dma_semaphore, #tpu.memory_space<semaphore_mem>>)
    %get3A_369 = arith.constant 53 : index
    %get3A_370 = memref.load %arg1[%get3A_369] : memref<80xi32, #tpu.memory_space<smem>>
    %dma_start3A_371 = arith.constant 53 : i32
    %dma_start3A_372 = arith.constant 0 : i32
    %dma_start3A_373 = tpu.memref_slice %arg3[%dma_start3A_371, %dma_start3A_372] : memref<80x32768xf32, #tpu.memory_space<vmem>> -> memref<1x32000xf32, #tpu.memory_space<vmem>>
    %dma_start3A_374 = arith.constant 0 : i32
    %dma_start3A_375 = tpu.memref_slice %arg2[%get3A_370, %dma_start3A_374] : memref<1024x32000xf32, #tpu.memory_space<hbm>> -> memref<1x32000xf32, #tpu.memory_space<hbm>>
    tpu.enqueue_dma source(%dma_start3A_375 : memref<1x32000xf32, #tpu.memory_space<hbm>>) target(%dma_start3A_373 : memref<1x32000xf32, #tpu.memory_space<vmem>>) target_semaphore(%arg4 : memref<!tpu.dma_semaphore, #tpu.memory_space<semaphore_mem>>)
    %get3A_376 = arith.constant 54 : index
    %get3A_377 = memref.load %arg1[%get3A_376] : memref<80xi32, #tpu.memory_space<smem>>
    %dma_start3A_378 = arith.constant 54 : i32
    %dma_start3A_379 = arith.constant 0 : i32
    %dma_start3A_380 = tpu.memref_slice %arg3[%dma_start3A_378, %dma_start3A_379] : memref<80x32768xf32, #tpu.memory_space<vmem>> -> memref<1x32000xf32, #tpu.memory_space<vmem>>
    %dma_start3A_381 = arith.constant 0 : i32
    %dma_start3A_382 = tpu.memref_slice %arg2[%get3A_377, %dma_start3A_381] : memref<1024x32000xf32, #tpu.memory_space<hbm>> -> memref<1x32000xf32, #tpu.memory_space<hbm>>
    tpu.enqueue_dma source(%dma_start3A_382 : memref<1x32000xf32, #tpu.memory_space<hbm>>) target(%dma_start3A_380 : memref<1x32000xf32, #tpu.memory_space<vmem>>) target_semaphore(%arg4 : memref<!tpu.dma_semaphore, #tpu.memory_space<semaphore_mem>>)
    %get3A_383 = arith.constant 55 : index
    %get3A_384 = memref.load %arg1[%get3A_383] : memref<80xi32, #tpu.memory_space<smem>>
    %dma_start3A_385 = arith.constant 55 : i32
    %dma_start3A_386 = arith.constant 0 : i32
    %dma_start3A_387 = tpu.memref_slice %arg3[%dma_start3A_385, %dma_start3A_386] : memref<80x32768xf32, #tpu.memory_space<vmem>> -> memref<1x32000xf32, #tpu.memory_space<vmem>>
    %dma_start3A_388 = arith.constant 0 : i32
    %dma_start3A_389 = tpu.memref_slice %arg2[%get3A_384, %dma_start3A_388] : memref<1024x32000xf32, #tpu.memory_space<hbm>> -> memref<1x32000xf32, #tpu.memory_space<hbm>>
    tpu.enqueue_dma source(%dma_start3A_389 : memref<1x32000xf32, #tpu.memory_space<hbm>>) target(%dma_start3A_387 : memref<1x32000xf32, #tpu.memory_space<vmem>>) target_semaphore(%arg4 : memref<!tpu.dma_semaphore, #tpu.memory_space<semaphore_mem>>)
    %get3A_390 = arith.constant 56 : index
    %get3A_391 = memref.load %arg1[%get3A_390] : memref<80xi32, #tpu.memory_space<smem>>
    %dma_start3A_392 = arith.constant 56 : i32
    %dma_start3A_393 = arith.constant 0 : i32
    %dma_start3A_394 = tpu.memref_slice %arg3[%dma_start3A_392, %dma_start3A_393] : memref<80x32768xf32, #tpu.memory_space<vmem>> -> memref<1x32000xf32, #tpu.memory_space<vmem>>
    %dma_start3A_395 = arith.constant 0 : i32
    %dma_start3A_396 = tpu.memref_slice %arg2[%get3A_391, %dma_start3A_395] : memref<1024x32000xf32, #tpu.memory_space<hbm>> -> memref<1x32000xf32, #tpu.memory_space<hbm>>
    tpu.enqueue_dma source(%dma_start3A_396 : memref<1x32000xf32, #tpu.memory_space<hbm>>) target(%dma_start3A_394 : memref<1x32000xf32, #tpu.memory_space<vmem>>) target_semaphore(%arg4 : memref<!tpu.dma_semaphore, #tpu.memory_space<semaphore_mem>>)
    %get3A_397 = arith.constant 57 : index
    %get3A_398 = memref.load %arg1[%get3A_397] : memref<80xi32, #tpu.memory_space<smem>>
    %dma_start3A_399 = arith.constant 57 : i32
    %dma_start3A_400 = arith.constant 0 : i32
    %dma_start3A_401 = tpu.memref_slice %arg3[%dma_start3A_399, %dma_start3A_400] : memref<80x32768xf32, #tpu.memory_space<vmem>> -> memref<1x32000xf32, #tpu.memory_space<vmem>>
    %dma_start3A_402 = arith.constant 0 : i32
    %dma_start3A_403 = tpu.memref_slice %arg2[%get3A_398, %dma_start3A_402] : memref<1024x32000xf32, #tpu.memory_space<hbm>> -> memref<1x32000xf32, #tpu.memory_space<hbm>>
    tpu.enqueue_dma source(%dma_start3A_403 : memref<1x32000xf32, #tpu.memory_space<hbm>>) target(%dma_start3A_401 : memref<1x32000xf32, #tpu.memory_space<vmem>>) target_semaphore(%arg4 : memref<!tpu.dma_semaphore, #tpu.memory_space<semaphore_mem>>)
    %get3A_404 = arith.constant 58 : index
    %get3A_405 = memref.load %arg1[%get3A_404] : memref<80xi32, #tpu.memory_space<smem>>
    %dma_start3A_406 = arith.constant 58 : i32
    %dma_start3A_407 = arith.constant 0 : i32
    %dma_start3A_408 = tpu.memref_slice %arg3[%dma_start3A_406, %dma_start3A_407] : memref<80x32768xf32, #tpu.memory_space<vmem>> -> memref<1x32000xf32, #tpu.memory_space<vmem>>
    %dma_start3A_409 = arith.constant 0 : i32
    %dma_start3A_410 = tpu.memref_slice %arg2[%get3A_405, %dma_start3A_409] : memref<1024x32000xf32, #tpu.memory_space<hbm>> -> memref<1x32000xf32, #tpu.memory_space<hbm>>
    tpu.enqueue_dma source(%dma_start3A_410 : memref<1x32000xf32, #tpu.memory_space<hbm>>) target(%dma_start3A_408 : memref<1x32000xf32, #tpu.memory_space<vmem>>) target_semaphore(%arg4 : memref<!tpu.dma_semaphore, #tpu.memory_space<semaphore_mem>>)
    %get3A_411 = arith.constant 59 : index
    %get3A_412 = memref.load %arg1[%get3A_411] : memref<80xi32, #tpu.memory_space<smem>>
    %dma_start3A_413 = arith.constant 59 : i32
    %dma_start3A_414 = arith.constant 0 : i32
    %dma_start3A_415 = tpu.memref_slice %arg3[%dma_start3A_413, %dma_start3A_414] : memref<80x32768xf32, #tpu.memory_space<vmem>> -> memref<1x32000xf32, #tpu.memory_space<vmem>>
    %dma_start3A_416 = arith.constant 0 : i32
    %dma_start3A_417 = tpu.memref_slice %arg2[%get3A_412, %dma_start3A_416] : memref<1024x32000xf32, #tpu.memory_space<hbm>> -> memref<1x32000xf32, #tpu.memory_space<hbm>>
    tpu.enqueue_dma source(%dma_start3A_417 : memref<1x32000xf32, #tpu.memory_space<hbm>>) target(%dma_start3A_415 : memref<1x32000xf32, #tpu.memory_space<vmem>>) target_semaphore(%arg4 : memref<!tpu.dma_semaphore, #tpu.memory_space<semaphore_mem>>)
    %get3A_418 = arith.constant 60 : index
    %get3A_419 = memref.load %arg1[%get3A_418] : memref<80xi32, #tpu.memory_space<smem>>
    %dma_start3A_420 = arith.constant 60 : i32
    %dma_start3A_421 = arith.constant 0 : i32
    %dma_start3A_422 = tpu.memref_slice %arg3[%dma_start3A_420, %dma_start3A_421] : memref<80x32768xf32, #tpu.memory_space<vmem>> -> memref<1x32000xf32, #tpu.memory_space<vmem>>
    %dma_start3A_423 = arith.constant 0 : i32
    %dma_start3A_424 = tpu.memref_slice %arg2[%get3A_419, %dma_start3A_423] : memref<1024x32000xf32, #tpu.memory_space<hbm>> -> memref<1x32000xf32, #tpu.memory_space<hbm>>
    tpu.enqueue_dma source(%dma_start3A_424 : memref<1x32000xf32, #tpu.memory_space<hbm>>) target(%dma_start3A_422 : memref<1x32000xf32, #tpu.memory_space<vmem>>) target_semaphore(%arg4 : memref<!tpu.dma_semaphore, #tpu.memory_space<semaphore_mem>>)
    %get3A_425 = arith.constant 61 : index
    %get3A_426 = memref.load %arg1[%get3A_425] : memref<80xi32, #tpu.memory_space<smem>>
    %dma_start3A_427 = arith.constant 61 : i32
    %dma_start3A_428 = arith.constant 0 : i32
    %dma_start3A_429 = tpu.memref_slice %arg3[%dma_start3A_427, %dma_start3A_428] : memref<80x32768xf32, #tpu.memory_space<vmem>> -> memref<1x32000xf32, #tpu.memory_space<vmem>>
    %dma_start3A_430 = arith.constant 0 : i32
    %dma_start3A_431 = tpu.memref_slice %arg2[%get3A_426, %dma_start3A_430] : memref<1024x32000xf32, #tpu.memory_space<hbm>> -> memref<1x32000xf32, #tpu.memory_space<hbm>>
    tpu.enqueue_dma source(%dma_start3A_431 : memref<1x32000xf32, #tpu.memory_space<hbm>>) target(%dma_start3A_429 : memref<1x32000xf32, #tpu.memory_space<vmem>>) target_semaphore(%arg4 : memref<!tpu.dma_semaphore, #tpu.memory_space<semaphore_mem>>)
    %get3A_432 = arith.constant 62 : index
    %get3A_433 = memref.load %arg1[%get3A_432] : memref<80xi32, #tpu.memory_space<smem>>
    %dma_start3A_434 = arith.constant 62 : i32
    %dma_start3A_435 = arith.constant 0 : i32
    %dma_start3A_436 = tpu.memref_slice %arg3[%dma_start3A_434, %dma_start3A_435] : memref<80x32768xf32, #tpu.memory_space<vmem>> -> memref<1x32000xf32, #tpu.memory_space<vmem>>
    %dma_start3A_437 = arith.constant 0 : i32
    %dma_start3A_438 = tpu.memref_slice %arg2[%get3A_433, %dma_start3A_437] : memref<1024x32000xf32, #tpu.memory_space<hbm>> -> memref<1x32000xf32, #tpu.memory_space<hbm>>
    tpu.enqueue_dma source(%dma_start3A_438 : memref<1x32000xf32, #tpu.memory_space<hbm>>) target(%dma_start3A_436 : memref<1x32000xf32, #tpu.memory_space<vmem>>) target_semaphore(%arg4 : memref<!tpu.dma_semaphore, #tpu.memory_space<semaphore_mem>>)
    %get3A_439 = arith.constant 63 : index
    %get3A_440 = memref.load %arg1[%get3A_439] : memref<80xi32, #tpu.memory_space<smem>>
    %dma_start3A_441 = arith.constant 63 : i32
    %dma_start3A_442 = arith.constant 0 : i32
    %dma_start3A_443 = tpu.memref_slice %arg3[%dma_start3A_441, %dma_start3A_442] : memref<80x32768xf32, #tpu.memory_space<vmem>> -> memref<1x32000xf32, #tpu.memory_space<vmem>>
    %dma_start3A_444 = arith.constant 0 : i32
    %dma_start3A_445 = tpu.memref_slice %arg2[%get3A_440, %dma_start3A_444] : memref<1024x32000xf32, #tpu.memory_space<hbm>> -> memref<1x32000xf32, #tpu.memory_space<hbm>>
    tpu.enqueue_dma source(%dma_start3A_445 : memref<1x32000xf32, #tpu.memory_space<hbm>>) target(%dma_start3A_443 : memref<1x32000xf32, #tpu.memory_space<vmem>>) target_semaphore(%arg4 : memref<!tpu.dma_semaphore, #tpu.memory_space<semaphore_mem>>)
    %get3A_446 = arith.constant 64 : index
    %get3A_447 = memref.load %arg1[%get3A_446] : memref<80xi32, #tpu.memory_space<smem>>
    %dma_start3A_448 = arith.constant 64 : i32
    %dma_start3A_449 = arith.constant 0 : i32
    %dma_start3A_450 = tpu.memref_slice %arg3[%dma_start3A_448, %dma_start3A_449] : memref<80x32768xf32, #tpu.memory_space<vmem>> -> memref<1x32000xf32, #tpu.memory_space<vmem>>
    %dma_start3A_451 = arith.constant 0 : i32
    %dma_start3A_452 = tpu.memref_slice %arg2[%get3A_447, %dma_start3A_451] : memref<1024x32000xf32, #tpu.memory_space<hbm>> -> memref<1x32000xf32, #tpu.memory_space<hbm>>
    tpu.enqueue_dma source(%dma_start3A_452 : memref<1x32000xf32, #tpu.memory_space<hbm>>) target(%dma_start3A_450 : memref<1x32000xf32, #tpu.memory_space<vmem>>) target_semaphore(%arg4 : memref<!tpu.dma_semaphore, #tpu.memory_space<semaphore_mem>>)
    %get3A_453 = arith.constant 65 : index
    %get3A_454 = memref.load %arg1[%get3A_453] : memref<80xi32, #tpu.memory_space<smem>>
    %dma_start3A_455 = arith.constant 65 : i32
    %dma_start3A_456 = arith.constant 0 : i32
    %dma_start3A_457 = tpu.memref_slice %arg3[%dma_start3A_455, %dma_start3A_456] : memref<80x32768xf32, #tpu.memory_space<vmem>> -> memref<1x32000xf32, #tpu.memory_space<vmem>>
    %dma_start3A_458 = arith.constant 0 : i32
    %dma_start3A_459 = tpu.memref_slice %arg2[%get3A_454, %dma_start3A_458] : memref<1024x32000xf32, #tpu.memory_space<hbm>> -> memref<1x32000xf32, #tpu.memory_space<hbm>>
    tpu.enqueue_dma source(%dma_start3A_459 : memref<1x32000xf32, #tpu.memory_space<hbm>>) target(%dma_start3A_457 : memref<1x32000xf32, #tpu.memory_space<vmem>>) target_semaphore(%arg4 : memref<!tpu.dma_semaphore, #tpu.memory_space<semaphore_mem>>)
    %get3A_460 = arith.constant 66 : index
    %get3A_461 = memref.load %arg1[%get3A_460] : memref<80xi32, #tpu.memory_space<smem>>
    %dma_start3A_462 = arith.constant 66 : i32
    %dma_start3A_463 = arith.constant 0 : i32
    %dma_start3A_464 = tpu.memref_slice %arg3[%dma_start3A_462, %dma_start3A_463] : memref<80x32768xf32, #tpu.memory_space<vmem>> -> memref<1x32000xf32, #tpu.memory_space<vmem>>
    %dma_start3A_465 = arith.constant 0 : i32
    %dma_start3A_466 = tpu.memref_slice %arg2[%get3A_461, %dma_start3A_465] : memref<1024x32000xf32, #tpu.memory_space<hbm>> -> memref<1x32000xf32, #tpu.memory_space<hbm>>
    tpu.enqueue_dma source(%dma_start3A_466 : memref<1x32000xf32, #tpu.memory_space<hbm>>) target(%dma_start3A_464 : memref<1x32000xf32, #tpu.memory_space<vmem>>) target_semaphore(%arg4 : memref<!tpu.dma_semaphore, #tpu.memory_space<semaphore_mem>>)
    %get3A_467 = arith.constant 67 : index
    %get3A_468 = memref.load %arg1[%get3A_467] : memref<80xi32, #tpu.memory_space<smem>>
    %dma_start3A_469 = arith.constant 67 : i32
    %dma_start3A_470 = arith.constant 0 : i32
    %dma_start3A_471 = tpu.memref_slice %arg3[%dma_start3A_469, %dma_start3A_470] : memref<80x32768xf32, #tpu.memory_space<vmem>> -> memref<1x32000xf32, #tpu.memory_space<vmem>>
    %dma_start3A_472 = arith.constant 0 : i32
    %dma_start3A_473 = tpu.memref_slice %arg2[%get3A_468, %dma_start3A_472] : memref<1024x32000xf32, #tpu.memory_space<hbm>> -> memref<1x32000xf32, #tpu.memory_space<hbm>>
    tpu.enqueue_dma source(%dma_start3A_473 : memref<1x32000xf32, #tpu.memory_space<hbm>>) target(%dma_start3A_471 : memref<1x32000xf32, #tpu.memory_space<vmem>>) target_semaphore(%arg4 : memref<!tpu.dma_semaphore, #tpu.memory_space<semaphore_mem>>)
    %get3A_474 = arith.constant 68 : index
    %get3A_475 = memref.load %arg1[%get3A_474] : memref<80xi32, #tpu.memory_space<smem>>
    %dma_start3A_476 = arith.constant 68 : i32
    %dma_start3A_477 = arith.constant 0 : i32
    %dma_start3A_478 = tpu.memref_slice %arg3[%dma_start3A_476, %dma_start3A_477] : memref<80x32768xf32, #tpu.memory_space<vmem>> -> memref<1x32000xf32, #tpu.memory_space<vmem>>
    %dma_start3A_479 = arith.constant 0 : i32
    %dma_start3A_480 = tpu.memref_slice %arg2[%get3A_475, %dma_start3A_479] : memref<1024x32000xf32, #tpu.memory_space<hbm>> -> memref<1x32000xf32, #tpu.memory_space<hbm>>
    tpu.enqueue_dma source(%dma_start3A_480 : memref<1x32000xf32, #tpu.memory_space<hbm>>) target(%dma_start3A_478 : memref<1x32000xf32, #tpu.memory_space<vmem>>) target_semaphore(%arg4 : memref<!tpu.dma_semaphore, #tpu.memory_space<semaphore_mem>>)
    %get3A_481 = arith.constant 69 : index
    %get3A_482 = memref.load %arg1[%get3A_481] : memref<80xi32, #tpu.memory_space<smem>>
    %dma_start3A_483 = arith.constant 69 : i32
    %dma_start3A_484 = arith.constant 0 : i32
    %dma_start3A_485 = tpu.memref_slice %arg3[%dma_start3A_483, %dma_start3A_484] : memref<80x32768xf32, #tpu.memory_space<vmem>> -> memref<1x32000xf32, #tpu.memory_space<vmem>>
    %dma_start3A_486 = arith.constant 0 : i32
    %dma_start3A_487 = tpu.memref_slice %arg2[%get3A_482, %dma_start3A_486] : memref<1024x32000xf32, #tpu.memory_space<hbm>> -> memref<1x32000xf32, #tpu.memory_space<hbm>>
    tpu.enqueue_dma source(%dma_start3A_487 : memref<1x32000xf32, #tpu.memory_space<hbm>>) target(%dma_start3A_485 : memref<1x32000xf32, #tpu.memory_space<vmem>>) target_semaphore(%arg4 : memref<!tpu.dma_semaphore, #tpu.memory_space<semaphore_mem>>)
    %get3A_488 = arith.constant 70 : index
    %get3A_489 = memref.load %arg1[%get3A_488] : memref<80xi32, #tpu.memory_space<smem>>
    %dma_start3A_490 = arith.constant 70 : i32
    %dma_start3A_491 = arith.constant 0 : i32
    %dma_start3A_492 = tpu.memref_slice %arg3[%dma_start3A_490, %dma_start3A_491] : memref<80x32768xf32, #tpu.memory_space<vmem>> -> memref<1x32000xf32, #tpu.memory_space<vmem>>
    %dma_start3A_493 = arith.constant 0 : i32
    %dma_start3A_494 = tpu.memref_slice %arg2[%get3A_489, %dma_start3A_493] : memref<1024x32000xf32, #tpu.memory_space<hbm>> -> memref<1x32000xf32, #tpu.memory_space<hbm>>
    tpu.enqueue_dma source(%dma_start3A_494 : memref<1x32000xf32, #tpu.memory_space<hbm>>) target(%dma_start3A_492 : memref<1x32000xf32, #tpu.memory_space<vmem>>) target_semaphore(%arg4 : memref<!tpu.dma_semaphore, #tpu.memory_space<semaphore_mem>>)
    %get3A_495 = arith.constant 71 : index
    %get3A_496 = memref.load %arg1[%get3A_495] : memref<80xi32, #tpu.memory_space<smem>>
    %dma_start3A_497 = arith.constant 71 : i32
    %dma_start3A_498 = arith.constant 0 : i32
    %dma_start3A_499 = tpu.memref_slice %arg3[%dma_start3A_497, %dma_start3A_498] : memref<80x32768xf32, #tpu.memory_space<vmem>> -> memref<1x32000xf32, #tpu.memory_space<vmem>>
    %dma_start3A_500 = arith.constant 0 : i32
    %dma_start3A_501 = tpu.memref_slice %arg2[%get3A_496, %dma_start3A_500] : memref<1024x32000xf32, #tpu.memory_space<hbm>> -> memref<1x32000xf32, #tpu.memory_space<hbm>>
    tpu.enqueue_dma source(%dma_start3A_501 : memref<1x32000xf32, #tpu.memory_space<hbm>>) target(%dma_start3A_499 : memref<1x32000xf32, #tpu.memory_space<vmem>>) target_semaphore(%arg4 : memref<!tpu.dma_semaphore, #tpu.memory_space<semaphore_mem>>)
    %get3A_502 = arith.constant 72 : index
    %get3A_503 = memref.load %arg1[%get3A_502] : memref<80xi32, #tpu.memory_space<smem>>
    %dma_start3A_504 = arith.constant 72 : i32
    %dma_start3A_505 = arith.constant 0 : i32
    %dma_start3A_506 = tpu.memref_slice %arg3[%dma_start3A_504, %dma_start3A_505] : memref<80x32768xf32, #tpu.memory_space<vmem>> -> memref<1x32000xf32, #tpu.memory_space<vmem>>
    %dma_start3A_507 = arith.constant 0 : i32
    %dma_start3A_508 = tpu.memref_slice %arg2[%get3A_503, %dma_start3A_507] : memref<1024x32000xf32, #tpu.memory_space<hbm>> -> memref<1x32000xf32, #tpu.memory_space<hbm>>
    tpu.enqueue_dma source(%dma_start3A_508 : memref<1x32000xf32, #tpu.memory_space<hbm>>) target(%dma_start3A_506 : memref<1x32000xf32, #tpu.memory_space<vmem>>) target_semaphore(%arg4 : memref<!tpu.dma_semaphore, #tpu.memory_space<semaphore_mem>>)
    %get3A_509 = arith.constant 73 : index
    %get3A_510 = memref.load %arg1[%get3A_509] : memref<80xi32, #tpu.memory_space<smem>>
    %dma_start3A_511 = arith.constant 73 : i32
    %dma_start3A_512 = arith.constant 0 : i32
    %dma_start3A_513 = tpu.memref_slice %arg3[%dma_start3A_511, %dma_start3A_512] : memref<80x32768xf32, #tpu.memory_space<vmem>> -> memref<1x32000xf32, #tpu.memory_space<vmem>>
    %dma_start3A_514 = arith.constant 0 : i32
    %dma_start3A_515 = tpu.memref_slice %arg2[%get3A_510, %dma_start3A_514] : memref<1024x32000xf32, #tpu.memory_space<hbm>> -> memref<1x32000xf32, #tpu.memory_space<hbm>>
    tpu.enqueue_dma source(%dma_start3A_515 : memref<1x32000xf32, #tpu.memory_space<hbm>>) target(%dma_start3A_513 : memref<1x32000xf32, #tpu.memory_space<vmem>>) target_semaphore(%arg4 : memref<!tpu.dma_semaphore, #tpu.memory_space<semaphore_mem>>)
    %get3A_516 = arith.constant 74 : index
    %get3A_517 = memref.load %arg1[%get3A_516] : memref<80xi32, #tpu.memory_space<smem>>
    %dma_start3A_518 = arith.constant 74 : i32
    %dma_start3A_519 = arith.constant 0 : i32
    %dma_start3A_520 = tpu.memref_slice %arg3[%dma_start3A_518, %dma_start3A_519] : memref<80x32768xf32, #tpu.memory_space<vmem>> -> memref<1x32000xf32, #tpu.memory_space<vmem>>
    %dma_start3A_521 = arith.constant 0 : i32
    %dma_start3A_522 = tpu.memref_slice %arg2[%get3A_517, %dma_start3A_521] : memref<1024x32000xf32, #tpu.memory_space<hbm>> -> memref<1x32000xf32, #tpu.memory_space<hbm>>
    tpu.enqueue_dma source(%dma_start3A_522 : memref<1x32000xf32, #tpu.memory_space<hbm>>) target(%dma_start3A_520 : memref<1x32000xf32, #tpu.memory_space<vmem>>) target_semaphore(%arg4 : memref<!tpu.dma_semaphore, #tpu.memory_space<semaphore_mem>>)
    %get3A_523 = arith.constant 75 : index
    %get3A_524 = memref.load %arg1[%get3A_523] : memref<80xi32, #tpu.memory_space<smem>>
    %dma_start3A_525 = arith.constant 75 : i32
    %dma_start3A_526 = arith.constant 0 : i32
    %dma_start3A_527 = tpu.memref_slice %arg3[%dma_start3A_525, %dma_start3A_526] : memref<80x32768xf32, #tpu.memory_space<vmem>> -> memref<1x32000xf32, #tpu.memory_space<vmem>>
    %dma_start3A_528 = arith.constant 0 : i32
    %dma_start3A_529 = tpu.memref_slice %arg2[%get3A_524, %dma_start3A_528] : memref<1024x32000xf32, #tpu.memory_space<hbm>> -> memref<1x32000xf32, #tpu.memory_space<hbm>>
    tpu.enqueue_dma source(%dma_start3A_529 : memref<1x32000xf32, #tpu.memory_space<hbm>>) target(%dma_start3A_527 : memref<1x32000xf32, #tpu.memory_space<vmem>>) target_semaphore(%arg4 : memref<!tpu.dma_semaphore, #tpu.memory_space<semaphore_mem>>)
    %get3A_530 = arith.constant 76 : index
    %get3A_531 = memref.load %arg1[%get3A_530] : memref<80xi32, #tpu.memory_space<smem>>
    %dma_start3A_532 = arith.constant 76 : i32
    %dma_start3A_533 = arith.constant 0 : i32
    %dma_start3A_534 = tpu.memref_slice %arg3[%dma_start3A_532, %dma_start3A_533] : memref<80x32768xf32, #tpu.memory_space<vmem>> -> memref<1x32000xf32, #tpu.memory_space<vmem>>
    %dma_start3A_535 = arith.constant 0 : i32
    %dma_start3A_536 = tpu.memref_slice %arg2[%get3A_531, %dma_start3A_535] : memref<1024x32000xf32, #tpu.memory_space<hbm>> -> memref<1x32000xf32, #tpu.memory_space<hbm>>
    tpu.enqueue_dma source(%dma_start3A_536 : memref<1x32000xf32, #tpu.memory_space<hbm>>) target(%dma_start3A_534 : memref<1x32000xf32, #tpu.memory_space<vmem>>) target_semaphore(%arg4 : memref<!tpu.dma_semaphore, #tpu.memory_space<semaphore_mem>>)
    %get3A_537 = arith.constant 77 : index
    %get3A_538 = memref.load %arg1[%get3A_537] : memref<80xi32, #tpu.memory_space<smem>>
    %dma_start3A_539 = arith.constant 77 : i32
    %dma_start3A_540 = arith.constant 0 : i32
    %dma_start3A_541 = tpu.memref_slice %arg3[%dma_start3A_539, %dma_start3A_540] : memref<80x32768xf32, #tpu.memory_space<vmem>> -> memref<1x32000xf32, #tpu.memory_space<vmem>>
    %dma_start3A_542 = arith.constant 0 : i32
    %dma_start3A_543 = tpu.memref_slice %arg2[%get3A_538, %dma_start3A_542] : memref<1024x32000xf32, #tpu.memory_space<hbm>> -> memref<1x32000xf32, #tpu.memory_space<hbm>>
    tpu.enqueue_dma source(%dma_start3A_543 : memref<1x32000xf32, #tpu.memory_space<hbm>>) target(%dma_start3A_541 : memref<1x32000xf32, #tpu.memory_space<vmem>>) target_semaphore(%arg4 : memref<!tpu.dma_semaphore, #tpu.memory_space<semaphore_mem>>)
    %get3A_544 = arith.constant 78 : index
    %get3A_545 = memref.load %arg1[%get3A_544] : memref<80xi32, #tpu.memory_space<smem>>
    %dma_start3A_546 = arith.constant 78 : i32
    %dma_start3A_547 = arith.constant 0 : i32
    %dma_start3A_548 = tpu.memref_slice %arg3[%dma_start3A_546, %dma_start3A_547] : memref<80x32768xf32, #tpu.memory_space<vmem>> -> memref<1x32000xf32, #tpu.memory_space<vmem>>
    %dma_start3A_549 = arith.constant 0 : i32
    %dma_start3A_550 = tpu.memref_slice %arg2[%get3A_545, %dma_start3A_549] : memref<1024x32000xf32, #tpu.memory_space<hbm>> -> memref<1x32000xf32, #tpu.memory_space<hbm>>
    tpu.enqueue_dma source(%dma_start3A_550 : memref<1x32000xf32, #tpu.memory_space<hbm>>) target(%dma_start3A_548 : memref<1x32000xf32, #tpu.memory_space<vmem>>) target_semaphore(%arg4 : memref<!tpu.dma_semaphore, #tpu.memory_space<semaphore_mem>>)
    %get3A_551 = arith.constant 79 : index
    %get3A_552 = memref.load %arg1[%get3A_551] : memref<80xi32, #tpu.memory_space<smem>>
    %dma_start3A_553 = arith.constant 79 : i32
    %dma_start3A_554 = arith.constant 0 : i32
    %dma_start3A_555 = tpu.memref_slice %arg3[%dma_start3A_553, %dma_start3A_554] : memref<80x32768xf32, #tpu.memory_space<vmem>> -> memref<1x32000xf32, #tpu.memory_space<vmem>>
    %dma_start3A_556 = arith.constant 0 : i32
    %dma_start3A_557 = tpu.memref_slice %arg2[%get3A_552, %dma_start3A_556] : memref<1024x32000xf32, #tpu.memory_space<hbm>> -> memref<1x32000xf32, #tpu.memory_space<hbm>>
    tpu.enqueue_dma source(%dma_start3A_557 : memref<1x32000xf32, #tpu.memory_space<hbm>>) target(%dma_start3A_555 : memref<1x32000xf32, #tpu.memory_space<vmem>>) target_semaphore(%arg4 : memref<!tpu.dma_semaphore, #tpu.memory_space<semaphore_mem>>)
    %broadcast_in_dim3A = arith.constant 0.000000e+00 : f32
    %broadcast_in_dim3A_558 = vector.broadcast %broadcast_in_dim3A : f32 to vector<80x768xf32>
    %swap3A = arith.constant 0 : index
    %swap3A_559 = arith.constant 32000 : index
    %swap3A_560 = vector.load %arg3[%swap3A, %swap3A_559] : memref<80x32768xf32, #tpu.memory_space<vmem>>, vector<80x768xf32>
    tpu.vector_store %arg3[%swap3A, %swap3A_559], %broadcast_in_dim3A_558 {strides = array<i32>} : memref<80x32768xf32, #tpu.memory_space<vmem>>, vector<80x768xf32>,
    %dma_wait3A = arith.constant 0 : i32
    %dma_wait3A_561 = arith.constant 0 : i32
    %dma_wait3A_562 = tpu.memref_slice %arg3[%dma_wait3A, %dma_wait3A_561] : memref<80x32768xf32, #tpu.memory_space<vmem>> -> memref<1x32000xf32, #tpu.memory_space<vmem>>
    %dma_wait3A_563 = arith.constant 0 : i32
    %dma_wait3A_564 = tpu.memref_slice %arg2[%get3A_0, %dma_wait3A_563] : memref<1024x32000xf32, #tpu.memory_space<hbm>> -> memref<1x32000xf32, #tpu.memory_space<hbm>>
    tpu.wait_dma2 semaphore(%arg4 : memref<!tpu.dma_semaphore, #tpu.memory_space<semaphore_mem>>) src(%dma_wait3A_564 : memref<1x32000xf32, #tpu.memory_space<hbm>>) dst(%dma_wait3A_562 : memref<1x32000xf32, #tpu.memory_space<vmem>>)
    %dma_wait3A_565 = arith.constant 1 : i32
    %dma_wait3A_566 = arith.constant 0 : i32
    %dma_wait3A_567 = tpu.memref_slice %arg3[%dma_wait3A_565, %dma_wait3A_566] : memref<80x32768xf32, #tpu.memory_space<vmem>> -> memref<1x32000xf32, #tpu.memory_space<vmem>>
    %dma_wait3A_568 = arith.constant 0 : i32
    %dma_wait3A_569 = tpu.memref_slice %arg2[%get3A_6, %dma_wait3A_568] : memref<1024x32000xf32, #tpu.memory_space<hbm>> -> memref<1x32000xf32, #tpu.memory_space<hbm>>
    tpu.wait_dma2 semaphore(%arg4 : memref<!tpu.dma_semaphore, #tpu.memory_space<semaphore_mem>>) src(%dma_wait3A_569 : memref<1x32000xf32, #tpu.memory_space<hbm>>) dst(%dma_wait3A_567 : memref<1x32000xf32, #tpu.memory_space<vmem>>)
    %dma_wait3A_570 = arith.constant 2 : i32
    %dma_wait3A_571 = arith.constant 0 : i32
    %dma_wait3A_572 = tpu.memref_slice %arg3[%dma_wait3A_570, %dma_wait3A_571] : memref<80x32768xf32, #tpu.memory_space<vmem>> -> memref<1x32000xf32, #tpu.memory_space<vmem>>
    %dma_wait3A_573 = arith.constant 0 : i32
    %dma_wait3A_574 = tpu.memref_slice %arg2[%get3A_13, %dma_wait3A_573] : memref<1024x32000xf32, #tpu.memory_space<hbm>> -> memref<1x32000xf32, #tpu.memory_space<hbm>>
    tpu.wait_dma2 semaphore(%arg4 : memref<!tpu.dma_semaphore, #tpu.memory_space<semaphore_mem>>) src(%dma_wait3A_574 : memref<1x32000xf32, #tpu.memory_space<hbm>>) dst(%dma_wait3A_572 : memref<1x32000xf32, #tpu.memory_space<vmem>>)
    %dma_wait3A_575 = arith.constant 3 : i32
    %dma_wait3A_576 = arith.constant 0 : i32
    %dma_wait3A_577 = tpu.memref_slice %arg3[%dma_wait3A_575, %dma_wait3A_576] : memref<80x32768xf32, #tpu.memory_space<vmem>> -> memref<1x32000xf32, #tpu.memory_space<vmem>>
    %dma_wait3A_578 = arith.constant 0 : i32
    %dma_wait3A_579 = tpu.memref_slice %arg2[%get3A_20, %dma_wait3A_578] : memref<1024x32000xf32, #tpu.memory_space<hbm>> -> memref<1x32000xf32, #tpu.memory_space<hbm>>
    tpu.wait_dma2 semaphore(%arg4 : memref<!tpu.dma_semaphore, #tpu.memory_space<semaphore_mem>>) src(%dma_wait3A_579 : memref<1x32000xf32, #tpu.memory_space<hbm>>) dst(%dma_wait3A_577 : memref<1x32000xf32, #tpu.memory_space<vmem>>)
    %dma_wait3A_580 = arith.constant 4 : i32
    %dma_wait3A_581 = arith.constant 0 : i32
    %dma_wait3A_582 = tpu.memref_slice %arg3[%dma_wait3A_580, %dma_wait3A_581] : memref<80x32768xf32, #tpu.memory_space<vmem>> -> memref<1x32000xf32, #tpu.memory_space<vmem>>
    %dma_wait3A_583 = arith.constant 0 : i32
    %dma_wait3A_584 = tpu.memref_slice %arg2[%get3A_27, %dma_wait3A_583] : memref<1024x32000xf32, #tpu.memory_space<hbm>> -> memref<1x32000xf32, #tpu.memory_space<hbm>>
    tpu.wait_dma2 semaphore(%arg4 : memref<!tpu.dma_semaphore, #tpu.memory_space<semaphore_mem>>) src(%dma_wait3A_584 : memref<1x32000xf32, #tpu.memory_space<hbm>>) dst(%dma_wait3A_582 : memref<1x32000xf32, #tpu.memory_space<vmem>>)
    %dma_wait3A_585 = arith.constant 5 : i32
    %dma_wait3A_586 = arith.constant 0 : i32
    %dma_wait3A_587 = tpu.memref_slice %arg3[%dma_wait3A_585, %dma_wait3A_586] : memref<80x32768xf32, #tpu.memory_space<vmem>> -> memref<1x32000xf32, #tpu.memory_space<vmem>>
    %dma_wait3A_588 = arith.constant 0 : i32
    %dma_wait3A_589 = tpu.memref_slice %arg2[%get3A_34, %dma_wait3A_588] : memref<1024x32000xf32, #tpu.memory_space<hbm>> -> memref<1x32000xf32, #tpu.memory_space<hbm>>
    tpu.wait_dma2 semaphore(%arg4 : memref<!tpu.dma_semaphore, #tpu.memory_space<semaphore_mem>>) src(%dma_wait3A_589 : memref<1x32000xf32, #tpu.memory_space<hbm>>) dst(%dma_wait3A_587 : memref<1x32000xf32, #tpu.memory_space<vmem>>)
    %dma_wait3A_590 = arith.constant 6 : i32
    %dma_wait3A_591 = arith.constant 0 : i32
    %dma_wait3A_592 = tpu.memref_slice %arg3[%dma_wait3A_590, %dma_wait3A_591] : memref<80x32768xf32, #tpu.memory_space<vmem>> -> memref<1x32000xf32, #tpu.memory_space<vmem>>
    %dma_wait3A_593 = arith.constant 0 : i32
    %dma_wait3A_594 = tpu.memref_slice %arg2[%get3A_41, %dma_wait3A_593] : memref<1024x32000xf32, #tpu.memory_space<hbm>> -> memref<1x32000xf32, #tpu.memory_space<hbm>>
    tpu.wait_dma2 semaphore(%arg4 : memref<!tpu.dma_semaphore, #tpu.memory_space<semaphore_mem>>) src(%dma_wait3A_594 : memref<1x32000xf32, #tpu.memory_space<hbm>>) dst(%dma_wait3A_592 : memref<1x32000xf32, #tpu.memory_space<vmem>>)
    %dma_wait3A_595 = arith.constant 7 : i32
    %dma_wait3A_596 = arith.constant 0 : i32
    %dma_wait3A_597 = tpu.memref_slice %arg3[%dma_wait3A_595, %dma_wait3A_596] : memref<80x32768xf32, #tpu.memory_space<vmem>> -> memref<1x32000xf32, #tpu.memory_space<vmem>>
    %dma_wait3A_598 = arith.constant 0 : i32
    %dma_wait3A_599 = tpu.memref_slice %arg2[%get3A_48, %dma_wait3A_598] : memref<1024x32000xf32, #tpu.memory_space<hbm>> -> memref<1x32000xf32, #tpu.memory_space<hbm>>
    tpu.wait_dma2 semaphore(%arg4 : memref<!tpu.dma_semaphore, #tpu.memory_space<semaphore_mem>>) src(%dma_wait3A_599 : memref<1x32000xf32, #tpu.memory_space<hbm>>) dst(%dma_wait3A_597 : memref<1x32000xf32, #tpu.memory_space<vmem>>)
    %dma_wait3A_600 = arith.constant 8 : i32
    %dma_wait3A_601 = arith.constant 0 : i32
    %dma_wait3A_602 = tpu.memref_slice %arg3[%dma_wait3A_600, %dma_wait3A_601] : memref<80x32768xf32, #tpu.memory_space<vmem>> -> memref<1x32000xf32, #tpu.memory_space<vmem>>
    %dma_wait3A_603 = arith.constant 0 : i32
    %dma_wait3A_604 = tpu.memref_slice %arg2[%get3A_55, %dma_wait3A_603] : memref<1024x32000xf32, #tpu.memory_space<hbm>> -> memref<1x32000xf32, #tpu.memory_space<hbm>>
    tpu.wait_dma2 semaphore(%arg4 : memref<!tpu.dma_semaphore, #tpu.memory_space<semaphore_mem>>) src(%dma_wait3A_604 : memref<1x32000xf32, #tpu.memory_space<hbm>>) dst(%dma_wait3A_602 : memref<1x32000xf32, #tpu.memory_space<vmem>>)
    %dma_wait3A_605 = arith.constant 9 : i32
    %dma_wait3A_606 = arith.constant 0 : i32
    %dma_wait3A_607 = tpu.memref_slice %arg3[%dma_wait3A_605, %dma_wait3A_606] : memref<80x32768xf32, #tpu.memory_space<vmem>> -> memref<1x32000xf32, #tpu.memory_space<vmem>>
    %dma_wait3A_608 = arith.constant 0 : i32
    %dma_wait3A_609 = tpu.memref_slice %arg2[%get3A_62, %dma_wait3A_608] : memref<1024x32000xf32, #tpu.memory_space<hbm>> -> memref<1x32000xf32, #tpu.memory_space<hbm>>
    tpu.wait_dma2 semaphore(%arg4 : memref<!tpu.dma_semaphore, #tpu.memory_space<semaphore_mem>>) src(%dma_wait3A_609 : memref<1x32000xf32, #tpu.memory_space<hbm>>) dst(%dma_wait3A_607 : memref<1x32000xf32, #tpu.memory_space<vmem>>)
    %dma_wait3A_610 = arith.constant 10 : i32
    %dma_wait3A_611 = arith.constant 0 : i32
    %dma_wait3A_612 = tpu.memref_slice %arg3[%dma_wait3A_610, %dma_wait3A_611] : memref<80x32768xf32, #tpu.memory_space<vmem>> -> memref<1x32000xf32, #tpu.memory_space<vmem>>
    %dma_wait3A_613 = arith.constant 0 : i32
    %dma_wait3A_614 = tpu.memref_slice %arg2[%get3A_69, %dma_wait3A_613] : memref<1024x32000xf32, #tpu.memory_space<hbm>> -> memref<1x32000xf32, #tpu.memory_space<hbm>>
    tpu.wait_dma2 semaphore(%arg4 : memref<!tpu.dma_semaphore, #tpu.memory_space<semaphore_mem>>) src(%dma_wait3A_614 : memref<1x32000xf32, #tpu.memory_space<hbm>>) dst(%dma_wait3A_612 : memref<1x32000xf32, #tpu.memory_space<vmem>>)
    %dma_wait3A_615 = arith.constant 11 : i32
    %dma_wait3A_616 = arith.constant 0 : i32
    %dma_wait3A_617 = tpu.memref_slice %arg3[%dma_wait3A_615, %dma_wait3A_616] : memref<80x32768xf32, #tpu.memory_space<vmem>> -> memref<1x32000xf32, #tpu.memory_space<vmem>>
    %dma_wait3A_618 = arith.constant 0 : i32
    %dma_wait3A_619 = tpu.memref_slice %arg2[%get3A_76, %dma_wait3A_618] : memref<1024x32000xf32, #tpu.memory_space<hbm>> -> memref<1x32000xf32, #tpu.memory_space<hbm>>
    tpu.wait_dma2 semaphore(%arg4 : memref<!tpu.dma_semaphore, #tpu.memory_space<semaphore_mem>>) src(%dma_wait3A_619 : memref<1x32000xf32, #tpu.memory_space<hbm>>) dst(%dma_wait3A_617 : memref<1x32000xf32, #tpu.memory_space<vmem>>)
    %dma_wait3A_620 = arith.constant 12 : i32
    %dma_wait3A_621 = arith.constant 0 : i32
    %dma_wait3A_622 = tpu.memref_slice %arg3[%dma_wait3A_620, %dma_wait3A_621] : memref<80x32768xf32, #tpu.memory_space<vmem>> -> memref<1x32000xf32, #tpu.memory_space<vmem>>
    %dma_wait3A_623 = arith.constant 0 : i32
    %dma_wait3A_624 = tpu.memref_slice %arg2[%get3A_83, %dma_wait3A_623] : memref<1024x32000xf32, #tpu.memory_space<hbm>> -> memref<1x32000xf32, #tpu.memory_space<hbm>>
    tpu.wait_dma2 semaphore(%arg4 : memref<!tpu.dma_semaphore, #tpu.memory_space<semaphore_mem>>) src(%dma_wait3A_624 : memref<1x32000xf32, #tpu.memory_space<hbm>>) dst(%dma_wait3A_622 : memref<1x32000xf32, #tpu.memory_space<vmem>>)
    %dma_wait3A_625 = arith.constant 13 : i32
    %dma_wait3A_626 = arith.constant 0 : i32
    %dma_wait3A_627 = tpu.memref_slice %arg3[%dma_wait3A_625, %dma_wait3A_626] : memref<80x32768xf32, #tpu.memory_space<vmem>> -> memref<1x32000xf32, #tpu.memory_space<vmem>>
    %dma_wait3A_628 = arith.constant 0 : i32
    %dma_wait3A_629 = tpu.memref_slice %arg2[%get3A_90, %dma_wait3A_628] : memref<1024x32000xf32, #tpu.memory_space<hbm>> -> memref<1x32000xf32, #tpu.memory_space<hbm>>
    tpu.wait_dma2 semaphore(%arg4 : memref<!tpu.dma_semaphore, #tpu.memory_space<semaphore_mem>>) src(%dma_wait3A_629 : memref<1x32000xf32, #tpu.memory_space<hbm>>) dst(%dma_wait3A_627 : memref<1x32000xf32, #tpu.memory_space<vmem>>)
    %dma_wait3A_630 = arith.constant 14 : i32
    %dma_wait3A_631 = arith.constant 0 : i32
    %dma_wait3A_632 = tpu.memref_slice %arg3[%dma_wait3A_630, %dma_wait3A_631] : memref<80x32768xf32, #tpu.memory_space<vmem>> -> memref<1x32000xf32, #tpu.memory_space<vmem>>
    %dma_wait3A_633 = arith.constant 0 : i32
    %dma_wait3A_634 = tpu.memref_slice %arg2[%get3A_97, %dma_wait3A_633] : memref<1024x32000xf32, #tpu.memory_space<hbm>> -> memref<1x32000xf32, #tpu.memory_space<hbm>>
    tpu.wait_dma2 semaphore(%arg4 : memref<!tpu.dma_semaphore, #tpu.memory_space<semaphore_mem>>) src(%dma_wait3A_634 : memref<1x32000xf32, #tpu.memory_space<hbm>>) dst(%dma_wait3A_632 : memref<1x32000xf32, #tpu.memory_space<vmem>>)
    %dma_wait3A_635 = arith.constant 15 : i32
    %dma_wait3A_636 = arith.constant 0 : i32
    %dma_wait3A_637 = tpu.memref_slice %arg3[%dma_wait3A_635, %dma_wait3A_636] : memref<80x32768xf32, #tpu.memory_space<vmem>> -> memref<1x32000xf32, #tpu.memory_space<vmem>>
    %dma_wait3A_638 = arith.constant 0 : i32
    %dma_wait3A_639 = tpu.memref_slice %arg2[%get3A_104, %dma_wait3A_638] : memref<1024x32000xf32, #tpu.memory_space<hbm>> -> memref<1x32000xf32, #tpu.memory_space<hbm>>
    tpu.wait_dma2 semaphore(%arg4 : memref<!tpu.dma_semaphore, #tpu.memory_space<semaphore_mem>>) src(%dma_wait3A_639 : memref<1x32000xf32, #tpu.memory_space<hbm>>) dst(%dma_wait3A_637 : memref<1x32000xf32, #tpu.memory_space<vmem>>)
    %dma_wait3A_640 = arith.constant 16 : i32
    %dma_wait3A_641 = arith.constant 0 : i32
    %dma_wait3A_642 = tpu.memref_slice %arg3[%dma_wait3A_640, %dma_wait3A_641] : memref<80x32768xf32, #tpu.memory_space<vmem>> -> memref<1x32000xf32, #tpu.memory_space<vmem>>
    %dma_wait3A_643 = arith.constant 0 : i32
    %dma_wait3A_644 = tpu.memref_slice %arg2[%get3A_111, %dma_wait3A_643] : memref<1024x32000xf32, #tpu.memory_space<hbm>> -> memref<1x32000xf32, #tpu.memory_space<hbm>>
    tpu.wait_dma2 semaphore(%arg4 : memref<!tpu.dma_semaphore, #tpu.memory_space<semaphore_mem>>) src(%dma_wait3A_644 : memref<1x32000xf32, #tpu.memory_space<hbm>>) dst(%dma_wait3A_642 : memref<1x32000xf32, #tpu.memory_space<vmem>>)
    %dma_wait3A_645 = arith.constant 17 : i32
    %dma_wait3A_646 = arith.constant 0 : i32
    %dma_wait3A_647 = tpu.memref_slice %arg3[%dma_wait3A_645, %dma_wait3A_646] : memref<80x32768xf32, #tpu.memory_space<vmem>> -> memref<1x32000xf32, #tpu.memory_space<vmem>>
    %dma_wait3A_648 = arith.constant 0 : i32
    %dma_wait3A_649 = tpu.memref_slice %arg2[%get3A_118, %dma_wait3A_648] : memref<1024x32000xf32, #tpu.memory_space<hbm>> -> memref<1x32000xf32, #tpu.memory_space<hbm>>
    tpu.wait_dma2 semaphore(%arg4 : memref<!tpu.dma_semaphore, #tpu.memory_space<semaphore_mem>>) src(%dma_wait3A_649 : memref<1x32000xf32, #tpu.memory_space<hbm>>) dst(%dma_wait3A_647 : memref<1x32000xf32, #tpu.memory_space<vmem>>)
    %dma_wait3A_650 = arith.constant 18 : i32
    %dma_wait3A_651 = arith.constant 0 : i32
    %dma_wait3A_652 = tpu.memref_slice %arg3[%dma_wait3A_650, %dma_wait3A_651] : memref<80x32768xf32, #tpu.memory_space<vmem>> -> memref<1x32000xf32, #tpu.memory_space<vmem>>
    %dma_wait3A_653 = arith.constant 0 : i32
    %dma_wait3A_654 = tpu.memref_slice %arg2[%get3A_125, %dma_wait3A_653] : memref<1024x32000xf32, #tpu.memory_space<hbm>> -> memref<1x32000xf32, #tpu.memory_space<hbm>>
    tpu.wait_dma2 semaphore(%arg4 : memref<!tpu.dma_semaphore, #tpu.memory_space<semaphore_mem>>) src(%dma_wait3A_654 : memref<1x32000xf32, #tpu.memory_space<hbm>>) dst(%dma_wait3A_652 : memref<1x32000xf32, #tpu.memory_space<vmem>>)
    %dma_wait3A_655 = arith.constant 19 : i32
    %dma_wait3A_656 = arith.constant 0 : i32
    %dma_wait3A_657 = tpu.memref_slice %arg3[%dma_wait3A_655, %dma_wait3A_656] : memref<80x32768xf32, #tpu.memory_space<vmem>> -> memref<1x32000xf32, #tpu.memory_space<vmem>>
    %dma_wait3A_658 = arith.constant 0 : i32
    %dma_wait3A_659 = tpu.memref_slice %arg2[%get3A_132, %dma_wait3A_658] : memref<1024x32000xf32, #tpu.memory_space<hbm>> -> memref<1x32000xf32, #tpu.memory_space<hbm>>
    tpu.wait_dma2 semaphore(%arg4 : memref<!tpu.dma_semaphore, #tpu.memory_space<semaphore_mem>>) src(%dma_wait3A_659 : memref<1x32000xf32, #tpu.memory_space<hbm>>) dst(%dma_wait3A_657 : memref<1x32000xf32, #tpu.memory_space<vmem>>)
    %dma_wait3A_660 = arith.constant 20 : i32
    %dma_wait3A_661 = arith.constant 0 : i32
    %dma_wait3A_662 = tpu.memref_slice %arg3[%dma_wait3A_660, %dma_wait3A_661] : memref<80x32768xf32, #tpu.memory_space<vmem>> -> memref<1x32000xf32, #tpu.memory_space<vmem>>
    %dma_wait3A_663 = arith.constant 0 : i32
    %dma_wait3A_664 = tpu.memref_slice %arg2[%get3A_139, %dma_wait3A_663] : memref<1024x32000xf32, #tpu.memory_space<hbm>> -> memref<1x32000xf32, #tpu.memory_space<hbm>>
    tpu.wait_dma2 semaphore(%arg4 : memref<!tpu.dma_semaphore, #tpu.memory_space<semaphore_mem>>) src(%dma_wait3A_664 : memref<1x32000xf32, #tpu.memory_space<hbm>>) dst(%dma_wait3A_662 : memref<1x32000xf32, #tpu.memory_space<vmem>>)
    %dma_wait3A_665 = arith.constant 21 : i32
    %dma_wait3A_666 = arith.constant 0 : i32
    %dma_wait3A_667 = tpu.memref_slice %arg3[%dma_wait3A_665, %dma_wait3A_666] : memref<80x32768xf32, #tpu.memory_space<vmem>> -> memref<1x32000xf32, #tpu.memory_space<vmem>>
    %dma_wait3A_668 = arith.constant 0 : i32
    %dma_wait3A_669 = tpu.memref_slice %arg2[%get3A_146, %dma_wait3A_668] : memref<1024x32000xf32, #tpu.memory_space<hbm>> -> memref<1x32000xf32, #tpu.memory_space<hbm>>
    tpu.wait_dma2 semaphore(%arg4 : memref<!tpu.dma_semaphore, #tpu.memory_space<semaphore_mem>>) src(%dma_wait3A_669 : memref<1x32000xf32, #tpu.memory_space<hbm>>) dst(%dma_wait3A_667 : memref<1x32000xf32, #tpu.memory_space<vmem>>)
    %dma_wait3A_670 = arith.constant 22 : i32
    %dma_wait3A_671 = arith.constant 0 : i32
    %dma_wait3A_672 = tpu.memref_slice %arg3[%dma_wait3A_670, %dma_wait3A_671] : memref<80x32768xf32, #tpu.memory_space<vmem>> -> memref<1x32000xf32, #tpu.memory_space<vmem>>
    %dma_wait3A_673 = arith.constant 0 : i32
    %dma_wait3A_674 = tpu.memref_slice %arg2[%get3A_153, %dma_wait3A_673] : memref<1024x32000xf32, #tpu.memory_space<hbm>> -> memref<1x32000xf32, #tpu.memory_space<hbm>>
    tpu.wait_dma2 semaphore(%arg4 : memref<!tpu.dma_semaphore, #tpu.memory_space<semaphore_mem>>) src(%dma_wait3A_674 : memref<1x32000xf32, #tpu.memory_space<hbm>>) dst(%dma_wait3A_672 : memref<1x32000xf32, #tpu.memory_space<vmem>>)
    %dma_wait3A_675 = arith.constant 23 : i32
    %dma_wait3A_676 = arith.constant 0 : i32
    %dma_wait3A_677 = tpu.memref_slice %arg3[%dma_wait3A_675, %dma_wait3A_676] : memref<80x32768xf32, #tpu.memory_space<vmem>> -> memref<1x32000xf32, #tpu.memory_space<vmem>>
    %dma_wait3A_678 = arith.constant 0 : i32
    %dma_wait3A_679 = tpu.memref_slice %arg2[%get3A_160, %dma_wait3A_678] : memref<1024x32000xf32, #tpu.memory_space<hbm>> -> memref<1x32000xf32, #tpu.memory_space<hbm>>
    tpu.wait_dma2 semaphore(%arg4 : memref<!tpu.dma_semaphore, #tpu.memory_space<semaphore_mem>>) src(%dma_wait3A_679 : memref<1x32000xf32, #tpu.memory_space<hbm>>) dst(%dma_wait3A_677 : memref<1x32000xf32, #tpu.memory_space<vmem>>)
    %dma_wait3A_680 = arith.constant 24 : i32
    %dma_wait3A_681 = arith.constant 0 : i32
    %dma_wait3A_682 = tpu.memref_slice %arg3[%dma_wait3A_680, %dma_wait3A_681] : memref<80x32768xf32, #tpu.memory_space<vmem>> -> memref<1x32000xf32, #tpu.memory_space<vmem>>
    %dma_wait3A_683 = arith.constant 0 : i32
    %dma_wait3A_684 = tpu.memref_slice %arg2[%get3A_167, %dma_wait3A_683] : memref<1024x32000xf32, #tpu.memory_space<hbm>> -> memref<1x32000xf32, #tpu.memory_space<hbm>>
    tpu.wait_dma2 semaphore(%arg4 : memref<!tpu.dma_semaphore, #tpu.memory_space<semaphore_mem>>) src(%dma_wait3A_684 : memref<1x32000xf32, #tpu.memory_space<hbm>>) dst(%dma_wait3A_682 : memref<1x32000xf32, #tpu.memory_space<vmem>>)
    %dma_wait3A_685 = arith.constant 25 : i32
    %dma_wait3A_686 = arith.constant 0 : i32
    %dma_wait3A_687 = tpu.memref_slice %arg3[%dma_wait3A_685, %dma_wait3A_686] : memref<80x32768xf32, #tpu.memory_space<vmem>> -> memref<1x32000xf32, #tpu.memory_space<vmem>>
    %dma_wait3A_688 = arith.constant 0 : i32
    %dma_wait3A_689 = tpu.memref_slice %arg2[%get3A_174, %dma_wait3A_688] : memref<1024x32000xf32, #tpu.memory_space<hbm>> -> memref<1x32000xf32, #tpu.memory_space<hbm>>
    tpu.wait_dma2 semaphore(%arg4 : memref<!tpu.dma_semaphore, #tpu.memory_space<semaphore_mem>>) src(%dma_wait3A_689 : memref<1x32000xf32, #tpu.memory_space<hbm>>) dst(%dma_wait3A_687 : memref<1x32000xf32, #tpu.memory_space<vmem>>)
    %dma_wait3A_690 = arith.constant 26 : i32
    %dma_wait3A_691 = arith.constant 0 : i32
    %dma_wait3A_692 = tpu.memref_slice %arg3[%dma_wait3A_690, %dma_wait3A_691] : memref<80x32768xf32, #tpu.memory_space<vmem>> -> memref<1x32000xf32, #tpu.memory_space<vmem>>
    %dma_wait3A_693 = arith.constant 0 : i32
    %dma_wait3A_694 = tpu.memref_slice %arg2[%get3A_181, %dma_wait3A_693] : memref<1024x32000xf32, #tpu.memory_space<hbm>> -> memref<1x32000xf32, #tpu.memory_space<hbm>>
    tpu.wait_dma2 semaphore(%arg4 : memref<!tpu.dma_semaphore, #tpu.memory_space<semaphore_mem>>) src(%dma_wait3A_694 : memref<1x32000xf32, #tpu.memory_space<hbm>>) dst(%dma_wait3A_692 : memref<1x32000xf32, #tpu.memory_space<vmem>>)
    %dma_wait3A_695 = arith.constant 27 : i32
    %dma_wait3A_696 = arith.constant 0 : i32
    %dma_wait3A_697 = tpu.memref_slice %arg3[%dma_wait3A_695, %dma_wait3A_696] : memref<80x32768xf32, #tpu.memory_space<vmem>> -> memref<1x32000xf32, #tpu.memory_space<vmem>>
    %dma_wait3A_698 = arith.constant 0 : i32
    %dma_wait3A_699 = tpu.memref_slice %arg2[%get3A_188, %dma_wait3A_698] : memref<1024x32000xf32, #tpu.memory_space<hbm>> -> memref<1x32000xf32, #tpu.memory_space<hbm>>
    tpu.wait_dma2 semaphore(%arg4 : memref<!tpu.dma_semaphore, #tpu.memory_space<semaphore_mem>>) src(%dma_wait3A_699 : memref<1x32000xf32, #tpu.memory_space<hbm>>) dst(%dma_wait3A_697 : memref<1x32000xf32, #tpu.memory_space<vmem>>)
    %dma_wait3A_700 = arith.constant 28 : i32
    %dma_wait3A_701 = arith.constant 0 : i32
    %dma_wait3A_702 = tpu.memref_slice %arg3[%dma_wait3A_700, %dma_wait3A_701] : memref<80x32768xf32, #tpu.memory_space<vmem>> -> memref<1x32000xf32, #tpu.memory_space<vmem>>
    %dma_wait3A_703 = arith.constant 0 : i32
    %dma_wait3A_704 = tpu.memref_slice %arg2[%get3A_195, %dma_wait3A_703] : memref<1024x32000xf32, #tpu.memory_space<hbm>> -> memref<1x32000xf32, #tpu.memory_space<hbm>>
    tpu.wait_dma2 semaphore(%arg4 : memref<!tpu.dma_semaphore, #tpu.memory_space<semaphore_mem>>) src(%dma_wait3A_704 : memref<1x32000xf32, #tpu.memory_space<hbm>>) dst(%dma_wait3A_702 : memref<1x32000xf32, #tpu.memory_space<vmem>>)
    %dma_wait3A_705 = arith.constant 29 : i32
    %dma_wait3A_706 = arith.constant 0 : i32
    %dma_wait3A_707 = tpu.memref_slice %arg3[%dma_wait3A_705, %dma_wait3A_706] : memref<80x32768xf32, #tpu.memory_space<vmem>> -> memref<1x32000xf32, #tpu.memory_space<vmem>>
    %dma_wait3A_708 = arith.constant 0 : i32
    %dma_wait3A_709 = tpu.memref_slice %arg2[%get3A_202, %dma_wait3A_708] : memref<1024x32000xf32, #tpu.memory_space<hbm>> -> memref<1x32000xf32, #tpu.memory_space<hbm>>
    tpu.wait_dma2 semaphore(%arg4 : memref<!tpu.dma_semaphore, #tpu.memory_space<semaphore_mem>>) src(%dma_wait3A_709 : memref<1x32000xf32, #tpu.memory_space<hbm>>) dst(%dma_wait3A_707 : memref<1x32000xf32, #tpu.memory_space<vmem>>)
    %dma_wait3A_710 = arith.constant 30 : i32
    %dma_wait3A_711 = arith.constant 0 : i32
    %dma_wait3A_712 = tpu.memref_slice %arg3[%dma_wait3A_710, %dma_wait3A_711] : memref<80x32768xf32, #tpu.memory_space<vmem>> -> memref<1x32000xf32, #tpu.memory_space<vmem>>
    %dma_wait3A_713 = arith.constant 0 : i32
    %dma_wait3A_714 = tpu.memref_slice %arg2[%get3A_209, %dma_wait3A_713] : memref<1024x32000xf32, #tpu.memory_space<hbm>> -> memref<1x32000xf32, #tpu.memory_space<hbm>>
    tpu.wait_dma2 semaphore(%arg4 : memref<!tpu.dma_semaphore, #tpu.memory_space<semaphore_mem>>) src(%dma_wait3A_714 : memref<1x32000xf32, #tpu.memory_space<hbm>>) dst(%dma_wait3A_712 : memref<1x32000xf32, #tpu.memory_space<vmem>>)
    %dma_wait3A_715 = arith.constant 31 : i32
    %dma_wait3A_716 = arith.constant 0 : i32
    %dma_wait3A_717 = tpu.memref_slice %arg3[%dma_wait3A_715, %dma_wait3A_716] : memref<80x32768xf32, #tpu.memory_space<vmem>> -> memref<1x32000xf32, #tpu.memory_space<vmem>>
    %dma_wait3A_718 = arith.constant 0 : i32
    %dma_wait3A_719 = tpu.memref_slice %arg2[%get3A_216, %dma_wait3A_718] : memref<1024x32000xf32, #tpu.memory_space<hbm>> -> memref<1x32000xf32, #tpu.memory_space<hbm>>
    tpu.wait_dma2 semaphore(%arg4 : memref<!tpu.dma_semaphore, #tpu.memory_space<semaphore_mem>>) src(%dma_wait3A_719 : memref<1x32000xf32, #tpu.memory_space<hbm>>) dst(%dma_wait3A_717 : memref<1x32000xf32, #tpu.memory_space<vmem>>)
    %dma_wait3A_720 = arith.constant 32 : i32
    %dma_wait3A_721 = arith.constant 0 : i32
    %dma_wait3A_722 = tpu.memref_slice %arg3[%dma_wait3A_720, %dma_wait3A_721] : memref<80x32768xf32, #tpu.memory_space<vmem>> -> memref<1x32000xf32, #tpu.memory_space<vmem>>
    %dma_wait3A_723 = arith.constant 0 : i32
    %dma_wait3A_724 = tpu.memref_slice %arg2[%get3A_223, %dma_wait3A_723] : memref<1024x32000xf32, #tpu.memory_space<hbm>> -> memref<1x32000xf32, #tpu.memory_space<hbm>>
    tpu.wait_dma2 semaphore(%arg4 : memref<!tpu.dma_semaphore, #tpu.memory_space<semaphore_mem>>) src(%dma_wait3A_724 : memref<1x32000xf32, #tpu.memory_space<hbm>>) dst(%dma_wait3A_722 : memref<1x32000xf32, #tpu.memory_space<vmem>>)
    %dma_wait3A_725 = arith.constant 33 : i32
    %dma_wait3A_726 = arith.constant 0 : i32
    %dma_wait3A_727 = tpu.memref_slice %arg3[%dma_wait3A_725, %dma_wait3A_726] : memref<80x32768xf32, #tpu.memory_space<vmem>> -> memref<1x32000xf32, #tpu.memory_space<vmem>>
    %dma_wait3A_728 = arith.constant 0 : i32
    %dma_wait3A_729 = tpu.memref_slice %arg2[%get3A_230, %dma_wait3A_728] : memref<1024x32000xf32, #tpu.memory_space<hbm>> -> memref<1x32000xf32, #tpu.memory_space<hbm>>
    tpu.wait_dma2 semaphore(%arg4 : memref<!tpu.dma_semaphore, #tpu.memory_space<semaphore_mem>>) src(%dma_wait3A_729 : memref<1x32000xf32, #tpu.memory_space<hbm>>) dst(%dma_wait3A_727 : memref<1x32000xf32, #tpu.memory_space<vmem>>)
    %dma_wait3A_730 = arith.constant 34 : i32
    %dma_wait3A_731 = arith.constant 0 : i32
    %dma_wait3A_732 = tpu.memref_slice %arg3[%dma_wait3A_730, %dma_wait3A_731] : memref<80x32768xf32, #tpu.memory_space<vmem>> -> memref<1x32000xf32, #tpu.memory_space<vmem>>
    %dma_wait3A_733 = arith.constant 0 : i32
    %dma_wait3A_734 = tpu.memref_slice %arg2[%get3A_237, %dma_wait3A_733] : memref<1024x32000xf32, #tpu.memory_space<hbm>> -> memref<1x32000xf32, #tpu.memory_space<hbm>>
    tpu.wait_dma2 semaphore(%arg4 : memref<!tpu.dma_semaphore, #tpu.memory_space<semaphore_mem>>) src(%dma_wait3A_734 : memref<1x32000xf32, #tpu.memory_space<hbm>>) dst(%dma_wait3A_732 : memref<1x32000xf32, #tpu.memory_space<vmem>>)
    %dma_wait3A_735 = arith.constant 35 : i32
    %dma_wait3A_736 = arith.constant 0 : i32
    %dma_wait3A_737 = tpu.memref_slice %arg3[%dma_wait3A_735, %dma_wait3A_736] : memref<80x32768xf32, #tpu.memory_space<vmem>> -> memref<1x32000xf32, #tpu.memory_space<vmem>>
    %dma_wait3A_738 = arith.constant 0 : i32
    %dma_wait3A_739 = tpu.memref_slice %arg2[%get3A_244, %dma_wait3A_738] : memref<1024x32000xf32, #tpu.memory_space<hbm>> -> memref<1x32000xf32, #tpu.memory_space<hbm>>
    tpu.wait_dma2 semaphore(%arg4 : memref<!tpu.dma_semaphore, #tpu.memory_space<semaphore_mem>>) src(%dma_wait3A_739 : memref<1x32000xf32, #tpu.memory_space<hbm>>) dst(%dma_wait3A_737 : memref<1x32000xf32, #tpu.memory_space<vmem>>)
    %dma_wait3A_740 = arith.constant 36 : i32
    %dma_wait3A_741 = arith.constant 0 : i32
    %dma_wait3A_742 = tpu.memref_slice %arg3[%dma_wait3A_740, %dma_wait3A_741] : memref<80x32768xf32, #tpu.memory_space<vmem>> -> memref<1x32000xf32, #tpu.memory_space<vmem>>
    %dma_wait3A_743 = arith.constant 0 : i32
    %dma_wait3A_744 = tpu.memref_slice %arg2[%get3A_251, %dma_wait3A_743] : memref<1024x32000xf32, #tpu.memory_space<hbm>> -> memref<1x32000xf32, #tpu.memory_space<hbm>>
    tpu.wait_dma2 semaphore(%arg4 : memref<!tpu.dma_semaphore, #tpu.memory_space<semaphore_mem>>) src(%dma_wait3A_744 : memref<1x32000xf32, #tpu.memory_space<hbm>>) dst(%dma_wait3A_742 : memref<1x32000xf32, #tpu.memory_space<vmem>>)
    %dma_wait3A_745 = arith.constant 37 : i32
    %dma_wait3A_746 = arith.constant 0 : i32
    %dma_wait3A_747 = tpu.memref_slice %arg3[%dma_wait3A_745, %dma_wait3A_746] : memref<80x32768xf32, #tpu.memory_space<vmem>> -> memref<1x32000xf32, #tpu.memory_space<vmem>>
    %dma_wait3A_748 = arith.constant 0 : i32
    %dma_wait3A_749 = tpu.memref_slice %arg2[%get3A_258, %dma_wait3A_748] : memref<1024x32000xf32, #tpu.memory_space<hbm>> -> memref<1x32000xf32, #tpu.memory_space<hbm>>
    tpu.wait_dma2 semaphore(%arg4 : memref<!tpu.dma_semaphore, #tpu.memory_space<semaphore_mem>>) src(%dma_wait3A_749 : memref<1x32000xf32, #tpu.memory_space<hbm>>) dst(%dma_wait3A_747 : memref<1x32000xf32, #tpu.memory_space<vmem>>)
    %dma_wait3A_750 = arith.constant 38 : i32
    %dma_wait3A_751 = arith.constant 0 : i32
    %dma_wait3A_752 = tpu.memref_slice %arg3[%dma_wait3A_750, %dma_wait3A_751] : memref<80x32768xf32, #tpu.memory_space<vmem>> -> memref<1x32000xf32, #tpu.memory_space<vmem>>
    %dma_wait3A_753 = arith.constant 0 : i32
    %dma_wait3A_754 = tpu.memref_slice %arg2[%get3A_265, %dma_wait3A_753] : memref<1024x32000xf32, #tpu.memory_space<hbm>> -> memref<1x32000xf32, #tpu.memory_space<hbm>>
    tpu.wait_dma2 semaphore(%arg4 : memref<!tpu.dma_semaphore, #tpu.memory_space<semaphore_mem>>) src(%dma_wait3A_754 : memref<1x32000xf32, #tpu.memory_space<hbm>>) dst(%dma_wait3A_752 : memref<1x32000xf32, #tpu.memory_space<vmem>>)
    %dma_wait3A_755 = arith.constant 39 : i32
    %dma_wait3A_756 = arith.constant 0 : i32
    %dma_wait3A_757 = tpu.memref_slice %arg3[%dma_wait3A_755, %dma_wait3A_756] : memref<80x32768xf32, #tpu.memory_space<vmem>> -> memref<1x32000xf32, #tpu.memory_space<vmem>>
    %dma_wait3A_758 = arith.constant 0 : i32
    %dma_wait3A_759 = tpu.memref_slice %arg2[%get3A_272, %dma_wait3A_758] : memref<1024x32000xf32, #tpu.memory_space<hbm>> -> memref<1x32000xf32, #tpu.memory_space<hbm>>
    tpu.wait_dma2 semaphore(%arg4 : memref<!tpu.dma_semaphore, #tpu.memory_space<semaphore_mem>>) src(%dma_wait3A_759 : memref<1x32000xf32, #tpu.memory_space<hbm>>) dst(%dma_wait3A_757 : memref<1x32000xf32, #tpu.memory_space<vmem>>)
    %dma_wait3A_760 = arith.constant 40 : i32
    %dma_wait3A_761 = arith.constant 0 : i32
    %dma_wait3A_762 = tpu.memref_slice %arg3[%dma_wait3A_760, %dma_wait3A_761] : memref<80x32768xf32, #tpu.memory_space<vmem>> -> memref<1x32000xf32, #tpu.memory_space<vmem>>
    %dma_wait3A_763 = arith.constant 0 : i32
    %dma_wait3A_764 = tpu.memref_slice %arg2[%get3A_279, %dma_wait3A_763] : memref<1024x32000xf32, #tpu.memory_space<hbm>> -> memref<1x32000xf32, #tpu.memory_space<hbm>>
    tpu.wait_dma2 semaphore(%arg4 : memref<!tpu.dma_semaphore, #tpu.memory_space<semaphore_mem>>) src(%dma_wait3A_764 : memref<1x32000xf32, #tpu.memory_space<hbm>>) dst(%dma_wait3A_762 : memref<1x32000xf32, #tpu.memory_space<vmem>>)
    %dma_wait3A_765 = arith.constant 41 : i32
    %dma_wait3A_766 = arith.constant 0 : i32
    %dma_wait3A_767 = tpu.memref_slice %arg3[%dma_wait3A_765, %dma_wait3A_766] : memref<80x32768xf32, #tpu.memory_space<vmem>> -> memref<1x32000xf32, #tpu.memory_space<vmem>>
    %dma_wait3A_768 = arith.constant 0 : i32
    %dma_wait3A_769 = tpu.memref_slice %arg2[%get3A_286, %dma_wait3A_768] : memref<1024x32000xf32, #tpu.memory_space<hbm>> -> memref<1x32000xf32, #tpu.memory_space<hbm>>
    tpu.wait_dma2 semaphore(%arg4 : memref<!tpu.dma_semaphore, #tpu.memory_space<semaphore_mem>>) src(%dma_wait3A_769 : memref<1x32000xf32, #tpu.memory_space<hbm>>) dst(%dma_wait3A_767 : memref<1x32000xf32, #tpu.memory_space<vmem>>)
    %dma_wait3A_770 = arith.constant 42 : i32
    %dma_wait3A_771 = arith.constant 0 : i32
    %dma_wait3A_772 = tpu.memref_slice %arg3[%dma_wait3A_770, %dma_wait3A_771] : memref<80x32768xf32, #tpu.memory_space<vmem>> -> memref<1x32000xf32, #tpu.memory_space<vmem>>
    %dma_wait3A_773 = arith.constant 0 : i32
    %dma_wait3A_774 = tpu.memref_slice %arg2[%get3A_293, %dma_wait3A_773] : memref<1024x32000xf32, #tpu.memory_space<hbm>> -> memref<1x32000xf32, #tpu.memory_space<hbm>>
    tpu.wait_dma2 semaphore(%arg4 : memref<!tpu.dma_semaphore, #tpu.memory_space<semaphore_mem>>) src(%dma_wait3A_774 : memref<1x32000xf32, #tpu.memory_space<hbm>>) dst(%dma_wait3A_772 : memref<1x32000xf32, #tpu.memory_space<vmem>>)
    %dma_wait3A_775 = arith.constant 43 : i32
    %dma_wait3A_776 = arith.constant 0 : i32
    %dma_wait3A_777 = tpu.memref_slice %arg3[%dma_wait3A_775, %dma_wait3A_776] : memref<80x32768xf32, #tpu.memory_space<vmem>> -> memref<1x32000xf32, #tpu.memory_space<vmem>>
    %dma_wait3A_778 = arith.constant 0 : i32
    %dma_wait3A_779 = tpu.memref_slice %arg2[%get3A_300, %dma_wait3A_778] : memref<1024x32000xf32, #tpu.memory_space<hbm>> -> memref<1x32000xf32, #tpu.memory_space<hbm>>
    tpu.wait_dma2 semaphore(%arg4 : memref<!tpu.dma_semaphore, #tpu.memory_space<semaphore_mem>>) src(%dma_wait3A_779 : memref<1x32000xf32, #tpu.memory_space<hbm>>) dst(%dma_wait3A_777 : memref<1x32000xf32, #tpu.memory_space<vmem>>)
    %dma_wait3A_780 = arith.constant 44 : i32
    %dma_wait3A_781 = arith.constant 0 : i32
    %dma_wait3A_782 = tpu.memref_slice %arg3[%dma_wait3A_780, %dma_wait3A_781] : memref<80x32768xf32, #tpu.memory_space<vmem>> -> memref<1x32000xf32, #tpu.memory_space<vmem>>
    %dma_wait3A_783 = arith.constant 0 : i32
    %dma_wait3A_784 = tpu.memref_slice %arg2[%get3A_307, %dma_wait3A_783] : memref<1024x32000xf32, #tpu.memory_space<hbm>> -> memref<1x32000xf32, #tpu.memory_space<hbm>>
    tpu.wait_dma2 semaphore(%arg4 : memref<!tpu.dma_semaphore, #tpu.memory_space<semaphore_mem>>) src(%dma_wait3A_784 : memref<1x32000xf32, #tpu.memory_space<hbm>>) dst(%dma_wait3A_782 : memref<1x32000xf32, #tpu.memory_space<vmem>>)
    %dma_wait3A_785 = arith.constant 45 : i32
    %dma_wait3A_786 = arith.constant 0 : i32
    %dma_wait3A_787 = tpu.memref_slice %arg3[%dma_wait3A_785, %dma_wait3A_786] : memref<80x32768xf32, #tpu.memory_space<vmem>> -> memref<1x32000xf32, #tpu.memory_space<vmem>>
    %dma_wait3A_788 = arith.constant 0 : i32
    %dma_wait3A_789 = tpu.memref_slice %arg2[%get3A_314, %dma_wait3A_788] : memref<1024x32000xf32, #tpu.memory_space<hbm>> -> memref<1x32000xf32, #tpu.memory_space<hbm>>
    tpu.wait_dma2 semaphore(%arg4 : memref<!tpu.dma_semaphore, #tpu.memory_space<semaphore_mem>>) src(%dma_wait3A_789 : memref<1x32000xf32, #tpu.memory_space<hbm>>) dst(%dma_wait3A_787 : memref<1x32000xf32, #tpu.memory_space<vmem>>)
    %dma_wait3A_790 = arith.constant 46 : i32
    %dma_wait3A_791 = arith.constant 0 : i32
    %dma_wait3A_792 = tpu.memref_slice %arg3[%dma_wait3A_790, %dma_wait3A_791] : memref<80x32768xf32, #tpu.memory_space<vmem>> -> memref<1x32000xf32, #tpu.memory_space<vmem>>
    %dma_wait3A_793 = arith.constant 0 : i32
    %dma_wait3A_794 = tpu.memref_slice %arg2[%get3A_321, %dma_wait3A_793] : memref<1024x32000xf32, #tpu.memory_space<hbm>> -> memref<1x32000xf32, #tpu.memory_space<hbm>>
    tpu.wait_dma2 semaphore(%arg4 : memref<!tpu.dma_semaphore, #tpu.memory_space<semaphore_mem>>) src(%dma_wait3A_794 : memref<1x32000xf32, #tpu.memory_space<hbm>>) dst(%dma_wait3A_792 : memref<1x32000xf32, #tpu.memory_space<vmem>>)
    %dma_wait3A_795 = arith.constant 47 : i32
    %dma_wait3A_796 = arith.constant 0 : i32
    %dma_wait3A_797 = tpu.memref_slice %arg3[%dma_wait3A_795, %dma_wait3A_796] : memref<80x32768xf32, #tpu.memory_space<vmem>> -> memref<1x32000xf32, #tpu.memory_space<vmem>>
    %dma_wait3A_798 = arith.constant 0 : i32
    %dma_wait3A_799 = tpu.memref_slice %arg2[%get3A_328, %dma_wait3A_798] : memref<1024x32000xf32, #tpu.memory_space<hbm>> -> memref<1x32000xf32, #tpu.memory_space<hbm>>
    tpu.wait_dma2 semaphore(%arg4 : memref<!tpu.dma_semaphore, #tpu.memory_space<semaphore_mem>>) src(%dma_wait3A_799 : memref<1x32000xf32, #tpu.memory_space<hbm>>) dst(%dma_wait3A_797 : memref<1x32000xf32, #tpu.memory_space<vmem>>)
    %dma_wait3A_800 = arith.constant 48 : i32
    %dma_wait3A_801 = arith.constant 0 : i32
    %dma_wait3A_802 = tpu.memref_slice %arg3[%dma_wait3A_800, %dma_wait3A_801] : memref<80x32768xf32, #tpu.memory_space<vmem>> -> memref<1x32000xf32, #tpu.memory_space<vmem>>
    %dma_wait3A_803 = arith.constant 0 : i32
    %dma_wait3A_804 = tpu.memref_slice %arg2[%get3A_335, %dma_wait3A_803] : memref<1024x32000xf32, #tpu.memory_space<hbm>> -> memref<1x32000xf32, #tpu.memory_space<hbm>>
    tpu.wait_dma2 semaphore(%arg4 : memref<!tpu.dma_semaphore, #tpu.memory_space<semaphore_mem>>) src(%dma_wait3A_804 : memref<1x32000xf32, #tpu.memory_space<hbm>>) dst(%dma_wait3A_802 : memref<1x32000xf32, #tpu.memory_space<vmem>>)
    %dma_wait3A_805 = arith.constant 49 : i32
    %dma_wait3A_806 = arith.constant 0 : i32
    %dma_wait3A_807 = tpu.memref_slice %arg3[%dma_wait3A_805, %dma_wait3A_806] : memref<80x32768xf32, #tpu.memory_space<vmem>> -> memref<1x32000xf32, #tpu.memory_space<vmem>>
    %dma_wait3A_808 = arith.constant 0 : i32
    %dma_wait3A_809 = tpu.memref_slice %arg2[%get3A_342, %dma_wait3A_808] : memref<1024x32000xf32, #tpu.memory_space<hbm>> -> memref<1x32000xf32, #tpu.memory_space<hbm>>
    tpu.wait_dma2 semaphore(%arg4 : memref<!tpu.dma_semaphore, #tpu.memory_space<semaphore_mem>>) src(%dma_wait3A_809 : memref<1x32000xf32, #tpu.memory_space<hbm>>) dst(%dma_wait3A_807 : memref<1x32000xf32, #tpu.memory_space<vmem>>)
    %dma_wait3A_810 = arith.constant 50 : i32
    %dma_wait3A_811 = arith.constant 0 : i32
    %dma_wait3A_812 = tpu.memref_slice %arg3[%dma_wait3A_810, %dma_wait3A_811] : memref<80x32768xf32, #tpu.memory_space<vmem>> -> memref<1x32000xf32, #tpu.memory_space<vmem>>
    %dma_wait3A_813 = arith.constant 0 : i32
    %dma_wait3A_814 = tpu.memref_slice %arg2[%get3A_349, %dma_wait3A_813] : memref<1024x32000xf32, #tpu.memory_space<hbm>> -> memref<1x32000xf32, #tpu.memory_space<hbm>>
    tpu.wait_dma2 semaphore(%arg4 : memref<!tpu.dma_semaphore, #tpu.memory_space<semaphore_mem>>) src(%dma_wait3A_814 : memref<1x32000xf32, #tpu.memory_space<hbm>>) dst(%dma_wait3A_812 : memref<1x32000xf32, #tpu.memory_space<vmem>>)
    %dma_wait3A_815 = arith.constant 51 : i32
    %dma_wait3A_816 = arith.constant 0 : i32
    %dma_wait3A_817 = tpu.memref_slice %arg3[%dma_wait3A_815, %dma_wait3A_816] : memref<80x32768xf32, #tpu.memory_space<vmem>> -> memref<1x32000xf32, #tpu.memory_space<vmem>>
    %dma_wait3A_818 = arith.constant 0 : i32
    %dma_wait3A_819 = tpu.memref_slice %arg2[%get3A_356, %dma_wait3A_818] : memref<1024x32000xf32, #tpu.memory_space<hbm>> -> memref<1x32000xf32, #tpu.memory_space<hbm>>
    tpu.wait_dma2 semaphore(%arg4 : memref<!tpu.dma_semaphore, #tpu.memory_space<semaphore_mem>>) src(%dma_wait3A_819 : memref<1x32000xf32, #tpu.memory_space<hbm>>) dst(%dma_wait3A_817 : memref<1x32000xf32, #tpu.memory_space<vmem>>)
    %dma_wait3A_820 = arith.constant 52 : i32
    %dma_wait3A_821 = arith.constant 0 : i32
    %dma_wait3A_822 = tpu.memref_slice %arg3[%dma_wait3A_820, %dma_wait3A_821] : memref<80x32768xf32, #tpu.memory_space<vmem>> -> memref<1x32000xf32, #tpu.memory_space<vmem>>
    %dma_wait3A_823 = arith.constant 0 : i32
    %dma_wait3A_824 = tpu.memref_slice %arg2[%get3A_363, %dma_wait3A_823] : memref<1024x32000xf32, #tpu.memory_space<hbm>> -> memref<1x32000xf32, #tpu.memory_space<hbm>>
    tpu.wait_dma2 semaphore(%arg4 : memref<!tpu.dma_semaphore, #tpu.memory_space<semaphore_mem>>) src(%dma_wait3A_824 : memref<1x32000xf32, #tpu.memory_space<hbm>>) dst(%dma_wait3A_822 : memref<1x32000xf32, #tpu.memory_space<vmem>>)
    %dma_wait3A_825 = arith.constant 53 : i32
    %dma_wait3A_826 = arith.constant 0 : i32
    %dma_wait3A_827 = tpu.memref_slice %arg3[%dma_wait3A_825, %dma_wait3A_826] : memref<80x32768xf32, #tpu.memory_space<vmem>> -> memref<1x32000xf32, #tpu.memory_space<vmem>>
    %dma_wait3A_828 = arith.constant 0 : i32
    %dma_wait3A_829 = tpu.memref_slice %arg2[%get3A_370, %dma_wait3A_828] : memref<1024x32000xf32, #tpu.memory_space<hbm>> -> memref<1x32000xf32, #tpu.memory_space<hbm>>
    tpu.wait_dma2 semaphore(%arg4 : memref<!tpu.dma_semaphore, #tpu.memory_space<semaphore_mem>>) src(%dma_wait3A_829 : memref<1x32000xf32, #tpu.memory_space<hbm>>) dst(%dma_wait3A_827 : memref<1x32000xf32, #tpu.memory_space<vmem>>)
    %dma_wait3A_830 = arith.constant 54 : i32
    %dma_wait3A_831 = arith.constant 0 : i32
    %dma_wait3A_832 = tpu.memref_slice %arg3[%dma_wait3A_830, %dma_wait3A_831] : memref<80x32768xf32, #tpu.memory_space<vmem>> -> memref<1x32000xf32, #tpu.memory_space<vmem>>
    %dma_wait3A_833 = arith.constant 0 : i32
    %dma_wait3A_834 = tpu.memref_slice %arg2[%get3A_377, %dma_wait3A_833] : memref<1024x32000xf32, #tpu.memory_space<hbm>> -> memref<1x32000xf32, #tpu.memory_space<hbm>>
    tpu.wait_dma2 semaphore(%arg4 : memref<!tpu.dma_semaphore, #tpu.memory_space<semaphore_mem>>) src(%dma_wait3A_834 : memref<1x32000xf32, #tpu.memory_space<hbm>>) dst(%dma_wait3A_832 : memref<1x32000xf32, #tpu.memory_space<vmem>>)
    %dma_wait3A_835 = arith.constant 55 : i32
    %dma_wait3A_836 = arith.constant 0 : i32
    %dma_wait3A_837 = tpu.memref_slice %arg3[%dma_wait3A_835, %dma_wait3A_836] : memref<80x32768xf32, #tpu.memory_space<vmem>> -> memref<1x32000xf32, #tpu.memory_space<vmem>>
    %dma_wait3A_838 = arith.constant 0 : i32
    %dma_wait3A_839 = tpu.memref_slice %arg2[%get3A_384, %dma_wait3A_838] : memref<1024x32000xf32, #tpu.memory_space<hbm>> -> memref<1x32000xf32, #tpu.memory_space<hbm>>
    tpu.wait_dma2 semaphore(%arg4 : memref<!tpu.dma_semaphore, #tpu.memory_space<semaphore_mem>>) src(%dma_wait3A_839 : memref<1x32000xf32, #tpu.memory_space<hbm>>) dst(%dma_wait3A_837 : memref<1x32000xf32, #tpu.memory_space<vmem>>)
    %dma_wait3A_840 = arith.constant 56 : i32
    %dma_wait3A_841 = arith.constant 0 : i32
    %dma_wait3A_842 = tpu.memref_slice %arg3[%dma_wait3A_840, %dma_wait3A_841] : memref<80x32768xf32, #tpu.memory_space<vmem>> -> memref<1x32000xf32, #tpu.memory_space<vmem>>
    %dma_wait3A_843 = arith.constant 0 : i32
    %dma_wait3A_844 = tpu.memref_slice %arg2[%get3A_391, %dma_wait3A_843] : memref<1024x32000xf32, #tpu.memory_space<hbm>> -> memref<1x32000xf32, #tpu.memory_space<hbm>>
    tpu.wait_dma2 semaphore(%arg4 : memref<!tpu.dma_semaphore, #tpu.memory_space<semaphore_mem>>) src(%dma_wait3A_844 : memref<1x32000xf32, #tpu.memory_space<hbm>>) dst(%dma_wait3A_842 : memref<1x32000xf32, #tpu.memory_space<vmem>>)
    %dma_wait3A_845 = arith.constant 57 : i32
    %dma_wait3A_846 = arith.constant 0 : i32
    %dma_wait3A_847 = tpu.memref_slice %arg3[%dma_wait3A_845, %dma_wait3A_846] : memref<80x32768xf32, #tpu.memory_space<vmem>> -> memref<1x32000xf32, #tpu.memory_space<vmem>>
    %dma_wait3A_848 = arith.constant 0 : i32
    %dma_wait3A_849 = tpu.memref_slice %arg2[%get3A_398, %dma_wait3A_848] : memref<1024x32000xf32, #tpu.memory_space<hbm>> -> memref<1x32000xf32, #tpu.memory_space<hbm>>
    tpu.wait_dma2 semaphore(%arg4 : memref<!tpu.dma_semaphore, #tpu.memory_space<semaphore_mem>>) src(%dma_wait3A_849 : memref<1x32000xf32, #tpu.memory_space<hbm>>) dst(%dma_wait3A_847 : memref<1x32000xf32, #tpu.memory_space<vmem>>)
    %dma_wait3A_850 = arith.constant 58 : i32
    %dma_wait3A_851 = arith.constant 0 : i32
    %dma_wait3A_852 = tpu.memref_slice %arg3[%dma_wait3A_850, %dma_wait3A_851] : memref<80x32768xf32, #tpu.memory_space<vmem>> -> memref<1x32000xf32, #tpu.memory_space<vmem>>
    %dma_wait3A_853 = arith.constant 0 : i32
    %dma_wait3A_854 = tpu.memref_slice %arg2[%get3A_405, %dma_wait3A_853] : memref<1024x32000xf32, #tpu.memory_space<hbm>> -> memref<1x32000xf32, #tpu.memory_space<hbm>>
    tpu.wait_dma2 semaphore(%arg4 : memref<!tpu.dma_semaphore, #tpu.memory_space<semaphore_mem>>) src(%dma_wait3A_854 : memref<1x32000xf32, #tpu.memory_space<hbm>>) dst(%dma_wait3A_852 : memref<1x32000xf32, #tpu.memory_space<vmem>>)
    %dma_wait3A_855 = arith.constant 59 : i32
    %dma_wait3A_856 = arith.constant 0 : i32
    %dma_wait3A_857 = tpu.memref_slice %arg3[%dma_wait3A_855, %dma_wait3A_856] : memref<80x32768xf32, #tpu.memory_space<vmem>> -> memref<1x32000xf32, #tpu.memory_space<vmem>>
    %dma_wait3A_858 = arith.constant 0 : i32
    %dma_wait3A_859 = tpu.memref_slice %arg2[%get3A_412, %dma_wait3A_858] : memref<1024x32000xf32, #tpu.memory_space<hbm>> -> memref<1x32000xf32, #tpu.memory_space<hbm>>
    tpu.wait_dma2 semaphore(%arg4 : memref<!tpu.dma_semaphore, #tpu.memory_space<semaphore_mem>>) src(%dma_wait3A_859 : memref<1x32000xf32, #tpu.memory_space<hbm>>) dst(%dma_wait3A_857 : memref<1x32000xf32, #tpu.memory_space<vmem>>)
    %dma_wait3A_860 = arith.constant 60 : i32
    %dma_wait3A_861 = arith.constant 0 : i32
    %dma_wait3A_862 = tpu.memref_slice %arg3[%dma_wait3A_860, %dma_wait3A_861] : memref<80x32768xf32, #tpu.memory_space<vmem>> -> memref<1x32000xf32, #tpu.memory_space<vmem>>
    %dma_wait3A_863 = arith.constant 0 : i32
    %dma_wait3A_864 = tpu.memref_slice %arg2[%get3A_419, %dma_wait3A_863] : memref<1024x32000xf32, #tpu.memory_space<hbm>> -> memref<1x32000xf32, #tpu.memory_space<hbm>>
    tpu.wait_dma2 semaphore(%arg4 : memref<!tpu.dma_semaphore, #tpu.memory_space<semaphore_mem>>) src(%dma_wait3A_864 : memref<1x32000xf32, #tpu.memory_space<hbm>>) dst(%dma_wait3A_862 : memref<1x32000xf32, #tpu.memory_space<vmem>>)
    %dma_wait3A_865 = arith.constant 61 : i32
    %dma_wait3A_866 = arith.constant 0 : i32
    %dma_wait3A_867 = tpu.memref_slice %arg3[%dma_wait3A_865, %dma_wait3A_866] : memref<80x32768xf32, #tpu.memory_space<vmem>> -> memref<1x32000xf32, #tpu.memory_space<vmem>>
    %dma_wait3A_868 = arith.constant 0 : i32
    %dma_wait3A_869 = tpu.memref_slice %arg2[%get3A_426, %dma_wait3A_868] : memref<1024x32000xf32, #tpu.memory_space<hbm>> -> memref<1x32000xf32, #tpu.memory_space<hbm>>
    tpu.wait_dma2 semaphore(%arg4 : memref<!tpu.dma_semaphore, #tpu.memory_space<semaphore_mem>>) src(%dma_wait3A_869 : memref<1x32000xf32, #tpu.memory_space<hbm>>) dst(%dma_wait3A_867 : memref<1x32000xf32, #tpu.memory_space<vmem>>)
    %dma_wait3A_870 = arith.constant 62 : i32
    %dma_wait3A_871 = arith.constant 0 : i32
    %dma_wait3A_872 = tpu.memref_slice %arg3[%dma_wait3A_870, %dma_wait3A_871] : memref<80x32768xf32, #tpu.memory_space<vmem>> -> memref<1x32000xf32, #tpu.memory_space<vmem>>
    %dma_wait3A_873 = arith.constant 0 : i32
    %dma_wait3A_874 = tpu.memref_slice %arg2[%get3A_433, %dma_wait3A_873] : memref<1024x32000xf32, #tpu.memory_space<hbm>> -> memref<1x32000xf32, #tpu.memory_space<hbm>>
    tpu.wait_dma2 semaphore(%arg4 : memref<!tpu.dma_semaphore, #tpu.memory_space<semaphore_mem>>) src(%dma_wait3A_874 : memref<1x32000xf32, #tpu.memory_space<hbm>>) dst(%dma_wait3A_872 : memref<1x32000xf32, #tpu.memory_space<vmem>>)
    %dma_wait3A_875 = arith.constant 63 : i32
    %dma_wait3A_876 = arith.constant 0 : i32
    %dma_wait3A_877 = tpu.memref_slice %arg3[%dma_wait3A_875, %dma_wait3A_876] : memref<80x32768xf32, #tpu.memory_space<vmem>> -> memref<1x32000xf32, #tpu.memory_space<vmem>>
    %dma_wait3A_878 = arith.constant 0 : i32
    %dma_wait3A_879 = tpu.memref_slice %arg2[%get3A_440, %dma_wait3A_878] : memref<1024x32000xf32, #tpu.memory_space<hbm>> -> memref<1x32000xf32, #tpu.memory_space<hbm>>
    tpu.wait_dma2 semaphore(%arg4 : memref<!tpu.dma_semaphore, #tpu.memory_space<semaphore_mem>>) src(%dma_wait3A_879 : memref<1x32000xf32, #tpu.memory_space<hbm>>) dst(%dma_wait3A_877 : memref<1x32000xf32, #tpu.memory_space<vmem>>)
    %dma_wait3A_880 = arith.constant 64 : i32
    %dma_wait3A_881 = arith.constant 0 : i32
    %dma_wait3A_882 = tpu.memref_slice %arg3[%dma_wait3A_880, %dma_wait3A_881] : memref<80x32768xf32, #tpu.memory_space<vmem>> -> memref<1x32000xf32, #tpu.memory_space<vmem>>
    %dma_wait3A_883 = arith.constant 0 : i32
    %dma_wait3A_884 = tpu.memref_slice %arg2[%get3A_447, %dma_wait3A_883] : memref<1024x32000xf32, #tpu.memory_space<hbm>> -> memref<1x32000xf32, #tpu.memory_space<hbm>>
    tpu.wait_dma2 semaphore(%arg4 : memref<!tpu.dma_semaphore, #tpu.memory_space<semaphore_mem>>) src(%dma_wait3A_884 : memref<1x32000xf32, #tpu.memory_space<hbm>>) dst(%dma_wait3A_882 : memref<1x32000xf32, #tpu.memory_space<vmem>>)
    %dma_wait3A_885 = arith.constant 65 : i32
    %dma_wait3A_886 = arith.constant 0 : i32
    %dma_wait3A_887 = tpu.memref_slice %arg3[%dma_wait3A_885, %dma_wait3A_886] : memref<80x32768xf32, #tpu.memory_space<vmem>> -> memref<1x32000xf32, #tpu.memory_space<vmem>>
    %dma_wait3A_888 = arith.constant 0 : i32
    %dma_wait3A_889 = tpu.memref_slice %arg2[%get3A_454, %dma_wait3A_888] : memref<1024x32000xf32, #tpu.memory_space<hbm>> -> memref<1x32000xf32, #tpu.memory_space<hbm>>
    tpu.wait_dma2 semaphore(%arg4 : memref<!tpu.dma_semaphore, #tpu.memory_space<semaphore_mem>>) src(%dma_wait3A_889 : memref<1x32000xf32, #tpu.memory_space<hbm>>) dst(%dma_wait3A_887 : memref<1x32000xf32, #tpu.memory_space<vmem>>)
    %dma_wait3A_890 = arith.constant 66 : i32
    %dma_wait3A_891 = arith.constant 0 : i32
    %dma_wait3A_892 = tpu.memref_slice %arg3[%dma_wait3A_890, %dma_wait3A_891] : memref<80x32768xf32, #tpu.memory_space<vmem>> -> memref<1x32000xf32, #tpu.memory_space<vmem>>
    %dma_wait3A_893 = arith.constant 0 : i32
    %dma_wait3A_894 = tpu.memref_slice %arg2[%get3A_461, %dma_wait3A_893] : memref<1024x32000xf32, #tpu.memory_space<hbm>> -> memref<1x32000xf32, #tpu.memory_space<hbm>>
    tpu.wait_dma2 semaphore(%arg4 : memref<!tpu.dma_semaphore, #tpu.memory_space<semaphore_mem>>) src(%dma_wait3A_894 : memref<1x32000xf32, #tpu.memory_space<hbm>>) dst(%dma_wait3A_892 : memref<1x32000xf32, #tpu.memory_space<vmem>>)
    %dma_wait3A_895 = arith.constant 67 : i32
    %dma_wait3A_896 = arith.constant 0 : i32
    %dma_wait3A_897 = tpu.memref_slice %arg3[%dma_wait3A_895, %dma_wait3A_896] : memref<80x32768xf32, #tpu.memory_space<vmem>> -> memref<1x32000xf32, #tpu.memory_space<vmem>>
    %dma_wait3A_898 = arith.constant 0 : i32
    %dma_wait3A_899 = tpu.memref_slice %arg2[%get3A_468, %dma_wait3A_898] : memref<1024x32000xf32, #tpu.memory_space<hbm>> -> memref<1x32000xf32, #tpu.memory_space<hbm>>
    tpu.wait_dma2 semaphore(%arg4 : memref<!tpu.dma_semaphore, #tpu.memory_space<semaphore_mem>>) src(%dma_wait3A_899 : memref<1x32000xf32, #tpu.memory_space<hbm>>) dst(%dma_wait3A_897 : memref<1x32000xf32, #tpu.memory_space<vmem>>)
    %dma_wait3A_900 = arith.constant 68 : i32
    %dma_wait3A_901 = arith.constant 0 : i32
    %dma_wait3A_902 = tpu.memref_slice %arg3[%dma_wait3A_900, %dma_wait3A_901] : memref<80x32768xf32, #tpu.memory_space<vmem>> -> memref<1x32000xf32, #tpu.memory_space<vmem>>
    %dma_wait3A_903 = arith.constant 0 : i32
    %dma_wait3A_904 = tpu.memref_slice %arg2[%get3A_475, %dma_wait3A_903] : memref<1024x32000xf32, #tpu.memory_space<hbm>> -> memref<1x32000xf32, #tpu.memory_space<hbm>>
    tpu.wait_dma2 semaphore(%arg4 : memref<!tpu.dma_semaphore, #tpu.memory_space<semaphore_mem>>) src(%dma_wait3A_904 : memref<1x32000xf32, #tpu.memory_space<hbm>>) dst(%dma_wait3A_902 : memref<1x32000xf32, #tpu.memory_space<vmem>>)
    %dma_wait3A_905 = arith.constant 69 : i32
    %dma_wait3A_906 = arith.constant 0 : i32
    %dma_wait3A_907 = tpu.memref_slice %arg3[%dma_wait3A_905, %dma_wait3A_906] : memref<80x32768xf32, #tpu.memory_space<vmem>> -> memref<1x32000xf32, #tpu.memory_space<vmem>>
    %dma_wait3A_908 = arith.constant 0 : i32
    %dma_wait3A_909 = tpu.memref_slice %arg2[%get3A_482, %dma_wait3A_908] : memref<1024x32000xf32, #tpu.memory_space<hbm>> -> memref<1x32000xf32, #tpu.memory_space<hbm>>
    tpu.wait_dma2 semaphore(%arg4 : memref<!tpu.dma_semaphore, #tpu.memory_space<semaphore_mem>>) src(%dma_wait3A_909 : memref<1x32000xf32, #tpu.memory_space<hbm>>) dst(%dma_wait3A_907 : memref<1x32000xf32, #tpu.memory_space<vmem>>)
    %dma_wait3A_910 = arith.constant 70 : i32
    %dma_wait3A_911 = arith.constant 0 : i32
    %dma_wait3A_912 = tpu.memref_slice %arg3[%dma_wait3A_910, %dma_wait3A_911] : memref<80x32768xf32, #tpu.memory_space<vmem>> -> memref<1x32000xf32, #tpu.memory_space<vmem>>
    %dma_wait3A_913 = arith.constant 0 : i32
    %dma_wait3A_914 = tpu.memref_slice %arg2[%get3A_489, %dma_wait3A_913] : memref<1024x32000xf32, #tpu.memory_space<hbm>> -> memref<1x32000xf32, #tpu.memory_space<hbm>>
    tpu.wait_dma2 semaphore(%arg4 : memref<!tpu.dma_semaphore, #tpu.memory_space<semaphore_mem>>) src(%dma_wait3A_914 : memref<1x32000xf32, #tpu.memory_space<hbm>>) dst(%dma_wait3A_912 : memref<1x32000xf32, #tpu.memory_space<vmem>>)
    %dma_wait3A_915 = arith.constant 71 : i32
    %dma_wait3A_916 = arith.constant 0 : i32
    %dma_wait3A_917 = tpu.memref_slice %arg3[%dma_wait3A_915, %dma_wait3A_916] : memref<80x32768xf32, #tpu.memory_space<vmem>> -> memref<1x32000xf32, #tpu.memory_space<vmem>>
    %dma_wait3A_918 = arith.constant 0 : i32
    %dma_wait3A_919 = tpu.memref_slice %arg2[%get3A_496, %dma_wait3A_918] : memref<1024x32000xf32, #tpu.memory_space<hbm>> -> memref<1x32000xf32, #tpu.memory_space<hbm>>
    tpu.wait_dma2 semaphore(%arg4 : memref<!tpu.dma_semaphore, #tpu.memory_space<semaphore_mem>>) src(%dma_wait3A_919 : memref<1x32000xf32, #tpu.memory_space<hbm>>) dst(%dma_wait3A_917 : memref<1x32000xf32, #tpu.memory_space<vmem>>)
    %dma_wait3A_920 = arith.constant 72 : i32
    %dma_wait3A_921 = arith.constant 0 : i32
    %dma_wait3A_922 = tpu.memref_slice %arg3[%dma_wait3A_920, %dma_wait3A_921] : memref<80x32768xf32, #tpu.memory_space<vmem>> -> memref<1x32000xf32, #tpu.memory_space<vmem>>
    %dma_wait3A_923 = arith.constant 0 : i32
    %dma_wait3A_924 = tpu.memref_slice %arg2[%get3A_503, %dma_wait3A_923] : memref<1024x32000xf32, #tpu.memory_space<hbm>> -> memref<1x32000xf32, #tpu.memory_space<hbm>>
    tpu.wait_dma2 semaphore(%arg4 : memref<!tpu.dma_semaphore, #tpu.memory_space<semaphore_mem>>) src(%dma_wait3A_924 : memref<1x32000xf32, #tpu.memory_space<hbm>>) dst(%dma_wait3A_922 : memref<1x32000xf32, #tpu.memory_space<vmem>>)
    %dma_wait3A_925 = arith.constant 73 : i32
    %dma_wait3A_926 = arith.constant 0 : i32
    %dma_wait3A_927 = tpu.memref_slice %arg3[%dma_wait3A_925, %dma_wait3A_926] : memref<80x32768xf32, #tpu.memory_space<vmem>> -> memref<1x32000xf32, #tpu.memory_space<vmem>>
    %dma_wait3A_928 = arith.constant 0 : i32
    %dma_wait3A_929 = tpu.memref_slice %arg2[%get3A_510, %dma_wait3A_928] : memref<1024x32000xf32, #tpu.memory_space<hbm>> -> memref<1x32000xf32, #tpu.memory_space<hbm>>
    tpu.wait_dma2 semaphore(%arg4 : memref<!tpu.dma_semaphore, #tpu.memory_space<semaphore_mem>>) src(%dma_wait3A_929 : memref<1x32000xf32, #tpu.memory_space<hbm>>) dst(%dma_wait3A_927 : memref<1x32000xf32, #tpu.memory_space<vmem>>)
    %dma_wait3A_930 = arith.constant 74 : i32
    %dma_wait3A_931 = arith.constant 0 : i32
    %dma_wait3A_932 = tpu.memref_slice %arg3[%dma_wait3A_930, %dma_wait3A_931] : memref<80x32768xf32, #tpu.memory_space<vmem>> -> memref<1x32000xf32, #tpu.memory_space<vmem>>
    %dma_wait3A_933 = arith.constant 0 : i32
    %dma_wait3A_934 = tpu.memref_slice %arg2[%get3A_517, %dma_wait3A_933] : memref<1024x32000xf32, #tpu.memory_space<hbm>> -> memref<1x32000xf32, #tpu.memory_space<hbm>>
    tpu.wait_dma2 semaphore(%arg4 : memref<!tpu.dma_semaphore, #tpu.memory_space<semaphore_mem>>) src(%dma_wait3A_934 : memref<1x32000xf32, #tpu.memory_space<hbm>>) dst(%dma_wait3A_932 : memref<1x32000xf32, #tpu.memory_space<vmem>>)
    %dma_wait3A_935 = arith.constant 75 : i32
    %dma_wait3A_936 = arith.constant 0 : i32
    %dma_wait3A_937 = tpu.memref_slice %arg3[%dma_wait3A_935, %dma_wait3A_936] : memref<80x32768xf32, #tpu.memory_space<vmem>> -> memref<1x32000xf32, #tpu.memory_space<vmem>>
    %dma_wait3A_938 = arith.constant 0 : i32
    %dma_wait3A_939 = tpu.memref_slice %arg2[%get3A_524, %dma_wait3A_938] : memref<1024x32000xf32, #tpu.memory_space<hbm>> -> memref<1x32000xf32, #tpu.memory_space<hbm>>
    tpu.wait_dma2 semaphore(%arg4 : memref<!tpu.dma_semaphore, #tpu.memory_space<semaphore_mem>>) src(%dma_wait3A_939 : memref<1x32000xf32, #tpu.memory_space<hbm>>) dst(%dma_wait3A_937 : memref<1x32000xf32, #tpu.memory_space<vmem>>)
    %dma_wait3A_940 = arith.constant 76 : i32
    %dma_wait3A_941 = arith.constant 0 : i32
    %dma_wait3A_942 = tpu.memref_slice %arg3[%dma_wait3A_940, %dma_wait3A_941] : memref<80x32768xf32, #tpu.memory_space<vmem>> -> memref<1x32000xf32, #tpu.memory_space<vmem>>
    %dma_wait3A_943 = arith.constant 0 : i32
    %dma_wait3A_944 = tpu.memref_slice %arg2[%get3A_531, %dma_wait3A_943] : memref<1024x32000xf32, #tpu.memory_space<hbm>> -> memref<1x32000xf32, #tpu.memory_space<hbm>>
    tpu.wait_dma2 semaphore(%arg4 : memref<!tpu.dma_semaphore, #tpu.memory_space<semaphore_mem>>) src(%dma_wait3A_944 : memref<1x32000xf32, #tpu.memory_space<hbm>>) dst(%dma_wait3A_942 : memref<1x32000xf32, #tpu.memory_space<vmem>>)
    %dma_wait3A_945 = arith.constant 77 : i32
    %dma_wait3A_946 = arith.constant 0 : i32
    %dma_wait3A_947 = tpu.memref_slice %arg3[%dma_wait3A_945, %dma_wait3A_946] : memref<80x32768xf32, #tpu.memory_space<vmem>> -> memref<1x32000xf32, #tpu.memory_space<vmem>>
    %dma_wait3A_948 = arith.constant 0 : i32
    %dma_wait3A_949 = tpu.memref_slice %arg2[%get3A_538, %dma_wait3A_948] : memref<1024x32000xf32, #tpu.memory_space<hbm>> -> memref<1x32000xf32, #tpu.memory_space<hbm>>
    tpu.wait_dma2 semaphore(%arg4 : memref<!tpu.dma_semaphore, #tpu.memory_space<semaphore_mem>>) src(%dma_wait3A_949 : memref<1x32000xf32, #tpu.memory_space<hbm>>) dst(%dma_wait3A_947 : memref<1x32000xf32, #tpu.memory_space<vmem>>)
    %dma_wait3A_950 = arith.constant 78 : i32
    %dma_wait3A_951 = arith.constant 0 : i32
    %dma_wait3A_952 = tpu.memref_slice %arg3[%dma_wait3A_950, %dma_wait3A_951] : memref<80x32768xf32, #tpu.memory_space<vmem>> -> memref<1x32000xf32, #tpu.memory_space<vmem>>
    %dma_wait3A_953 = arith.constant 0 : i32
    %dma_wait3A_954 = tpu.memref_slice %arg2[%get3A_545, %dma_wait3A_953] : memref<1024x32000xf32, #tpu.memory_space<hbm>> -> memref<1x32000xf32, #tpu.memory_space<hbm>>
    tpu.wait_dma2 semaphore(%arg4 : memref<!tpu.dma_semaphore, #tpu.memory_space<semaphore_mem>>) src(%dma_wait3A_954 : memref<1x32000xf32, #tpu.memory_space<hbm>>) dst(%dma_wait3A_952 : memref<1x32000xf32, #tpu.memory_space<vmem>>)
    %dma_wait3A_955 = arith.constant 79 : i32
    %dma_wait3A_956 = arith.constant 0 : i32
    %dma_wait3A_957 = tpu.memref_slice %arg3[%dma_wait3A_955, %dma_wait3A_956] : memref<80x32768xf32, #tpu.memory_space<vmem>> -> memref<1x32000xf32, #tpu.memory_space<vmem>>
    %dma_wait3A_958 = arith.constant 0 : i32
    %dma_wait3A_959 = tpu.memref_slice %arg2[%get3A_552, %dma_wait3A_958] : memref<1024x32000xf32, #tpu.memory_space<hbm>> -> memref<1x32000xf32, #tpu.memory_space<hbm>>
    tpu.wait_dma2 semaphore(%arg4 : memref<!tpu.dma_semaphore, #tpu.memory_space<semaphore_mem>>) src(%dma_wait3A_959 : memref<1x32000xf32, #tpu.memory_space<hbm>>) dst(%dma_wait3A_957 : memref<1x32000xf32, #tpu.memory_space<vmem>>)
    return
  }
  func.func @transform_1(%arg0: i32, %arg1: memref<80xi32, #tpu.memory_space<smem>>) -> (i32, i32) {
    %c0_i32 = arith.constant 0 : i32
    %c0_i32_0 = arith.constant 0 : i32
    %c0_i32_1 = arith.constant 0 : i32
    return %c0_i32, %c0_i32_0 : i32, i32
  }
}

</mosaic_0001>

<sc_bundles>
// kernel: kernel.5.cloned.1.call-start
scs
__scs_entry_jumppad:
0x0: {  	(pc) =	sbr.rel $0x88, $3  }
0x1: {  	(tag) =	ssettag $0x0;
	lr =	simm.s32 $0x1  }
0x2: {  	[smem:$0x3F9F] =	sst lr;
	_ =	strace $0xD0000000  }
0x3: {  	_ = 	snop  }
0x4: {  	_ = 	snop  }
0x5: {  	_ = 	snop  }
0x6: {  	_ = 	snop  }
0x7: {  	_ = 	snop  }
__scs_overlays_trampoline_lowered:
0x8: {  	[smem:$0x3FAE] =	sst s0  }
0x9: {  	[smem:$0x3FAF] =	sst s1  }
0xa: {  	[smem:$0x3FB0] =	sst s2  }
0xb: {  	[smem:$0x3FB1] =	sst s3  }
0xc: {  	[smem:$0x3FB2] =	sst s4  }
0xd: {  	[smem:$0x3FB3] =	sst s5  }
0xe: {  	[smem:$0x3FB4] =	sst s6  }
0xf: {  	[smem:$0x3FB5] =	sst s7  }
0x10: {  	[smem:$0x3FB6] =	sst s8  }
0x11: {  	[smem:$0x3FB7] =	sst s9;
	s0 =	simm.s32 @!p0 $0x0  }
0x12: {  	s1 =	sld [smem:$0x3F9D];
	s0 =	simm.s32 @p0 $0x1  }
0x13: {  	[smem:$0x3FB8] =	sst s0;
	s0 =	simm.s32 @!p1 $0x0  }
0x14: {  	s2 =	sld [smem:$0x3F9C];
	s0 =	simm.s32 @p1 $0x1  }
0x15: {  	[smem:$0x3FB9] =	sst s0;
	s0 =	simm.s32 @!p2 $0x0  }
0x16: {  	s3 =	sld [smem:$0x3FDB];
	s0 =	simm.s32 @p2 $0x1  }
0x17: {  	s4 =	simm.s32 $0x1BF5;
	[smem:$0x3FBB] =	sst s0  }
0x18: {  	s0 =	sld [smem:$0x3F9E];
	_ =	swait.ge [sflag:s4], $0x0  }
0x19: {  	s7 =	sld [smem:$0x3F9F]  }
0x1a: {  	s8 =	sadd.s32 $0xFFFFE003, lr  }
0x1b: {  	s9 =	sadd.s32 $0xFFFFFEF7, lr;
	s5 =	simm.s32 $0xFFFFFFFF;
	p2 =	slt.u32 s8, $0xFFFFF086  }
0x1c: {  	p1 =	slt.u32 s9, $0xF7A;
	s5 =	simm.s32 @!p2 $0x0  }
0x1d: {  	s5 =	simm.s32 @p1 $0x1;
	p0 =	seq.s32 s7, s2  }
0x1e: {  	s7 =	smul.u32 @!p0 $0xF7A, s2;
	p2 =	seq.s32 @!p0 s5, $0x0  }
0x1f: {  	s9 =	smul.u32 $0xF7A, s1;
	s8 =	simm.s32 @!p0 $0x1BF5;
	p2 =	por !p2, p0  }
0x20: {  	[sflag:s8] =	ssyncset.s32 @!p0 $0xFFFFF086;
	s6 =	sadd.s32 @!p0 s3, s7;
	s7 =	simm.s32 @!p0 $0x108  }
0x21: {  	s3 =	sadd.s32 s3, s9;
	s6 =	sadd.s32 @!p0 $0x88, s6;
	s7 =	simm.s32 @p2 $0x1082  }
0x22: {  	[simem:s7], [sflag:s8] =	dma.local @!p0 [hbm:s6], $0xF7A  }
0x23: {  	s9 =	sor.u32 $0xD0000000, s2;
	s6 =	simm.s32 $0x108;
	_ =	swait.ge @!p0 [sflag:s8], $0x0  }
0x24: {  	s3 =	sadd.s32 $0x88, s3;
	s6 =	simm.s32 @!p1 $0x1082;
	[sflag:s4] =	ssyncset.s32 $0xFFFFF086  }
0x25: {  	[simem:s6], [sflag:s4] =	dma.local [hbm:s3], $0xF7A  }
0x26: {  	[smem:$0x3F9F] =	sst s1;
	(tag) =	ssettag s2;
	_ =	strace s9  }
0x27: {  	s1 =	sld [smem:$0x3FAF]  }
0x28: {  	s2 =	sld [smem:$0x3FB0]  }
0x29: {  	s4 =	sld [smem:$0x3FB2]  }
0x2a: {  	p0 =	seq.s32 s5, $0x0;
	s5 =	sld [smem:$0x3FB3]  }
0x2b: {  	s6 =	sld [smem:$0x3FB4]  }
0x2c: {  	s7 =	sld [smem:$0x3FB5]  }
0x2d: {  	s3 =	simm.s32 $0x108;
	s8 =	sld [smem:$0x3FB6]  }
0x2e: {  	s3 =	simm.s32 @!p0 $0x1082;
	s9 =	sld [smem:$0x3FB7]  }
0x2f: {  	lr =	sadd.s32 s0, s3;
	s0 =	sld [smem:$0x3FAE]  }
0x30: {  	s3 =	sld [smem:$0x3FB1]  }
0x31: {  	[smem:$0x3FBA] =	sst s10  }
0x32: {  	s10 =	sld [smem:$0x3FB8];
	_ =	sdelay $0x3  }
0x33: {  	p0 =	seq.s32 s10, $0x1;
	s10 =	sld [smem:$0x3FBA];
	_ =	sdelay $0x3  }
0x34: {  	[smem:$0x3FBA] =	sst s10  }
0x35: {  	s10 =	sld [smem:$0x3FB9];
	_ =	sdelay $0x3  }
0x36: {  	p1 =	seq.s32 s10, $0x1;
	s10 =	sld [smem:$0x3FBA];
	_ =	sdelay $0x3  }
0x37: {  	[smem:$0x3FBA] =	sst s10  }
0x38: {  	s10 =	sld [smem:$0x3FBB]  }
0x39: {  	_ = 	snop;
	(pc) =	sbr.ind lr, $3  }
0x3a: {  	_ = 	snop  }
0x3b: {  	_ = 	snop  }
0x3c: {  	p2 =	seq.s32 s10, $0x1;
	s10 =	sld [smem:$0x3FBA]  }
0x3d: {  	_ =	shalt  }
0x3e: {  	_ =	shalt  }
0x3f: {  	_ =	shalt  }
0x40: {  	_ =	shalt  }
0x41: {  	_ =	shalt  }
0x42: {  	_ =	shalt  }
0x43: {  	_ =	shalt  }
0x44: {  	_ =	shalt  }
0x45: {  	_ =	shalt  }
0x46: {  	_ =	shalt  }
0x47: {  	_ =	shalt  }
0x48: {  	_ =	shalt  }
0x49: {  	_ =	shalt  }
0x4a: {  	_ =	shalt  }
0x4b: {  	_ =	shalt  }
0x4c: {  	_ =	shalt  }
0x4d: {  	_ =	shalt  }
0x4e: {  	_ =	shalt  }
0x4f: {  	_ =	shalt  }
0x50: {  	_ =	shalt  }
0x51: {  	_ =	shalt  }
0x52: {  	_ =	shalt  }
0x53: {  	_ =	shalt  }
0x54: {  	_ =	shalt  }
0x55: {  	_ =	shalt  }
0x56: {  	_ =	shalt  }
0x57: {  	_ =	shalt  }
0x58: {  	_ =	shalt  }
0x59: {  	_ =	shalt  }
0x5a: {  	_ =	shalt  }
0x5b: {  	_ =	shalt  }
0x5c: {  	_ =	shalt  }
0x5d: {  	_ =	shalt  }
0x5e: {  	_ =	shalt  }
0x5f: {  	_ =	shalt  }
0x60: {  	_ =	shalt  }
0x61: {  	_ =	shalt  }
0x62: {  	_ =	shalt  }
0x63: {  	_ =	shalt  }
0x64: {  	_ =	shalt  }
0x65: {  	_ =	shalt  }
0x66: {  	_ =	shalt  }
0x67: {  	_ =	shalt  }
0x68: {  	_ =	shalt  }
0x69: {  	_ =	shalt  }
0x6a: {  	_ =	shalt  }
0x6b: {  	_ =	shalt  }
0x6c: {  	_ =	shalt  }
0x6d: {  	_ =	shalt  }
0x6e: {  	_ =	shalt  }
0x6f: {  	_ =	shalt  }
0x70: {  	_ =	shalt  }
0x71: {  	_ =	shalt  }
0x72: {  	_ =	shalt  }
0x73: {  	_ =	shalt  }
0x74: {  	_ =	shalt  }
0x75: {  	_ =	shalt  }
0x76: {  	_ =	shalt  }
0x77: {  	_ =	shalt  }
0x78: {  	_ =	shalt  }
0x79: {  	_ =	shalt  }
0x7a: {  	_ =	shalt  }
0x7b: {  	_ =	shalt  }
0x7c: {  	_ =	shalt  }
0x7d: {  	_ =	shalt  }
0x7e: {  	_ =	shalt  }
0x7f: {  	_ =	shalt  }
0x80: {  	_ =	shalt  }
0x81: {  	_ =	shalt  }
0x82: {  	_ =	shalt  }
0x83: {  	_ =	shalt  }
0x84: {  	_ =	shalt  }
0x85: {  	_ =	shalt  }
0x86: {  	_ =	shalt  }
0x87: {  	_ =	shalt  }
.Lfunc_end0:
.L_simem_size_0:
called_computation_lowered:
.L_overlay_start_0:
0x88: {  	s2 =	sld [smem:$0x3FD9]  }
0x89: {  	s3 =	sld [smem:$0x3FFE];
	_ =	sdelay $0x1  }
0x8a: {  	s1 =	srdreg.scid  }
0x8b: {  	s0 =	sand.u32 $0x1, s1  }
0x8c: {  	s14 =	sshll.u32 s0, $0xA;
	s2 =	sadd.s32 s3, s2  }
0x8d: {  	s2 =	sadd.s32 s2, s14  }
0x8e: {  	[smem:$0x3FC6] =	sst s2  }
0x8f: {  	_ = 	snop  }
0x90: {  	s2 =	sld [smem:$0x3FD0];
	_ =	sdelay $0x2  }
0x91: {  	s15 =	simm.s32 $0xA;
	s4 =	simm.s32 $0x10  }
0x92: {  	[smem:s4], [sflag:s15] =	dma.local [hbm:s2], $0x1  }
0x93: {  	_ =	swait.eq [sflag:s15], $0x1  }
0x94: {  	[sflag:s15] =	ssyncset.done $0x0  }
0x95: {  	[sflag:s15] =	ssyncadd.s32 $0xFFFFFFFF  }
0x96: {  	s16 =	sld [smem:$0x10];
	(tm) =	ssettm $0x1  }
0x97: {  	s17 =	sld [smem:$0x3FFB];
	_ =	sdelay $0x3  }
0x98: {  	_ =	strace s17  }
0x99: {  	s3 =	sld [smem:$0x3FFC];
	_ =	sdelay $0x3  }
0x9a: {  	_ =	strace s3  }
0x9b: {  	s3 =	sld [smem:$0x3FFD];
	_ =	sdelay $0x3  }
0x9c: {  	_ =	strace s3  }
0x9d: {  	_ =	strace $0x8FFFFFFF  }
0x9e: {  	s18 =	sld [smem:$0x3FDB];
	_ =	sdelay $0x1  }
0x9f: {  	s19 =	simm.s32 $_scs_section_size  }
0xa0: {  	s5 =	simm.s32 $_size__tile_overlayer_lowered;
	s6 =	simm.s32 $_tile_overlayer_lowered  }
0xa1: {  	s22 =	simm.s32 $0x1BFF;
	s21 =	sshll.u32 s6, $0x1;
	s3 =	sadd.s32 s19, s18  }
0xa2: {  	s7 =	simm.s32 $0x0;
	s20 =	sshll.u32 s5, $0x1;
	s5 =	sadd.s32 s21, s3  }
0xa3: {  	[timem:s7], [sflag:s22] =	dma.local [hbm:s5], s20  }
0xa4: {  	_ =	swait.ge [sflag:s22], s20  }
0xa5: {  	s4 =	ssub.s32 $0x0, s20;
	[sflag:s22] =	ssyncset.done $0x0  }
0xa6: {  	[sflag:s22] =	ssyncadd.s32 s4;
	_ =	sdelay $0x1  }
0xa7: {  	s23 =	simm.s32 $0x1B8B  }
0xa8: {  	_ =	swait.ge [sflag:s23], $0x1  }
0xa9: {  	[sflag:s23] =	ssyncset.done $0x0  }
0xaa: {  	s25 =	simm.s32 $0x1B8E;
	s24 =	sld [smem:$0x3FFE];
	[sflag:s23] =	ssyncadd.s32 $0xFFFFFFFF  }
0xab: {  	s26 =	simm.s32 $execute0_lowered;
	[smem:$0x3FD2] =	sst s25  }
0xac: {  	s5 =	sshll.u32 s26, $0x1;
	_ =	strace $0x80000046;
	[dreg:$0x1] =	wrdreg $0xFFFFFFFF  }
0xad: {  	s28 =	simm.s32 $_size_execute0_lowered;
	s3 =	sadd.s32 s3, s5;
	[dreg:$0x0] =	wrdreg $0x0  }
0xae: {  	s5 =	sshll.u32 s28, $0x1;
	[dreg:$0x2] =	wrdreg s3  }
0xaf: {  	[dreg:$0x3] =	wrdreg s5  }
0xb0: {  	[dreg:$0x4] =	wrdreg $0xC0  }
0xb1: {  	_ =	task [dreg:s7], $0x5FFFF  }
0xb2: {  	[dreg:$0x1] =	wrdreg $0xFFFFFFFF  }
0xb3: {  	[dreg:$0x0] =	wrdreg $0x60  }
0xb4: {  	[dreg:$0x2] =	wrdreg s24  }
0xb5: {  	[dreg:$0x3] =	wrdreg s16  }
0xb6: {  	[dreg:$0x4] =	wrdreg $0x9  }
0xb7: {  	_ =	task.clear_ibuf [dreg:s7], $0x5FFFF;
	_ =	strace $0x90000046  }
0xb8: {  	s29 =	simm.s32 $0x9;
	_ =	strace $0x80000048  }
0xb9: {  	_ =	swait.ge [sflag:s29], $0x1  }
0xba: {  	[sflag:s29] =	ssyncadd.s32 $0xFFFFFFFF  }
0xbb: {  	_ =	strace $0x90000048  }
0xbc: {  	_ =	sfence  }
0xbd: {  	s30 =	sld [smem:$0x0];
	_ =	sdelay $0x2  }
0xbe: {  	s31 =	sshll.u32 s1, $0xD;
	s1 =	sshrl.u32 s1, $0x2  }
0xbf: {  	s3 =	sand.u32 $0x4000, s31;
	s1 =	sadd.s32 s1, s30  }
0xc0: {  	s0 =	sor.u32 s3, s0;
	s1 =	sshll.u32 s1, $0x11  }
0xc1: {  	s0 =	sor.u32 s1, s0  }
0xc2: {  	s0 =	sadd.s32 $0x8F2B, s0  }
0xc3: {  	[sflag:s0] =	ssyncadd.remote.s32 $0x1  }
0xc4: {  	_ =	sfence.sel $0xFFFF  }
0xc5: {  	[dreg:$0x0] =	wrdreg $0xFFFFFFFF;
	(pc) =	sbr.abs _section_cstart, $3  }
0xc6: {  	[dreg:$0x1] =	wrdreg $0xFFFFFFFF  }
0xc7: {  	_ =	task.clear_ibuf [dreg:s7], $0x2FFFF;
	_ =	strace $0x9FFFFFFF  }
0xc8: {  	(tm) =	ssettm $0x7FFFFFFF  }
0xc9: {  	_ =	shalt  }
tec
execute0_lowered:
.L_overlay_start_1:
0x0: {  	(tag) =	ssettag $0x1  }
0x1: {  	s0 =	srdreg.scid;
	s5 =	rddreg [dreg:$0x0];
	s4 =	simm.s32 $0x1  }
0x2: {  	s10 =	rddreg [dreg:$0x1];
	s2 =	simm.s32 $0x0;
	s3 =	sand.u32 $0x1, s0  }
0x3: {  	s13 =	simm.s32 $0x400;
	s0 =	stileid.u32;
	s1 =	sshll.u32 s3, $0x4  }
0x4: {  	s14 =	simm.s32 $0x4400;
	s28 =	sand.u32 $0x1, s0;
	s8 =	sor.u32 s0, s1  }
0x5: {  	s15 =	simm.s32 $0x8400;
	p1 =	seq.s32 s28, $0x1;
	p0 =	seq.s32 s8, $0x0  }
0x6: {  	s16 =	simm.s32 $0xC400;
	s17 =	simm.s32 $0x10400;
	p0 =	por !p0, !p1  }
0x7: {  	s18 =	simm.s32 $0x14400;
	s19 =	simm.s32 $0x0;
	p0 =	por !p0, !p0  }
0x8: {  	[smem:$0x7FF] =	sst s2;
	s6 =	sshrl.u32 s8, $0x1;
	s4 =	simm.s32 @!p0 $0x0  }
0x9: {  	s29 =	sshll.u32 s0, $0x7;
	s3 =	ssub.s32 $0x2, s3;
	s4 =	ssub.s32 s6, s4  }
0xa: {  	s1 =	rddreg [dreg:$0x2];
	_ =	strace $0x80000047;
	s4 =	smul.u32 $0x500, s4  }
0xb: {  	s9 =	sshrl.u32 s3, $0x1;
	s7 =	sshll.u32 s8, $0x7;
	s6 =	sand.u32 $0x80, s29  }
0xc: {  	s11 =	ssub.s32 s3, s9;
	s3 =	simm.s32 $0x1;
	s4 =	sor.u32 s6, s4  }
0xd: {  	s12 =	sshll.u32 s8, $0xB;
	s30 =	sadd.s32 s7, s5;
	s31 =	sshll.u32 s4, $0x4  }
0xe: {  	s10 =	sadd.s32 s10, s12;
	s11 =	smax.u32 s11, $0x1;
	s5 =	sadd.s32 s5, s31  }
0xf: {  	s12 =	simm.s32 $0x2;
	s4 =	sadd.s32 $0x50000, s30;
	s6 =	sadd.s32 $0x1000, s5  }
0x10: {  	s7 =	sadd.s32 $0x2000, s5;
	s8 =	sadd.s32 $0x3000, s5;
	s9 =	sadd.s32 $0x4000, s5  }
.LBB2_1:
0x11: {  	[tilespmem:s2], [sflag:$0x2] =	stream.linear.gather [hbm4b:s4+s2], $0x280, $0x38;
	[tilespmem:$0x18400] =	vst v63  }
0x12: {  	_ =	swait.ge [sflag:s12], $0x280  }
0x13: {  	[sflag:s12] =	ssyncset.done $0x0  }
0x14: {  	[sflag:s12] =	ssyncadd.s32 $0xFFFFFD80  }
0x15: {  	[tilespmem:s13], [sflag:$0x1] =	stream.linear.gather [hbm4b:s5+s2], $0x4000, $0x38;
	[tilespmem:$0x18400] =	vst v63  }
0x16: {  	_ = 	snop  }
0x17: {  	[tilespmem:s14], [sflag:$0x1] =	stream.linear.gather [hbm4b:s6+s2], $0x4000, $0x38;
	[tilespmem:$0x18400] =	vst v63  }
0x18: {  	_ = 	snop  }
0x19: {  	[tilespmem:s15], [sflag:$0x1] =	stream.linear.gather [hbm4b:s7+s2], $0x4000, $0x38;
	[tilespmem:$0x18400] =	vst v63  }
0x1a: {  	_ = 	snop  }
0x1b: {  	[tilespmem:s16], [sflag:$0x1] =	stream.linear.gather [hbm4b:s8+s2], $0x4000, $0x38;
	[tilespmem:$0x18400] =	vst v63  }
0x1c: {  	_ = 	snop  }
0x1d: {  	[tilespmem:s17], [sflag:$0x1] =	stream.linear.gather [hbm4b:s9+s2], $0x4000, $0x38;
	[tilespmem:$0x18400] =	vst v63  }
0x1e: {  	_ =	swait.ge [sflag:s3], $0x4000  }
0x1f: {  	[sflag:s3] =	ssyncset.done $0x0  }
0x20: {  	[sflag:s3] =	ssyncadd.s32 $0xFFFFC000  }
0x21: {  	_ =	swait.ge [sflag:s3], $0x4000  }
0x22: {  	[sflag:s3] =	ssyncset.done $0x0  }
0x23: {  	[sflag:s3] =	ssyncadd.s32 $0xFFFFC000  }
0x24: {  	_ =	swait.ge [sflag:s3], $0x4000  }
0x25: {  	[sflag:s3] =	ssyncset.done $0x0  }
0x26: {  	[sflag:s3] =	ssyncadd.s32 $0xFFFFC000  }
0x27: {  	_ =	swait.ge [sflag:s3], $0x4000  }
0x28: {  	[sflag:s3] =	ssyncset.done $0x0  }
0x29: {  	[sflag:s3] =	ssyncadd.s32 $0xFFFFC000  }
0x2a: {  	_ =	swait.ge [sflag:s3], $0x4000  }
0x2b: {  	[sflag:s3] =	ssyncset.done $0x0  }
0x2c: {  	[sflag:s3] =	ssyncadd.s32 $0xFFFFC000  }
0x2d: {  	v3 =	vld [tilespmem:$0x0]  }
0x2e: {  	v4 =	vld [tilespmem:$0x80]  }
0x2f: {  	v2 =	vld [tilespmem:$0x100]  }
0x30: {  	v1 =	vld [tilespmem:$0x180]  }
0x31: {  	s20 =	simm.s32 $0x0;
	v0 =	vld [tilespmem:$0x200]  }
0x32: {  	v5 =	vld [tilespmem:s20+$0x470]  }
0x33: {  	v6 =	vld [tilespmem:s20+$0x4470]  }
0x34: {  	v7 =	vld [tilespmem:s20+$0x400]  }
0x35: {  	v8 =	vld [tilespmem:s20+$0x8470]  }
0x36: {  	v9 =	vld [tilespmem:s20+$0x4400]  }
0x37: {  	v10 =	vld [tilespmem:s20+$0xC470]  }
0x38: {  	v11 =	vld [tilespmem:s20+$0x410]  }
0x39: {  	v12 =	vld [tilespmem:s20+$0x10470]  }
0x3a: {  	v13 =	vld [tilespmem:s20+$0x4410]  }
0x3b: {  	v14 =	vld [tilespmem:s20+$0x4420]  }
0x3c: {  	v15 =	vld [tilespmem:s20+$0x4430]  }
0x3d: {  	v16 =	vld [tilespmem:s20+$0x4440]  }
0x3e: {  	v17 =	vld [tilespmem:s20+$0x4450]  }
0x3f: {  	v18 =	vld [tilespmem:s20+$0x4460]  }
0x40: {  	v19 =	vld [tilespmem:s20+$0x8400];
	v5 =	vmul.f32 v5, v3;
	v6 =	vmul.f32 v6, v4  }
0x41: {  	v20 =	vld [tilespmem:s20+$0x8410]  }
0x42: {  	v21 =	vld [tilespmem:s20+$0x8420];
	v5 =	vadd.f32 v6, v5;
	v6 =	vmul.f32 v8, v2  }
0x43: {  	v22 =	vld [tilespmem:s20+$0x8430]  }
0x44: {  	v23 =	vld [tilespmem:s20+$0x8440];
	v5 =	vadd.f32 v6, v5;
	v6 =	vmul.f32 v10, v1  }
0x45: {  	v8 =	vld [tilespmem:s20+$0x420]  }
0x46: {  	v10 =	vld [tilespmem:s20+$0x430];
	v5 =	vadd.f32 v6, v5;
	v6 =	vmul.f32 v12, v0  }
0x47: {  	v12 =	vld [tilespmem:s20+$0x440]  }
0x48: {  	v7 =	vmul.f32 v7, v3;
	v9 =	vmul.f32 v9, v4;
	v5 =	vadd.f32 v6, v5;
	v6 =	vld [tilespmem:s20+$0x450]  }
0x49: {  	v24 =	vld [tilespmem:s20+$0x8450];
	v11 =	vmul.f32 v11, v3;
	v13 =	vmul.f32 v13, v4  }
0x4a: {  	v7 =	vadd.f32 v9, v7;
	v9 =	vmul.f32 v14, v4;
	v8 =	vmul.f32 v8, v3;
	[tilespmem:s20+$0x14470] =	vst v5;
	v5 =	vld [tilespmem:s20+$0x460]  }
0x4b: {  	v62 =	vld [tilespmem:s20+$0x10400];
	v11 =	vadd.f32 v13, v11;
	v13 =	vmul.f32 v15, v4;
	v10 =	vmul.f32 v10, v3  }
0x4c: {  	v14 =	vld [tilespmem:s20+$0x8460];
	v8 =	vadd.f32 v9, v8;
	v9 =	vmul.f32 v16, v4;
	v12 =	vmul.f32 v12, v3  }
0x4d: {  	v15 =	vld [tilespmem:s20+$0xC400];
	v10 =	vadd.f32 v13, v10;
	v13 =	vmul.f32 v17, v4;
	v6 =	vmul.f32 v6, v3  }
0x4e: {  	v16 =	vld [tilespmem:s20+$0xC410];
	v9 =	vadd.f32 v9, v12;
	v12 =	vmul.f32 v18, v4;
	v18 =	vmul.f32 v19, v2  }
0x4f: {  	v17 =	vld [tilespmem:s20+$0xC420];
	v5 =	vmul.f32 v5, v3  }
0x50: {  	v6 =	vadd.f32 v13, v6;
	v13 =	vmul.f32 v20, v2;
	v7 =	vadd.f32 v18, v7;
	v18 =	vld [tilespmem:s20+$0xC450]  }
0x51: {  	v19 =	vld [tilespmem:s20+$0xC430];
	v20 =	vmul.f32 v21, v2;
	v5 =	vadd.f32 v12, v5;
	v12 =	vmul.f32 v22, v2  }
0x52: {  	v61 =	vld [tilespmem:s20+$0xC440];
	v14 =	vmul.f32 v14, v2;
	v11 =	vadd.f32 v13, v11;
	v13 =	vmul.f32 v23, v2  }
0x53: {  	v8 =	vadd.f32 v20, v8;
	v20 =	vld [tilespmem:s20+$0xC460];
	v10 =	vadd.f32 v12, v10;
	v12 =	vmul.f32 v24, v2  }
0x54: {  	v23 =	vadd.f32 v13, v9;
	v9 =	vmul.f32 v15, v1;
	v13 =	vmul.f32 v16, v1;
	v15 =	vld [tilespmem:s20+$0x10410]  }
0x55: {  	v63 =	vadd.f32 v14, v5;
	v5 =	vmul.f32 v17, v1;
	v17 =	vld [tilespmem:s20+$0x10420];
	v16 =	vmul.f32 v18, v1  }
0x56: {  	v14 =	vld [tilespmem:s20+$0x10430];
	v18 =	vmul.f32 v62, v0;
	v25 =	vadd.f32 v9, v7;
	v7 =	vmul.f32 v19, v1  }
0x57: {  	v6 =	vadd.f32 v12, v6;
	v9 =	vadd.f32 v5, v8;
	v5 =	vmul.f32 v61, v1;
	v12 =	vld [tilespmem:s20+$0x10440]  }
0x58: {  	v11 =	vadd.f32 v13, v11;
	v13 =	vld [tilespmem:s20+$0x10450];
	v8 =	vadd.f32 v7, v10;
	v10 =	vmul.f32 v20, v1  }
0x59: {  	s21 =	simm.s32 $0x80;
	v7 =	vadd.f32 v5, v23;
	v5 =	vadd.f32 v16, v6;
	v16 =	vmul.f32 v15, v0;
	v15 =	vld [tilespmem:s20+$0x10460]  }
0x5a: {  	s22 =	simm.s32 $0x400;
	v18 =	vadd.f32 v18, v25;
	v17 =	vmul.f32 v17, v0;
	v6 =	vadd.f32 v10, v63;
	v10 =	vld [tilespmem:s21+$0x470]  }
.LBB2_2:
0x5b: {  	p0 =	sne.s32 s22, $0xFE00;
	v19 =	vld [tilespmem:s21+$0x4470];
	v11 =	vadd.f32 v16, v11;
	v14 =	vmul.f32 v14, v0  }
0x5c: {  	v16 =	vld [tilespmem:s21+$0x400];
	[tilespmem:s20+$0x14400] =	vst v18;
	v9 =	vadd.f32 v17, v9;
	v12 =	vmul.f32 v12, v0  }
0x5d: {  	v17 =	vld [tilespmem:s21+$0x8470];
	[tilespmem:s20+$0x14410] =	vst v11;
	v8 =	vadd.f32 v14, v8;
	v11 =	vmul.f32 v13, v0  }
0x5e: {  	v13 =	vld [tilespmem:s21+$0x4400];
	[tilespmem:s20+$0x14420] =	vst v9;
	v7 =	vadd.f32 v12, v7;
	v9 =	vmul.f32 v15, v0  }
0x5f: {  	v12 =	vld [tilespmem:s21+$0xC470];
	[tilespmem:s20+$0x14430] =	vst v8;
	v5 =	vadd.f32 v11, v5  }
0x60: {  	v10 =	vmul.f32 v10, v3;
	v8 =	vld [tilespmem:s21+$0x410];
	v11 =	vmul.f32 v19, v4;
	[tilespmem:s20+$0x14440] =	vst v7;
	v6 =	vadd.f32 v9, v6  }
0x61: {  	v7 =	vmul.f32 v16, v3;
	v9 =	vld [tilespmem:s21+$0x10470];
	[tilespmem:s20+$0x14450] =	vst v5  }
0x62: {  	v5 =	vld [tilespmem:s21+$0x4410];
	v10 =	vadd.f32 v11, v10;
	v11 =	vmul.f32 v17, v2;
	[tilespmem:s20+$0x14460] =	vst v6;
	s20 =	smov.u32 s21  }
0x63: {  	v6 =	vmul.f32 v13, v4;
	v13 =	vld [tilespmem:s20+$0x420]  }
0x64: {  	v14 =	vld [tilespmem:s20+$0x4420];
	v10 =	vadd.f32 v11, v10;
	v11 =	vmul.f32 v12, v1  }
0x65: {  	v6 =	vadd.f32 v6, v7;
	v7 =	vmul.f32 v8, v3;
	v8 =	vld [tilespmem:s20+$0x430]  }
0x66: {  	v12 =	vld [tilespmem:s20+$0x4430];
	v10 =	vadd.f32 v11, v10;
	v9 =	vmul.f32 v9, v0  }
0x67: {  	v5 =	vmul.f32 v5, v4;
	v11 =	vld [tilespmem:s20+$0x440]  }
0x68: {  	v13 =	vmul.f32 v13, v3;
	v15 =	vld [tilespmem:s20+$0x4440];
	v9 =	vadd.f32 v9, v10  }
0x69: {  	v5 =	vadd.f32 v5, v7;
	v7 =	vmul.f32 v14, v4;
	v10 =	vld [tilespmem:s20+$0x450]  }
0x6a: {  	v8 =	vmul.f32 v8, v3;
	v14 =	vld [tilespmem:s20+$0x4450];
	[tilespmem:s20+$0x14470] =	vst v9  }
0x6b: {  	v7 =	vadd.f32 v7, v13;
	v9 =	vmul.f32 v12, v4;
	v12 =	vld [tilespmem:s20+$0x460]  }
0x6c: {  	v11 =	vmul.f32 v11, v3;
	v13 =	vld [tilespmem:s20+$0x4460]  }
0x6d: {  	v16 =	vld [tilespmem:s20+$0x8400];
	v8 =	vadd.f32 v9, v8;
	v9 =	vmul.f32 v15, v4  }
0x6e: {  	v15 =	vld [tilespmem:s20+$0x8410];
	v10 =	vmul.f32 v10, v3  }
0x6f: {  	v17 =	vld [tilespmem:s20+$0x8420];
	v9 =	vadd.f32 v9, v11;
	v11 =	vmul.f32 v14, v4  }
0x70: {  	v14 =	vld [tilespmem:s20+$0x8430];
	v12 =	vmul.f32 v12, v3  }
0x71: {  	v18 =	vld [tilespmem:s20+$0x8440];
	v10 =	vadd.f32 v11, v10;
	v11 =	vmul.f32 v13, v4  }
0x72: {  	v13 =	vmul.f32 v16, v2;
	v16 =	vld [tilespmem:s20+$0x8450]  }
0x73: {  	v15 =	vmul.f32 v15, v2;
	v11 =	vadd.f32 v11, v12;
	v12 =	vld [tilespmem:s20+$0x8460]  }
0x74: {  	v6 =	vadd.f32 v13, v6;
	v13 =	vld [tilespmem:s20+$0xC400];
	v17 =	vmul.f32 v17, v2  }
0x75: {  	v5 =	vadd.f32 v15, v5;
	v15 =	vld [tilespmem:s20+$0xC410];
	v14 =	vmul.f32 v14, v2  }
0x76: {  	v7 =	vadd.f32 v17, v7;
	v17 =	vld [tilespmem:s20+$0xC420];
	v18 =	vmul.f32 v18, v2  }
0x77: {  	v8 =	vadd.f32 v14, v8;
	v14 =	vld [tilespmem:s20+$0xC430];
	v16 =	vmul.f32 v16, v2  }
0x78: {  	v18 =	vadd.f32 v18, v9;
	v19 =	vld [tilespmem:s20+$0xC440];
	v9 =	vmul.f32 v12, v2  }
0x79: {  	v12 =	vmul.f32 v13, v1;
	v10 =	vadd.f32 v16, v10;
	v13 =	vld [tilespmem:s20+$0xC450]  }
0x7a: {  	v15 =	vmul.f32 v15, v1;
	v20 =	vadd.f32 v9, v11;
	v16 =	vld [tilespmem:s20+$0xC460]  }
0x7b: {  	v21 =	vadd.f32 v12, v6;
	v6 =	vld [tilespmem:s20+$0x10400];
	v9 =	vmul.f32 v17, v1  }
0x7c: {  	v11 =	vadd.f32 v15, v5;
	v15 =	vld [tilespmem:s20+$0x10410];
	v5 =	vmul.f32 v14, v1  }
0x7d: {  	v9 =	vadd.f32 v9, v7;
	v17 =	vld [tilespmem:s20+$0x10420];
	v7 =	vmul.f32 v19, v1  }
.Ltmp0:
0x7e: {  	v8 =	vadd.f32 v5, v8;
	v14 =	vld [tilespmem:s20+$0x10430];
	v5 =	vmul.f32 v13, v1;
	(pc) =	sbr.rel @p0 .LBB2_2-.Ltmp0, $4  }
0x7f: {  	v7 =	vadd.f32 v7, v18;
	v12 =	vld [tilespmem:s20+$0x10440];
	v18 =	vmul.f32 v16, v1  }
0x80: {  	v19 =	vmul.f32 v6, v0;
	v5 =	vadd.f32 v5, v10;
	v13 =	vld [tilespmem:s20+$0x10450]  }
0x81: {  	s21 =	sshra.s32 s22, $0x2;
	v16 =	vmul.f32 v15, v0;
	v6 =	vadd.f32 v18, v20;
	v15 =	vld [tilespmem:s20+$0x10460]  }
0x82: {  	s22 =	sadd.s32 $0x200, s22;
	v10 =	vld [tilespmem:s21+$0x470];
	v18 =	vadd.f32 v19, v21;
	v17 =	vmul.f32 v17, v0  }
0x83: {  	v19 =	vld [tilespmem:s21+$0x4470];
	v11 =	vadd.f32 v16, v11;
	v14 =	vmul.f32 v14, v0  }
0x84: {  	v20 =	vld [tilespmem:s21+$0x400];
	[tilespmem:s20+$0x14400] =	vst v18;
	v9 =	vadd.f32 v17, v9;
	v12 =	vmul.f32 v12, v0  }
0x85: {  	v38 =	vld [tilespmem:s21+$0x8470];
	[tilespmem:s20+$0x14410] =	vst v11;
	v8 =	vadd.f32 v14, v8;
	v13 =	vmul.f32 v13, v0  }
0x86: {  	v11 =	vld [tilespmem:s21+$0x4400];
	[tilespmem:s20+$0x14420] =	vst v9;
	v7 =	vadd.f32 v12, v7;
	v39 =	vmul.f32 v15, v0  }
0x87: {  	v9 =	vld [tilespmem:s21+$0xC470];
	[tilespmem:s20+$0x14430] =	vst v8;
	v5 =	vadd.f32 v13, v5  }
0x88: {  	v8 =	vld [tilespmem:s21+$0x410];
	[tilespmem:s20+$0x14440] =	vst v7;
	v6 =	vadd.f32 v39, v6  }
0x89: {  	v7 =	vld [tilespmem:s21+$0x10470];
	[tilespmem:s20+$0x14450] =	vst v5  }
0x8a: {  	v42 =	vld [tilespmem:s21+$0x4410];
	[tilespmem:s20+$0x14460] =	vst v6  }
0x8b: {  	v44 =	vld [tilespmem:s21+$0x420]  }
0x8c: {  	v45 =	vld [tilespmem:s21+$0x4420]  }
0x8d: {  	v47 =	vld [tilespmem:s21+$0x430]  }
0x8e: {  	v48 =	vld [tilespmem:s21+$0x4430]  }
0x8f: {  	v50 =	vld [tilespmem:s21+$0x440]  }
0x90: {  	v51 =	vld [tilespmem:s21+$0x4440]  }
0x91: {  	v52 =	vld [tilespmem:s21+$0x450]  }
0x92: {  	v53 =	vld [tilespmem:s21+$0x4450]  }
0x93: {  	v54 =	vld [tilespmem:s21+$0x460]  }
0x94: {  	v55 =	vld [tilespmem:s21+$0x4460]  }
0x95: {  	v40 =	vmul.f32 v10, v3;
	v41 =	vmul.f32 v19, v4;
	v18 =	vld [tilespmem:s21+$0x8400]  }
0x96: {  	v20 =	vmul.f32 v20, v3;
	v43 =	vmul.f32 v38, v2;
	v56 =	vld [tilespmem:s21+$0x8410]  }
0x97: {  	v21 =	vld [tilespmem:s21+$0x8420];
	v11 =	vmul.f32 v11, v4;
	v46 =	vmul.f32 v9, v1  }
0x98: {  	v22 =	vld [tilespmem:s21+$0x8430];
	v8 =	vmul.f32 v8, v3;
	v49 =	vmul.f32 v7, v0  }
0x99: {  	v23 =	vld [tilespmem:s21+$0x8440];
	v12 =	vmul.f32 v42, v4;
	v10 =	vmul.f32 v44, v3  }
0x9a: {  	v24 =	vld [tilespmem:s21+$0x8450];
	v13 =	vmul.f32 v45, v4;
	v9 =	vmul.f32 v47, v3  }
0x9b: {  	v5 =	vadd.f32 v41, v40;
	v25 =	vld [tilespmem:s21+$0x8460];
	v58 =	vmul.f32 v48, v4;
	v7 =	vmul.f32 v50, v3  }
0x9c: {  	v57 =	vld [tilespmem:s21+$0xC400];
	v60 =	vmul.f32 v51, v4;
	v6 =	vmul.f32 v52, v3  }
0x9d: {  	v59 =	vld [tilespmem:s21+$0xC410];
	v5 =	vadd.f32 v43, v5;
	v62 =	vmul.f32 v53, v4;
	v26 =	vmul.f32 v54, v3  }
0x9e: {  	v61 =	vld [tilespmem:s21+$0xC420];
	v27 =	vmul.f32 v55, v4;
	v29 =	vmul.f32 v18, v2  }
0x9f: {  	v63 =	vld [tilespmem:s21+$0xC430];
	v5 =	vadd.f32 v46, v5;
	v30 =	vmul.f32 v56, v2;
	v32 =	vmul.f32 v21, v2  }
0xa0: {  	v36 =	vld [tilespmem:s21+$0x10400];
	v11 =	vadd.f32 v11, v20;
	v33 =	vmul.f32 v22, v2;
	v35 =	vmul.f32 v23, v2  }
0xa1: {  	v38 =	vld [tilespmem:s21+$0x10410];
	v5 =	vadd.f32 v49, v5;
	v37 =	vmul.f32 v24, v2;
	v39 =	vmul.f32 v25, v2  }
0xa2: {  	v31 =	vld [tilespmem:s21+$0xC450];
	v40 =	vmul.f32 v57, v1;
	v42 =	vmul.f32 v59, v1;
	v8 =	vadd.f32 v12, v8  }
0xa3: {  	v41 =	vld [tilespmem:s21+$0x10420];
	v43 =	vmul.f32 v61, v1;
	v10 =	vadd.f32 v13, v10;
	v9 =	vadd.f32 v58, v9  }
0xa4: {  	v34 =	vld [tilespmem:s21+$0xC460];
	v46 =	vmul.f32 v63, v1;
	v7 =	vadd.f32 v60, v7;
	v6 =	vadd.f32 v62, v6  }
0xa5: {  	v28 =	vld [tilespmem:s21+$0xC440];
	v48 =	vmul.f32 v36, v0;
	v3 =	vadd.f32 v27, v26;
	v11 =	vadd.f32 v29, v11  }
0xa6: {  	v44 =	vld [tilespmem:s21+$0x10430];
	v50 =	vmul.f32 v38, v0;
	v8 =	vadd.f32 v30, v8;
	v4 =	vadd.f32 v32, v10  }
0xa7: {  	v47 =	vld [tilespmem:s21+$0x10440];
	v52 =	vmul.f32 v31, v1;
	v9 =	vadd.f32 v33, v9;
	v7 =	vadd.f32 v35, v7  }
0xa8: {  	v49 =	vld [tilespmem:s21+$0x10450];
	v53 =	vmul.f32 v41, v0;
	v6 =	vadd.f32 v37, v6;
	v45 =	vadd.f32 v40, v11  }
0xa9: {  	v51 =	vld [tilespmem:s21+$0x10460];
	v56 =	vmul.f32 v34, v1;
	v2 =	vadd.f32 v39, v3;
	v8 =	vadd.f32 v42, v8  }
0xaa: {  	[tilespmem:s21+$0x14470] =	vst v5;
	v5 =	vmul.f32 v28, v1;
	v4 =	vadd.f32 v43, v4;
	v3 =	vadd.f32 v48, v45  }
0xab: {  	v55 =	vmul.f32 v44, v0;
	v9 =	vadd.f32 v46, v9;
	v54 =	vadd.f32 v50, v8  }
0xac: {  	v58 =	vmul.f32 v47, v0;
	v5 =	vadd.f32 v5, v7;
	[tilespmem:s21+$0x14400] =	vst v3;
	v57 =	vadd.f32 v53, v4  }
0xad: {  	v60 =	vmul.f32 v49, v0;
	v6 =	vadd.f32 v52, v6;
	v59 =	vadd.f32 v55, v9;
	[tilespmem:s21+$0x14410] =	vst v54  }
0xae: {  	v62 =	vmul.f32 v51, v0;
	v1 =	vadd.f32 v56, v2;
	v61 =	vadd.f32 v58, v5;
	[tilespmem:s21+$0x14420] =	vst v57  }
0xaf: {  	v63 =	vadd.f32 v60, v6;
	[tilespmem:s21+$0x14430] =	vst v59  }
0xb0: {  	s19 =	sadd.s32 $0x1, s19;
	v0 =	vadd.f32 v62, v1;
	[tilespmem:s21+$0x14440] =	vst v61  }
0xb1: {  	p0 =	sne.s32 s19, s11;
	[tilespmem:s21+$0x14450] =	vst v63  }
.Ltmp1:
0xb2: {  	[tilespmem:s21+$0x14460] =	vst v0;
	(pc) =	sbr.rel @p0 .LBB2_1-.Ltmp1, $4  }
0xb3: {  	[hbm4b:s10+s2] =	stream.linear.scatter [tilespmem:s18], [sflag:$0x2], $0x4000, $0x38;
	[tilespmem:$0x18400] =	vst v63  }
0xb4: {  	_ =	swait.ge [sflag:s12], $0x4000  }
0xb5: {  	[sflag:s12] =	ssyncset.done $0x0  }
0xb6: {  	[sflag:s12] =	ssyncadd.s32 $0xFFFFC000  }
0xb7: {  	_ =	sfence.sel $0x180000  }
0xb8: {  	[bflag:$0x0] =	sbarrier.arrive $0xFFFF  }
0xb9: {  	p0 =	sne.s32 s0, $0x0;
	_ =	strace $0x90000047  }
0xba: {  	s0 =	sadd.s32 @!p0 $0x100000, s1;
	[bflag:$0x2] =	sbarrier.arrive $0xFFFF  }
0xbb: {  	[sflag:s0] =	ssyncadd.tile.s32 @!p0 $0x1;
	_ =	shalt  }
.Lfunc_end2:
_tile_overlayer_lowered:
.L_overlay_start_2:
0xbc: {  	(tag) =	ssettag $0x2  }
0xbd: {  	s0 =	rddreg [dreg:$0x0];
	s2 =	stileid.u32  }
0xbe: {  	s1 =	rddreg [dreg:$0x1];
	p0 =	sne.s32 s2, $0x0  }
0xbf: {  	s3 =	rddreg [dreg:$0x2];
	[bflag:$0x3] =	sbarrier.arrive $0xFFFF;
	s2 =	simm.s32 @!p0 $0x1C02  }
0xc0: {  	[timem:s3], [sflag:s2] =	dma.local @!p0 [hbm:s0], s1  }
0xc1: {  	s0 =	simm.s32 @!p0 $0x2  }
0xc2: {  	_ =	swait.ge @!p0 [sflag:s0], s1  }
0xc3: {  	s1 =	ssub.s32 @!p0 $0x0, s1;
	[sflag:s0] =	ssyncset.done @!p0 $0x0  }
0xc4: {  	[sflag:s0] =	ssyncadd.s32 @!p0 s1  }
0xc5: {  	[bflag:$0x3] =	sbarrier.arrive $0xFFFF  }
0xc6: {  	_ =	shalt  }

</sc_bundles>
